<compile_context>
chip_gen: v7x
topology: tpu7x:2x2x1
jax: 0.10.2.dev20260603
libtpu: 0.0.44.dev20260713+nightly
codegen_flags: <defaults>
</compile_context>

<pallas_src>
import jax
import jax.numpy as jnp
from jax import lax
from jax.experimental import pallas as pl
from jax.experimental.pallas import tpu as pltpu
from jax.experimental.pallas import tpu_sc as plsc

N = 10000
E = 160000
D = 256
H = 128

NS = 16
EPT = E // NS
CH = 80
NCH = EPT // CH
CC = 128
CCS = 7
CR = EPT // CC + 2
CAP = CR * CC

NP = 2
PR = N // NP
PRP = PR + 8
TRASH = PR

Z632 = 632
Z520 = N - 15 * Z632
ZA = 320
ZB = PRP - 15 * ZA


def _mesh():
    return plsc.VectorSubcoreMesh(core_axis_name="c", subcore_axis_name="s")


def _deg_body(src3d, dst3d, zcol, ones_h, deg_out, deg_in,
              idx_v, ones_v, zv, hist_sh):
    c = lax.axis_index("c")
    s = lax.axis_index("s")

    pltpu.sync_copy(zcol, zv)

    @pl.when(s < 15)
    def _():
        pltpu.sync_copy(zv, hist_sh.at[pl.ds(s * Z632, Z632)])

    @pl.when(s == 15)
    def _():
        pltpu.sync_copy(zv.at[pl.ds(0, Z520)],
                        hist_sh.at[pl.ds(15 * Z632, Z520)])

    pltpu.sync_copy(ones_h, ones_v)

    @pl.when(c == 0)
    def _():
        pltpu.sync_copy(src3d.at[s], idx_v)

    @pl.when(c == 1)
    def _():
        pltpu.sync_copy(dst3d.at[s], idx_v)

    plsc.subcore_barrier()

    def body(j, _):
        pltpu.sync_copy(ones_v.at[pl.ds(0, CH)],
                        hist_sh.at[idx_v.at[j]], add=True)
        return 0

    lax.fori_loop(0, NCH, body, 0)
    plsc.subcore_barrier()

    def copy_out(out_ref):
        @pl.when(s < 15)
        def _():
            pltpu.sync_copy(hist_sh.at[pl.ds(s * Z632, Z632)], zv)
            pltpu.sync_copy(zv, out_ref.at[pl.ds(s * Z632, Z632)])

        @pl.when(s == 15)
        def _():
            pltpu.sync_copy(hist_sh.at[pl.ds(15 * Z632, Z520)],
                            zv.at[pl.ds(0, Z520)])
            pltpu.sync_copy(zv.at[pl.ds(0, Z520)],
                            out_ref.at[pl.ds(15 * Z632, Z520)])

    @pl.when(c == 0)
    def _():
        copy_out(deg_out)

    @pl.when(c == 1)
    def _():
        copy_out(deg_in)


def _make_deg_kernel():
    return pl.kernel(
        _deg_body,
        out_type=[jax.ShapeDtypeStruct((N,), jnp.float32),
                  jax.ShapeDtypeStruct((N,), jnp.float32)],
        mesh=_mesh(),
        scratch_types=[
            pltpu.VMEM((NCH, CH), jnp.int32),
            pltpu.VMEM((128,), jnp.float32),
            pltpu.VMEM((Z632,), jnp.float32),
            pltpu.VMEM_SHARED((N,), jnp.float32),
        ],
    )


def _agg_body(src3d, dst3d, g0, g1, zrows, trash2d, agg0, agg1,
              sidx, didx, csrc, cdst, bufa, bufb, sema, semb, agg_sh):
    c = lax.axis_index("c")
    s = lax.axis_index("s")

    pltpu.sync_copy(src3d.at[s], sidx)
    pltpu.sync_copy(dst3d.at[s], didx)

    pltpu.sync_copy(trash2d, cdst)
    pltpu.sync_copy(trash2d, csrc)

    lanes = lax.iota(jnp.int32, 16)

    def rowcol(pos):
        return [lax.shift_right_logical(pos, CCS),
                lax.bitwise_and(pos, CC - 1)]

    def comp(j, carry):
        cnt0, cnt1 = carry
        for k in range(CH // 16):
            d = didx[j, pl.ds(k * 16, 16)]
            v = sidx[j, pl.ds(k * 16, 16)]
            ok0 = d < PR
            ok1 = jnp.logical_not(ok0)
            pre0 = plsc.cumsum(ok0.astype(jnp.int32))
            pre1 = (lanes + 1) - pre0
            pos0 = cnt0 + pre0 - 1
            pos1 = CAP - (cnt1 + pre1)
            plsc.store_scatter(cdst, rowcol(pos0), d, mask=ok0)
            plsc.store_scatter(csrc, rowcol(pos0), v, mask=ok0)
            plsc.store_scatter(cdst, rowcol(pos1), d - PR, mask=ok1)
            plsc.store_scatter(csrc, rowcol(pos1), v, mask=ok1)
            pop0 = plsc.all_reduce_population_count(ok0)
            cnt0 = cnt0 + pop0
            cnt1 = cnt1 + (16 - pop0)
        return cnt0, cnt1

    cnt0, cnt1 = lax.fori_loop(
        0, NCH, comp,
        (jnp.zeros((16,), jnp.int32), jnp.zeros((16,), jnp.int32)))
    trips_by_pass = (
        lax.shift_right_logical(jnp.max(cnt0) + CC - 1, CCS),
        lax.shift_right_logical(jnp.max(cnt1) + CC - 1, CCS))

    for p in range(NP):
        lo = p * PR
        trips = trips_by_pass[p]

        if p == 0:
            def rowmap(j):
                return j
        else:
            def rowmap(j):
                return CR - 1 - j

        @pl.when(s < 15)
        def _():
            pltpu.sync_copy(zrows, agg_sh.at[pl.ds(s * ZA, ZA)])

        @pl.when(s == 15)
        def _():
            pltpu.sync_copy(zrows.at[pl.ds(0, ZB)],
                            agg_sh.at[pl.ds(15 * ZA, ZB)])

        plsc.subcore_barrier()

        def stream_pass(g_ref):
            def gather_start(j, buf, sem):
                pltpu.async_copy(g_ref.at[csrc.at[rowmap(j)]], buf, sem)

            def gather_wait(j, buf, sem):
                pltpu.make_async_copy(g_ref.at[csrc.at[rowmap(j)]],
                                      buf, sem).wait()

            def scatter_add(j, buf):
                pltpu.sync_copy(buf, agg_sh.at[cdst.at[rowmap(j)]], add=True)

            @pl.when(trips > 0)
            def _():
                gather_start(0, bufa, sema)

            def body(it, _):
                @pl.when(it % 2 == 0)
                def _():
                    gather_wait(it, bufa, sema)

                    @pl.when(it + 1 < trips)
                    def _():
                        gather_start(it + 1, bufb, semb)

                    scatter_add(it, bufa)

                @pl.when(it % 2 == 1)
                def _():
                    gather_wait(it, bufb, semb)

                    @pl.when(it + 1 < trips)
                    def _():
                        gather_start(it + 1, bufa, sema)

                    scatter_add(it, bufb)

                return 0

            lax.fori_loop(0, trips, body, 0)

        @pl.when(c == 0)
        def _():
            stream_pass(g0)

        @pl.when(c == 1)
        def _():
            stream_pass(g1)

        plsc.subcore_barrier()

        def copy_out(out_ref):
            @pl.when(s < 15)
            def _():
                pltpu.sync_copy(agg_sh.at[pl.ds(s * ZA, ZA)],
                                out_ref.at[pl.ds(lo + s * ZA, ZA)])

            @pl.when(s == 15)
            def _():
                rem = PR - 15 * ZA
                pltpu.sync_copy(agg_sh.at[pl.ds(15 * ZA, rem)],
                                out_ref.at[pl.ds(lo + 15 * ZA, rem)])

        @pl.when(c == 0)
        def _():
            copy_out(agg0)

        @pl.when(c == 1)
        def _():
            copy_out(agg1)

        plsc.subcore_barrier()


def _make_agg_kernel():
    return pl.kernel(
        _agg_body,
        out_type=[jax.ShapeDtypeStruct((N, H), jnp.float32),
                  jax.ShapeDtypeStruct((N, H), jnp.float32)],
        name="agg_scatter",
        mesh=_mesh(),
        compiler_params=pltpu.CompilerParams(needs_layout_passes=False),
        scratch_types=[
            pltpu.VMEM((NCH, CH), jnp.int32),
            pltpu.VMEM((NCH, CH), jnp.int32),
            pltpu.VMEM((CR, CC), jnp.int32),
            pltpu.VMEM((CR, CC), jnp.int32),
            pltpu.VMEM((CC, H), jnp.float32),
            pltpu.VMEM((CC, H), jnp.float32),
            pltpu.SemaphoreType.DMA,
            pltpu.SemaphoreType.DMA,
            pltpu.VMEM_SHARED((PRP, H), jnp.float32),
        ],
    )


def _norm_body(feats_ref, dego_ref, degi_ref, g0_ref, g1_ref, nin_ref):
    no = lax.rsqrt(jnp.maximum(dego_ref[...], 1.0))
    g = feats_ref[...] * no
    g0_ref[...] = g[:, :H]
    g1_ref[...] = g[:, H:]
    nin_ref[...] = lax.rsqrt(jnp.maximum(degi_ref[...], 1.0))


def _norm_call(feats, dego, degi):
    nb = 10
    rb = N // nb
    return pl.pallas_call(
        _norm_body,
        grid=(nb,),
        in_specs=[
            pl.BlockSpec((rb, D), lambda i: (i, 0)),
            pl.BlockSpec((rb, 1), lambda i: (i, 0)),
            pl.BlockSpec((rb, 1), lambda i: (i, 0)),
        ],
        out_specs=[
            pl.BlockSpec((rb, H), lambda i: (i, 0)),
            pl.BlockSpec((rb, H), lambda i: (i, 0)),
            pl.BlockSpec((rb, 1), lambda i: (i, 0)),
        ],
        out_shape=[jax.ShapeDtypeStruct((N, H), jnp.float32),
                   jax.ShapeDtypeStruct((N, H), jnp.float32),
                   jax.ShapeDtypeStruct((N, 1), jnp.float32)],
    )(feats, dego, degi)


def _mm_body(a0_ref, a1_ref, nin_ref, w_ref, b_ref, o_ref):
    w = w_ref[...]
    acc = jnp.dot(a0_ref[...], w[:H, :], preferred_element_type=jnp.float32)
    acc = acc + jnp.dot(a1_ref[...], w[H:, :],
                        preferred_element_type=jnp.float32)
    o_ref[...] = acc * nin_ref[...] + b_ref[...]


def _mm_call(agg0, agg1, nin, W, b2):
    nb = 10
    rb = N // nb
    return pl.pallas_call(
        _mm_body,
        grid=(nb,),
        in_specs=[
            pl.BlockSpec((rb, H), lambda i: (i, 0)),
            pl.BlockSpec((rb, H), lambda i: (i, 0)),
            pl.BlockSpec((rb, 1), lambda i: (i, 0)),
            pl.BlockSpec((D, D), lambda i: (0, 0)),
            pl.BlockSpec((1, D), lambda i: (0, 0)),
        ],
        out_specs=pl.BlockSpec((rb, D), lambda i: (i, 0)),
        out_shape=jax.ShapeDtypeStruct((N, D), jnp.float32),
    )(agg0, agg1, nin, W, b2)


@jax.jit
def _run(feats, edge_index, W, b):
    src3d = edge_index[0].astype(jnp.int32).reshape(NS, NCH, CH)
    dst3d = edge_index[1].astype(jnp.int32).reshape(NS, NCH, CH)
    zcol = jnp.zeros((Z632,), jnp.float32)
    ones_h = jnp.ones((128,), jnp.float32)
    zrows = jnp.zeros((ZA, H), jnp.float32)
    trash2d = jnp.full((CR, CC), TRASH, jnp.int32)

    deg_out, deg_in = _make_deg_kernel()(src3d, dst3d, zcol, ones_h)
    g0, g1, nin = _norm_call(feats, deg_out.reshape(N, 1),
                             deg_in.reshape(N, 1))
    agg0, agg1 = _make_agg_kernel()(src3d, dst3d, g0, g1, zrows, trash2d)
    return _mm_call(agg0, agg1, nin, W, b.reshape(1, D))


def kernel(feats, edge_index, layer, W, b):
    return _run(feats, edge_index, W, b)

# --- scband reference (transcript-rebuilt; emitter-appended) ---
"""Pipeline reference for scband-dist-gcnconv-74929999446101 (READ-ONLY COPY).

The authoritative reference and input builder live on the scoring server;
editing this copy changes nothing except your own understanding.
"""

import jax, jax.numpy as jnp
import numpy as np

N_NODES = 10000
N_EDGES = 160000
D_IN = 256
D_OUT = 256


def setup_inputs(seed: int = 0) -> dict:
    key = jax.random.key(seed)
    k1, k2, k3 = jax.random.split(key, 3)
    feats = jax.random.normal(k1, (N_NODES, D_IN), dtype=jnp.float32)
    edge_index = jax.random.randint(k2, (2, N_EDGES), 0, N_NODES, dtype=jnp.int64)
    # xavier_uniform_ for weight [in_feats, out_feats]
    limit = float(np.sqrt(6.0 / (D_IN + D_OUT)))
    W = jax.random.uniform(k3, (D_IN, D_OUT), dtype=jnp.float32, minval=-limit, maxval=limit)
    b = jnp.zeros((D_OUT,), dtype=jnp.float32)
    return {"feats": feats, "edge_index": edge_index, "layer": 0, "W": W, "b": b}


def reference(feats, edge_index, layer, W, b):
    # distAggConv: 1-hop GCN aggregation with symmetric ("both") normalization,
    # i.e. rst = D_in^{-1/2} A D_out^{-1/2} X, implemented with gather + scatter-add.
    src = edge_index[0]
    dst = edge_index[1]
    n = feats.shape[0]
    ones = jnp.ones((src.shape[0],), dtype=feats.dtype)
    deg_out = jnp.zeros((n,), dtype=feats.dtype).at[src].add(ones)
    deg_in = jnp.zeros((n,), dtype=feats.dtype).at[dst].add(ones)
    norm_out = jax.lax.rsqrt(jnp.clip(deg_out, 1.0, None))
    norm_in = jax.lax.rsqrt(jnp.clip(deg_in, 1.0, None))
    # normalize source features, gather along edges, scatter-add into dst
    h = feats * norm_out[:, None]
    msgs = jnp.take(h, src, axis=0)
    agg = jnp.zeros((n, feats.shape[1]), dtype=feats.dtype).at[dst].add(msgs)
    rst = agg * norm_in[:, None]
    # weight is not None -> matmul; bias is not None -> add; activation is None
    rst = jnp.matmul(rst, W)
    rst = rst + b
    return rst

if __name__ == "__main__":
    import jax
    _d = setup_inputs()
    print(jax.jit(kernel)(*tuple(_d.values())))

</pallas_src>

<mosaic_0001>
#map = affine_map<(d0, d1) -> (0, 0, 0)>
#map1 = affine_map<(d0, d1) -> (0, 0)>
module attributes {stable_mosaic.version = 14 : i64} {
  func.func @agg_scatter(%arg0: i32, %arg1: i32, %arg2: memref<16x125x80xi32, #tpu.memory_space<hbm>>, %arg3: memref<16x125x80xi32, #tpu.memory_space<hbm>>, %arg4: memref<10000x128xf32, #tpu.memory_space<hbm>>, %arg5: memref<10000x128xf32, #tpu.memory_space<hbm>>, %arg6: memref<320x128xf32, #tpu.memory_space<hbm>>, %arg7: memref<80x128xi32, #tpu.memory_space<hbm>>, %arg8: memref<10000x128xf32, #tpu.memory_space<hbm>>, %arg9: memref<10000x128xf32, #tpu.memory_space<hbm>>, %arg10: memref<125x80xi32, #tpu.memory_space<vmem>>, %arg11: memref<125x80xi32, #tpu.memory_space<vmem>>, %arg12: memref<80x128xi32, #tpu.memory_space<vmem>>, %arg13: memref<80x128xi32, #tpu.memory_space<vmem>>, %arg14: memref<128x128xf32, #tpu.memory_space<vmem>>, %arg15: memref<128x128xf32, #tpu.memory_space<vmem>>, %arg16: memref<!tpu.dma_semaphore, #tpu.memory_space<semaphore_mem>>, %arg17: memref<!tpu.dma_semaphore, #tpu.memory_space<semaphore_mem>>, %arg18: memref<5008x128xf32, #tpu.memory_space<vmem_shared>>) attributes {dimension_semantics = [#tpu.dimension_semantics<core_parallel>, #tpu.dimension_semantics<subcore_parallel>], iteration_bounds = array<i64: 2, 16>, scalar_prefetch = 0 : i64, scratch_operands = 9 : i64, tpu.core_type = #tpu.core_type<sc_vector_subcore>, window_params = [{transform_indices = #map}, {transform_indices = #map}, {transform_indices = #map1}, {transform_indices = #map1}, {transform_indices = #map1}, {transform_indices = #map1}, {transform_indices = #map1}, {transform_indices = #map1}]} {
    "tpu.region"() ({
      %run_scoped3A = tpu.sem_alloc : memref<!tpu.dma_semaphore, #tpu.memory_space<semaphore_mem>>
      %dma_start3A = arith.constant 0 : i32
      %dma_start3A_93 = arith.constant 0 : i32
      %dma_start3A_94 = tpu.memref_slice %arg2[%arg1, %dma_start3A, %dma_start3A_93] : memref<16x125x80xi32, #tpu.memory_space<hbm>> -> memref<1x125x80xi32, #tpu.memory_space<hbm>>
      %dma_start3A_95 = tpu.memref_squeeze %dma_start3A_94 : memref<1x125x80xi32, #tpu.memory_space<hbm>> -> memref<125x80xi32, #tpu.memory_space<hbm>>
      %dma_start3A_96 = arith.constant 0 : i32
      %dma_start3A_97 = arith.constant 0 : i32
      %dma_start3A_98 = tpu.memref_slice %arg2[%arg1, %dma_start3A_96, %dma_start3A_97] : memref<16x125x80xi32, #tpu.memory_space<hbm>> -> memref<1x125x80xi32, #tpu.memory_space<hbm>>
      %dma_start3A_99 = tpu.memref_squeeze %dma_start3A_98 : memref<1x125x80xi32, #tpu.memory_space<hbm>> -> memref<125x80xi32, #tpu.memory_space<hbm>>
      tpu.enqueue_dma source(%dma_start3A_99 : memref<125x80xi32, #tpu.memory_space<hbm>>) target(%arg10 : memref<125x80xi32, #tpu.memory_space<vmem>>) target_semaphore(%run_scoped3A : memref<!tpu.dma_semaphore, #tpu.memory_space<semaphore_mem>>)
      %dma_wait3A = arith.constant 0 : i32
      %dma_wait3A_100 = arith.constant 0 : i32
      %dma_wait3A_101 = tpu.memref_slice %arg2[%arg1, %dma_wait3A, %dma_wait3A_100] : memref<16x125x80xi32, #tpu.memory_space<hbm>> -> memref<1x125x80xi32, #tpu.memory_space<hbm>>
      %dma_wait3A_102 = tpu.memref_squeeze %dma_wait3A_101 : memref<1x125x80xi32, #tpu.memory_space<hbm>> -> memref<125x80xi32, #tpu.memory_space<hbm>>
      %dma_wait3A_103 = arith.constant 0 : i32
      %dma_wait3A_104 = arith.constant 0 : i32
      %dma_wait3A_105 = tpu.memref_slice %arg2[%arg1, %dma_wait3A_103, %dma_wait3A_104] : memref<16x125x80xi32, #tpu.memory_space<hbm>> -> memref<1x125x80xi32, #tpu.memory_space<hbm>>
      %dma_wait3A_106 = tpu.memref_squeeze %dma_wait3A_105 : memref<1x125x80xi32, #tpu.memory_space<hbm>> -> memref<125x80xi32, #tpu.memory_space<hbm>>
      tpu.wait_dma2 semaphore(%run_scoped3A : memref<!tpu.dma_semaphore, #tpu.memory_space<semaphore_mem>>) src(%dma_wait3A_106 : memref<125x80xi32, #tpu.memory_space<hbm>>) dst(%arg10 : memref<125x80xi32, #tpu.memory_space<vmem>>)
      tpu.yield
    }) : () -> ()
    "tpu.region"() ({
      %run_scoped3A = tpu.sem_alloc : memref<!tpu.dma_semaphore, #tpu.memory_space<semaphore_mem>>
      %dma_start3A = arith.constant 0 : i32
      %dma_start3A_93 = arith.constant 0 : i32
      %dma_start3A_94 = tpu.memref_slice %arg3[%arg1, %dma_start3A, %dma_start3A_93] : memref<16x125x80xi32, #tpu.memory_space<hbm>> -> memref<1x125x80xi32, #tpu.memory_space<hbm>>
      %dma_start3A_95 = tpu.memref_squeeze %dma_start3A_94 : memref<1x125x80xi32, #tpu.memory_space<hbm>> -> memref<125x80xi32, #tpu.memory_space<hbm>>
      %dma_start3A_96 = arith.constant 0 : i32
      %dma_start3A_97 = arith.constant 0 : i32
      %dma_start3A_98 = tpu.memref_slice %arg3[%arg1, %dma_start3A_96, %dma_start3A_97] : memref<16x125x80xi32, #tpu.memory_space<hbm>> -> memref<1x125x80xi32, #tpu.memory_space<hbm>>
      %dma_start3A_99 = tpu.memref_squeeze %dma_start3A_98 : memref<1x125x80xi32, #tpu.memory_space<hbm>> -> memref<125x80xi32, #tpu.memory_space<hbm>>
      tpu.enqueue_dma source(%dma_start3A_99 : memref<125x80xi32, #tpu.memory_space<hbm>>) target(%arg11 : memref<125x80xi32, #tpu.memory_space<vmem>>) target_semaphore(%run_scoped3A : memref<!tpu.dma_semaphore, #tpu.memory_space<semaphore_mem>>)
      %dma_wait3A = arith.constant 0 : i32
      %dma_wait3A_100 = arith.constant 0 : i32
      %dma_wait3A_101 = tpu.memref_slice %arg3[%arg1, %dma_wait3A, %dma_wait3A_100] : memref<16x125x80xi32, #tpu.memory_space<hbm>> -> memref<1x125x80xi32, #tpu.memory_space<hbm>>
      %dma_wait3A_102 = tpu.memref_squeeze %dma_wait3A_101 : memref<1x125x80xi32, #tpu.memory_space<hbm>> -> memref<125x80xi32, #tpu.memory_space<hbm>>
      %dma_wait3A_103 = arith.constant 0 : i32
      %dma_wait3A_104 = arith.constant 0 : i32
      %dma_wait3A_105 = tpu.memref_slice %arg3[%arg1, %dma_wait3A_103, %dma_wait3A_104] : memref<16x125x80xi32, #tpu.memory_space<hbm>> -> memref<1x125x80xi32, #tpu.memory_space<hbm>>
      %dma_wait3A_106 = tpu.memref_squeeze %dma_wait3A_105 : memref<1x125x80xi32, #tpu.memory_space<hbm>> -> memref<125x80xi32, #tpu.memory_space<hbm>>
      tpu.wait_dma2 semaphore(%run_scoped3A : memref<!tpu.dma_semaphore, #tpu.memory_space<semaphore_mem>>) src(%dma_wait3A_106 : memref<125x80xi32, #tpu.memory_space<hbm>>) dst(%arg11 : memref<125x80xi32, #tpu.memory_space<vmem>>)
      tpu.yield
    }) : () -> ()
    "tpu.region"() ({
      %run_scoped3A = tpu.sem_alloc : memref<!tpu.dma_semaphore, #tpu.memory_space<semaphore_mem>>
      tpu.enqueue_dma source(%arg7 : memref<80x128xi32, #tpu.memory_space<hbm>>) target(%arg13 : memref<80x128xi32, #tpu.memory_space<vmem>>) target_semaphore(%run_scoped3A : memref<!tpu.dma_semaphore, #tpu.memory_space<semaphore_mem>>)
      tpu.wait_dma2 semaphore(%run_scoped3A : memref<!tpu.dma_semaphore, #tpu.memory_space<semaphore_mem>>) src(%arg7 : memref<80x128xi32, #tpu.memory_space<hbm>>) dst(%arg13 : memref<80x128xi32, #tpu.memory_space<vmem>>)
      tpu.yield
    }) : () -> ()
    "tpu.region"() ({
      %run_scoped3A = tpu.sem_alloc : memref<!tpu.dma_semaphore, #tpu.memory_space<semaphore_mem>>
      tpu.enqueue_dma source(%arg7 : memref<80x128xi32, #tpu.memory_space<hbm>>) target(%arg12 : memref<80x128xi32, #tpu.memory_space<vmem>>) target_semaphore(%run_scoped3A : memref<!tpu.dma_semaphore, #tpu.memory_space<semaphore_mem>>)
      tpu.wait_dma2 semaphore(%run_scoped3A : memref<!tpu.dma_semaphore, #tpu.memory_space<semaphore_mem>>) src(%arg7 : memref<80x128xi32, #tpu.memory_space<hbm>>) dst(%arg12 : memref<80x128xi32, #tpu.memory_space<vmem>>)
      tpu.yield
    }) : () -> ()
    %iota3A = tpu.iota {dimensions = array<i32: 0>} : vector<16xi32>
    %broadcast_in_dim3A = arith.constant 0 : i32
    %broadcast_in_dim3A_0 = vector.broadcast %broadcast_in_dim3A : i32 to vector<16xi32>
    %broadcast_in_dim3A_1 = arith.constant 0 : i32
    %broadcast_in_dim3A_2 = vector.broadcast %broadcast_in_dim3A_1 : i32 to vector<16xi32>
    %scan3A = arith.constant 0 : i32
    %scan3A_3 = arith.constant 125 : i32
    %scan3A_4 = arith.addi %scan3A, %scan3A_3 : i32
    %scan3A_5 = arith.constant 1 : i32
    %scan3A_6:2 = scf.for %scan3A_93 = %scan3A to %scan3A_4 step %scan3A_5 iter_args(%scan3A_94 = %broadcast_in_dim3A_0, %scan3A_95 = %broadcast_in_dim3A_2) -> (vector<16xi32>, vector<16xi32>)  : i32 {
      %get3A = arith.index_cast %scan3A_93 : i32 to index
      %get3A_96 = arith.constant 0 : index
      %get3A_97 = tpu.vector_load %arg11[%get3A, %get3A_96] {strides = array<i32>} : memref<125x80xi32, #tpu.memory_space<vmem>>, vector<16xi32>,
      %get3A_98 = arith.index_cast %scan3A_93 : i32 to index
      %get3A_99 = arith.constant 0 : index
      %get3A_100 = tpu.vector_load %arg10[%get3A_98, %get3A_99] {strides = array<i32>} : memref<125x80xi32, #tpu.memory_space<vmem>>, vector<16xi32>,
      %lt3A_101 = arith.constant 5000 : i32
      %lt3A_102 = vector.broadcast %lt3A_101 : i32 to vector<16xi32>
      %lt3A_103 = arith.cmpi slt, %get3A_97, %lt3A_102 : vector<16xi32>
      %not3A = arith.constant dense<true> : vector<16xi1>
      %not3A_104 = arith.xori %lt3A_103, %not3A : vector<16xi1>
      %convert_element_type3A_105 = arith.extui %lt3A_103 : vector<16xi1> to vector<16xi32>
      %broadcast_in_dim3A_106 = arith.constant true
      %broadcast_in_dim3A_107 = vector.broadcast %broadcast_in_dim3A_106 : i1 to vector<16xi1>
      %masked_cumsum3A = tpu.scan <sum>, %convert_element_type3A_105 masked %broadcast_in_dim3A_107 : vector<16xi32>, vector<16xi1> -> vector<16xi32>
      %add3A_108 = arith.constant 1 : i32
      %add3A_109 = vector.broadcast %add3A_108 : i32 to vector<16xi32>
      %add3A_110 = arith.addi %iota3A, %add3A_109 : vector<16xi32>
      %sub3A_111 = arith.subi %add3A_110, %masked_cumsum3A : vector<16xi32>
      %add3A_112 = arith.addi %scan3A_94, %masked_cumsum3A : vector<16xi32>
      %sub3A_113 = arith.constant 1 : i32
      %sub3A_114 = vector.broadcast %sub3A_113 : i32 to vector<16xi32>
      %sub3A_115 = arith.subi %add3A_112, %sub3A_114 : vector<16xi32>
      %add3A_116 = arith.addi %scan3A_95, %sub3A_111 : vector<16xi32>
      %sub3A_117 = arith.constant 10240 : i32
      %sub3A_118 = vector.broadcast %sub3A_117 : i32 to vector<16xi32>
      %sub3A_119 = arith.subi %sub3A_118, %add3A_116 : vector<16xi32>
      %shift_right_logical3A_120 = arith.constant 7 : i32
      %shift_right_logical3A_121 = vector.broadcast %shift_right_logical3A_120 : i32 to vector<16xi32>
      %shift_right_logical3A_122 = arith.shrui %sub3A_115, %shift_right_logical3A_121 : vector<16xi32>
      %and3A = arith.constant 127 : i32
      %and3A_123 = vector.broadcast %and3A : i32 to vector<16xi32>
      %and3A_124 = arith.andi %sub3A_115, %and3A_123 : vector<16xi32>
      tpu.vector_store_idx %arg13[%shift_right_logical3A_122, %and3A_124], %get3A_97 masked %lt3A_103 : memref<80x128xi32, #tpu.memory_space<vmem>>[vector<16xi32>, vector<16xi32>], vector<16xi32>, vector<16xi1>
      %shift_right_logical3A_125 = arith.constant 7 : i32
      %shift_right_logical3A_126 = vector.broadcast %shift_right_logical3A_125 : i32 to vector<16xi32>
      %shift_right_logical3A_127 = arith.shrui %sub3A_115, %shift_right_logical3A_126 : vector<16xi32>
      %and3A_128 = arith.constant 127 : i32
      %and3A_129 = vector.broadcast %and3A_128 : i32 to vector<16xi32>
      %and3A_130 = arith.andi %sub3A_115, %and3A_129 : vector<16xi32>
      tpu.vector_store_idx %arg12[%shift_right_logical3A_127, %and3A_130], %get3A_100 masked %lt3A_103 : memref<80x128xi32, #tpu.memory_space<vmem>>[vector<16xi32>, vector<16xi32>], vector<16xi32>, vector<16xi1>
      %shift_right_logical3A_131 = arith.constant 7 : i32
      %shift_right_logical3A_132 = vector.broadcast %shift_right_logical3A_131 : i32 to vector<16xi32>
      %shift_right_logical3A_133 = arith.shrui %sub3A_119, %shift_right_logical3A_132 : vector<16xi32>
      %and3A_134 = arith.constant 127 : i32
      %and3A_135 = vector.broadcast %and3A_134 : i32 to vector<16xi32>
      %and3A_136 = arith.andi %sub3A_119, %and3A_135 : vector<16xi32>
      %sub3A_137 = arith.constant 5000 : i32
      %sub3A_138 = vector.broadcast %sub3A_137 : i32 to vector<16xi32>
      %sub3A_139 = arith.subi %get3A_97, %sub3A_138 : vector<16xi32>
      tpu.vector_store_idx %arg13[%shift_right_logical3A_133, %and3A_136], %sub3A_139 masked %not3A_104 : memref<80x128xi32, #tpu.memory_space<vmem>>[vector<16xi32>, vector<16xi32>], vector<16xi32>, vector<16xi1>
      %shift_right_logical3A_140 = arith.constant 7 : i32
      %shift_right_logical3A_141 = vector.broadcast %shift_right_logical3A_140 : i32 to vector<16xi32>
      %shift_right_logical3A_142 = arith.shrui %sub3A_119, %shift_right_logical3A_141 : vector<16xi32>
      %and3A_143 = arith.constant 127 : i32
      %and3A_144 = vector.broadcast %and3A_143 : i32 to vector<16xi32>
      %and3A_145 = arith.andi %sub3A_119, %and3A_144 : vector<16xi32>
      tpu.vector_store_idx %arg12[%shift_right_logical3A_142, %and3A_145], %get3A_100 masked %not3A_104 : memref<80x128xi32, #tpu.memory_space<vmem>>[vector<16xi32>, vector<16xi32>], vector<16xi32>, vector<16xi1>
      %all_reduce_population_count3A = tpu.all_reduce %lt3A_103 {dim = 0 : i64, kind = #tpu.reduction_kind<sum>} : vector<16xi1> -> vector<16xi32>
      %add3A_146 = arith.addi %scan3A_94, %all_reduce_population_count3A : vector<16xi32>
      %sub3A_147 = arith.constant 16 : i32
      %sub3A_148 = vector.broadcast %sub3A_147 : i32 to vector<16xi32>
      %sub3A_149 = arith.subi %sub3A_148, %all_reduce_population_count3A : vector<16xi32>
      %add3A_150 = arith.addi %scan3A_95, %sub3A_149 : vector<16xi32>
      %get3A_151 = arith.index_cast %scan3A_93 : i32 to index
      %get3A_152 = arith.constant 16 : index
      %get3A_153 = tpu.vector_load %arg11[%get3A_151, %get3A_152] {strides = array<i32>} : memref<125x80xi32, #tpu.memory_space<vmem>>, vector<16xi32>,
      %get3A_154 = arith.index_cast %scan3A_93 : i32 to index
      %get3A_155 = arith.constant 16 : index
      %get3A_156 = tpu.vector_load %arg10[%get3A_154, %get3A_155] {strides = array<i32>} : memref<125x80xi32, #tpu.memory_space<vmem>>, vector<16xi32>,
      %lt3A_157 = arith.constant 5000 : i32
      %lt3A_158 = vector.broadcast %lt3A_157 : i32 to vector<16xi32>
      %lt3A_159 = arith.cmpi slt, %get3A_153, %lt3A_158 : vector<16xi32>
      %not3A_160 = arith.constant dense<true> : vector<16xi1>
      %not3A_161 = arith.xori %lt3A_159, %not3A_160 : vector<16xi1>
      %convert_element_type3A_162 = arith.extui %lt3A_159 : vector<16xi1> to vector<16xi32>
      %broadcast_in_dim3A_163 = arith.constant true
      %broadcast_in_dim3A_164 = vector.broadcast %broadcast_in_dim3A_163 : i1 to vector<16xi1>
      %masked_cumsum3A_165 = tpu.scan <sum>, %convert_element_type3A_162 masked %broadcast_in_dim3A_164 : vector<16xi32>, vector<16xi1> -> vector<16xi32>
      %add3A_166 = arith.constant 1 : i32
      %add3A_167 = vector.broadcast %add3A_166 : i32 to vector<16xi32>
      %add3A_168 = arith.addi %iota3A, %add3A_167 : vector<16xi32>
      %sub3A_169 = arith.subi %add3A_168, %masked_cumsum3A_165 : vector<16xi32>
      %add3A_170 = arith.addi %add3A_146, %masked_cumsum3A_165 : vector<16xi32>
      %sub3A_171 = arith.constant 1 : i32
      %sub3A_172 = vector.broadcast %sub3A_171 : i32 to vector<16xi32>
      %sub3A_173 = arith.subi %add3A_170, %sub3A_172 : vector<16xi32>
      %add3A_174 = arith.addi %add3A_150, %sub3A_169 : vector<16xi32>
      %sub3A_175 = arith.constant 10240 : i32
      %sub3A_176 = vector.broadcast %sub3A_175 : i32 to vector<16xi32>
      %sub3A_177 = arith.subi %sub3A_176, %add3A_174 : vector<16xi32>
      %shift_right_logical3A_178 = arith.constant 7 : i32
      %shift_right_logical3A_179 = vector.broadcast %shift_right_logical3A_178 : i32 to vector<16xi32>
      %shift_right_logical3A_180 = arith.shrui %sub3A_173, %shift_right_logical3A_179 : vector<16xi32>
      %and3A_181 = arith.constant 127 : i32
      %and3A_182 = vector.broadcast %and3A_181 : i32 to vector<16xi32>
      %and3A_183 = arith.andi %sub3A_173, %and3A_182 : vector<16xi32>
      tpu.vector_store_idx %arg13[%shift_right_logical3A_180, %and3A_183], %get3A_153 masked %lt3A_159 : memref<80x128xi32, #tpu.memory_space<vmem>>[vector<16xi32>, vector<16xi32>], vector<16xi32>, vector<16xi1>
      %shift_right_logical3A_184 = arith.constant 7 : i32
      %shift_right_logical3A_185 = vector.broadcast %shift_right_logical3A_184 : i32 to vector<16xi32>
      %shift_right_logical3A_186 = arith.shrui %sub3A_173, %shift_right_logical3A_185 : vector<16xi32>
      %and3A_187 = arith.constant 127 : i32
      %and3A_188 = vector.broadcast %and3A_187 : i32 to vector<16xi32>
      %and3A_189 = arith.andi %sub3A_173, %and3A_188 : vector<16xi32>
      tpu.vector_store_idx %arg12[%shift_right_logical3A_186, %and3A_189], %get3A_156 masked %lt3A_159 : memref<80x128xi32, #tpu.memory_space<vmem>>[vector<16xi32>, vector<16xi32>], vector<16xi32>, vector<16xi1>
      %shift_right_logical3A_190 = arith.constant 7 : i32
      %shift_right_logical3A_191 = vector.broadcast %shift_right_logical3A_190 : i32 to vector<16xi32>
      %shift_right_logical3A_192 = arith.shrui %sub3A_177, %shift_right_logical3A_191 : vector<16xi32>
      %and3A_193 = arith.constant 127 : i32
      %and3A_194 = vector.broadcast %and3A_193 : i32 to vector<16xi32>
      %and3A_195 = arith.andi %sub3A_177, %and3A_194 : vector<16xi32>
      %sub3A_196 = arith.constant 5000 : i32
      %sub3A_197 = vector.broadcast %sub3A_196 : i32 to vector<16xi32>
      %sub3A_198 = arith.subi %get3A_153, %sub3A_197 : vector<16xi32>
      tpu.vector_store_idx %arg13[%shift_right_logical3A_192, %and3A_195], %sub3A_198 masked %not3A_161 : memref<80x128xi32, #tpu.memory_space<vmem>>[vector<16xi32>, vector<16xi32>], vector<16xi32>, vector<16xi1>
      %shift_right_logical3A_199 = arith.constant 7 : i32
      %shift_right_logical3A_200 = vector.broadcast %shift_right_logical3A_199 : i32 to vector<16xi32>
      %shift_right_logical3A_201 = arith.shrui %sub3A_177, %shift_right_logical3A_200 : vector<16xi32>
      %and3A_202 = arith.constant 127 : i32
      %and3A_203 = vector.broadcast %and3A_202 : i32 to vector<16xi32>
      %and3A_204 = arith.andi %sub3A_177, %and3A_203 : vector<16xi32>
      tpu.vector_store_idx %arg12[%shift_right_logical3A_201, %and3A_204], %get3A_156 masked %not3A_161 : memref<80x128xi32, #tpu.memory_space<vmem>>[vector<16xi32>, vector<16xi32>], vector<16xi32>, vector<16xi1>
      %all_reduce_population_count3A_205 = tpu.all_reduce %lt3A_159 {dim = 0 : i64, kind = #tpu.reduction_kind<sum>} : vector<16xi1> -> vector<16xi32>
      %add3A_206 = arith.addi %add3A_146, %all_reduce_population_count3A_205 : vector<16xi32>
      %sub3A_207 = arith.constant 16 : i32
      %sub3A_208 = vector.broadcast %sub3A_207 : i32 to vector<16xi32>
      %sub3A_209 = arith.subi %sub3A_208, %all_reduce_population_count3A_205 : vector<16xi32>
      %add3A_210 = arith.addi %add3A_150, %sub3A_209 : vector<16xi32>
      %get3A_211 = arith.index_cast %scan3A_93 : i32 to index
      %get3A_212 = arith.constant 32 : index
      %get3A_213 = tpu.vector_load %arg11[%get3A_211, %get3A_212] {strides = array<i32>} : memref<125x80xi32, #tpu.memory_space<vmem>>, vector<16xi32>,
      %get3A_214 = arith.index_cast %scan3A_93 : i32 to index
      %get3A_215 = arith.constant 32 : index
      %get3A_216 = tpu.vector_load %arg10[%get3A_214, %get3A_215] {strides = array<i32>} : memref<125x80xi32, #tpu.memory_space<vmem>>, vector<16xi32>,
      %lt3A_217 = arith.constant 5000 : i32
      %lt3A_218 = vector.broadcast %lt3A_217 : i32 to vector<16xi32>
      %lt3A_219 = arith.cmpi slt, %get3A_213, %lt3A_218 : vector<16xi32>
      %not3A_220 = arith.constant dense<true> : vector<16xi1>
      %not3A_221 = arith.xori %lt3A_219, %not3A_220 : vector<16xi1>
      %convert_element_type3A_222 = arith.extui %lt3A_219 : vector<16xi1> to vector<16xi32>
      %broadcast_in_dim3A_223 = arith.constant true
      %broadcast_in_dim3A_224 = vector.broadcast %broadcast_in_dim3A_223 : i1 to vector<16xi1>
      %masked_cumsum3A_225 = tpu.scan <sum>, %convert_element_type3A_222 masked %broadcast_in_dim3A_224 : vector<16xi32>, vector<16xi1> -> vector<16xi32>
      %add3A_226 = arith.constant 1 : i32
      %add3A_227 = vector.broadcast %add3A_226 : i32 to vector<16xi32>
      %add3A_228 = arith.addi %iota3A, %add3A_227 : vector<16xi32>
      %sub3A_229 = arith.subi %add3A_228, %masked_cumsum3A_225 : vector<16xi32>
      %add3A_230 = arith.addi %add3A_206, %masked_cumsum3A_225 : vector<16xi32>
      %sub3A_231 = arith.constant 1 : i32
      %sub3A_232 = vector.broadcast %sub3A_231 : i32 to vector<16xi32>
      %sub3A_233 = arith.subi %add3A_230, %sub3A_232 : vector<16xi32>
      %add3A_234 = arith.addi %add3A_210, %sub3A_229 : vector<16xi32>
      %sub3A_235 = arith.constant 10240 : i32
      %sub3A_236 = vector.broadcast %sub3A_235 : i32 to vector<16xi32>
      %sub3A_237 = arith.subi %sub3A_236, %add3A_234 : vector<16xi32>
      %shift_right_logical3A_238 = arith.constant 7 : i32
      %shift_right_logical3A_239 = vector.broadcast %shift_right_logical3A_238 : i32 to vector<16xi32>
      %shift_right_logical3A_240 = arith.shrui %sub3A_233, %shift_right_logical3A_239 : vector<16xi32>
      %and3A_241 = arith.constant 127 : i32
      %and3A_242 = vector.broadcast %and3A_241 : i32 to vector<16xi32>
      %and3A_243 = arith.andi %sub3A_233, %and3A_242 : vector<16xi32>
      tpu.vector_store_idx %arg13[%shift_right_logical3A_240, %and3A_243], %get3A_213 masked %lt3A_219 : memref<80x128xi32, #tpu.memory_space<vmem>>[vector<16xi32>, vector<16xi32>], vector<16xi32>, vector<16xi1>
      %shift_right_logical3A_244 = arith.constant 7 : i32
      %shift_right_logical3A_245 = vector.broadcast %shift_right_logical3A_244 : i32 to vector<16xi32>
      %shift_right_logical3A_246 = arith.shrui %sub3A_233, %shift_right_logical3A_245 : vector<16xi32>
      %and3A_247 = arith.constant 127 : i32
      %and3A_248 = vector.broadcast %and3A_247 : i32 to vector<16xi32>
      %and3A_249 = arith.andi %sub3A_233, %and3A_248 : vector<16xi32>
      tpu.vector_store_idx %arg12[%shift_right_logical3A_246, %and3A_249], %get3A_216 masked %lt3A_219 : memref<80x128xi32, #tpu.memory_space<vmem>>[vector<16xi32>, vector<16xi32>], vector<16xi32>, vector<16xi1>
      %shift_right_logical3A_250 = arith.constant 7 : i32
      %shift_right_logical3A_251 = vector.broadcast %shift_right_logical3A_250 : i32 to vector<16xi32>
      %shift_right_logical3A_252 = arith.shrui %sub3A_237, %shift_right_logical3A_251 : vector<16xi32>
      %and3A_253 = arith.constant 127 : i32
      %and3A_254 = vector.broadcast %and3A_253 : i32 to vector<16xi32>
      %and3A_255 = arith.andi %sub3A_237, %and3A_254 : vector<16xi32>
      %sub3A_256 = arith.constant 5000 : i32
      %sub3A_257 = vector.broadcast %sub3A_256 : i32 to vector<16xi32>
      %sub3A_258 = arith.subi %get3A_213, %sub3A_257 : vector<16xi32>
      tpu.vector_store_idx %arg13[%shift_right_logical3A_252, %and3A_255], %sub3A_258 masked %not3A_221 : memref<80x128xi32, #tpu.memory_space<vmem>>[vector<16xi32>, vector<16xi32>], vector<16xi32>, vector<16xi1>
      %shift_right_logical3A_259 = arith.constant 7 : i32
      %shift_right_logical3A_260 = vector.broadcast %shift_right_logical3A_259 : i32 to vector<16xi32>
      %shift_right_logical3A_261 = arith.shrui %sub3A_237, %shift_right_logical3A_260 : vector<16xi32>
      %and3A_262 = arith.constant 127 : i32
      %and3A_263 = vector.broadcast %and3A_262 : i32 to vector<16xi32>
      %and3A_264 = arith.andi %sub3A_237, %and3A_263 : vector<16xi32>
      tpu.vector_store_idx %arg12[%shift_right_logical3A_261, %and3A_264], %get3A_216 masked %not3A_221 : memref<80x128xi32, #tpu.memory_space<vmem>>[vector<16xi32>, vector<16xi32>], vector<16xi32>, vector<16xi1>
      %all_reduce_population_count3A_265 = tpu.all_reduce %lt3A_219 {dim = 0 : i64, kind = #tpu.reduction_kind<sum>} : vector<16xi1> -> vector<16xi32>
      %add3A_266 = arith.addi %add3A_206, %all_reduce_population_count3A_265 : vector<16xi32>
      %sub3A_267 = arith.constant 16 : i32
      %sub3A_268 = vector.broadcast %sub3A_267 : i32 to vector<16xi32>
      %sub3A_269 = arith.subi %sub3A_268, %all_reduce_population_count3A_265 : vector<16xi32>
      %add3A_270 = arith.addi %add3A_210, %sub3A_269 : vector<16xi32>
      %get3A_271 = arith.index_cast %scan3A_93 : i32 to index
      %get3A_272 = arith.constant 48 : index
      %get3A_273 = tpu.vector_load %arg11[%get3A_271, %get3A_272] {strides = array<i32>} : memref<125x80xi32, #tpu.memory_space<vmem>>, vector<16xi32>,
      %get3A_274 = arith.index_cast %scan3A_93 : i32 to index
      %get3A_275 = arith.constant 48 : index
      %get3A_276 = tpu.vector_load %arg10[%get3A_274, %get3A_275] {strides = array<i32>} : memref<125x80xi32, #tpu.memory_space<vmem>>, vector<16xi32>,
      %lt3A_277 = arith.constant 5000 : i32
      %lt3A_278 = vector.broadcast %lt3A_277 : i32 to vector<16xi32>
      %lt3A_279 = arith.cmpi slt, %get3A_273, %lt3A_278 : vector<16xi32>
      %not3A_280 = arith.constant dense<true> : vector<16xi1>
      %not3A_281 = arith.xori %lt3A_279, %not3A_280 : vector<16xi1>
      %convert_element_type3A_282 = arith.extui %lt3A_279 : vector<16xi1> to vector<16xi32>
      %broadcast_in_dim3A_283 = arith.constant true
      %broadcast_in_dim3A_284 = vector.broadcast %broadcast_in_dim3A_283 : i1 to vector<16xi1>
      %masked_cumsum3A_285 = tpu.scan <sum>, %convert_element_type3A_282 masked %broadcast_in_dim3A_284 : vector<16xi32>, vector<16xi1> -> vector<16xi32>
      %add3A_286 = arith.constant 1 : i32
      %add3A_287 = vector.broadcast %add3A_286 : i32 to vector<16xi32>
      %add3A_288 = arith.addi %iota3A, %add3A_287 : vector<16xi32>
      %sub3A_289 = arith.subi %add3A_288, %masked_cumsum3A_285 : vector<16xi32>
      %add3A_290 = arith.addi %add3A_266, %masked_cumsum3A_285 : vector<16xi32>
      %sub3A_291 = arith.constant 1 : i32
      %sub3A_292 = vector.broadcast %sub3A_291 : i32 to vector<16xi32>
      %sub3A_293 = arith.subi %add3A_290, %sub3A_292 : vector<16xi32>
      %add3A_294 = arith.addi %add3A_270, %sub3A_289 : vector<16xi32>
      %sub3A_295 = arith.constant 10240 : i32
      %sub3A_296 = vector.broadcast %sub3A_295 : i32 to vector<16xi32>
      %sub3A_297 = arith.subi %sub3A_296, %add3A_294 : vector<16xi32>
      %shift_right_logical3A_298 = arith.constant 7 : i32
      %shift_right_logical3A_299 = vector.broadcast %shift_right_logical3A_298 : i32 to vector<16xi32>
      %shift_right_logical3A_300 = arith.shrui %sub3A_293, %shift_right_logical3A_299 : vector<16xi32>
      %and3A_301 = arith.constant 127 : i32
      %and3A_302 = vector.broadcast %and3A_301 : i32 to vector<16xi32>
      %and3A_303 = arith.andi %sub3A_293, %and3A_302 : vector<16xi32>
      tpu.vector_store_idx %arg13[%shift_right_logical3A_300, %and3A_303], %get3A_273 masked %lt3A_279 : memref<80x128xi32, #tpu.memory_space<vmem>>[vector<16xi32>, vector<16xi32>], vector<16xi32>, vector<16xi1>
      %shift_right_logical3A_304 = arith.constant 7 : i32
      %shift_right_logical3A_305 = vector.broadcast %shift_right_logical3A_304 : i32 to vector<16xi32>
      %shift_right_logical3A_306 = arith.shrui %sub3A_293, %shift_right_logical3A_305 : vector<16xi32>
      %and3A_307 = arith.constant 127 : i32
      %and3A_308 = vector.broadcast %and3A_307 : i32 to vector<16xi32>
      %and3A_309 = arith.andi %sub3A_293, %and3A_308 : vector<16xi32>
      tpu.vector_store_idx %arg12[%shift_right_logical3A_306, %and3A_309], %get3A_276 masked %lt3A_279 : memref<80x128xi32, #tpu.memory_space<vmem>>[vector<16xi32>, vector<16xi32>], vector<16xi32>, vector<16xi1>
      %shift_right_logical3A_310 = arith.constant 7 : i32
      %shift_right_logical3A_311 = vector.broadcast %shift_right_logical3A_310 : i32 to vector<16xi32>
      %shift_right_logical3A_312 = arith.shrui %sub3A_297, %shift_right_logical3A_311 : vector<16xi32>
      %and3A_313 = arith.constant 127 : i32
      %and3A_314 = vector.broadcast %and3A_313 : i32 to vector<16xi32>
      %and3A_315 = arith.andi %sub3A_297, %and3A_314 : vector<16xi32>
      %sub3A_316 = arith.constant 5000 : i32
      %sub3A_317 = vector.broadcast %sub3A_316 : i32 to vector<16xi32>
      %sub3A_318 = arith.subi %get3A_273, %sub3A_317 : vector<16xi32>
      tpu.vector_store_idx %arg13[%shift_right_logical3A_312, %and3A_315], %sub3A_318 masked %not3A_281 : memref<80x128xi32, #tpu.memory_space<vmem>>[vector<16xi32>, vector<16xi32>], vector<16xi32>, vector<16xi1>
      %shift_right_logical3A_319 = arith.constant 7 : i32
      %shift_right_logical3A_320 = vector.broadcast %shift_right_logical3A_319 : i32 to vector<16xi32>
      %shift_right_logical3A_321 = arith.shrui %sub3A_297, %shift_right_logical3A_320 : vector<16xi32>
      %and3A_322 = arith.constant 127 : i32
      %and3A_323 = vector.broadcast %and3A_322 : i32 to vector<16xi32>
      %and3A_324 = arith.andi %sub3A_297, %and3A_323 : vector<16xi32>
      tpu.vector_store_idx %arg12[%shift_right_logical3A_321, %and3A_324], %get3A_276 masked %not3A_281 : memref<80x128xi32, #tpu.memory_space<vmem>>[vector<16xi32>, vector<16xi32>], vector<16xi32>, vector<16xi1>
      %all_reduce_population_count3A_325 = tpu.all_reduce %lt3A_279 {dim = 0 : i64, kind = #tpu.reduction_kind<sum>} : vector<16xi1> -> vector<16xi32>
      %add3A_326 = arith.addi %add3A_266, %all_reduce_population_count3A_325 : vector<16xi32>
      %sub3A_327 = arith.constant 16 : i32
      %sub3A_328 = vector.broadcast %sub3A_327 : i32 to vector<16xi32>
      %sub3A_329 = arith.subi %sub3A_328, %all_reduce_population_count3A_325 : vector<16xi32>
      %add3A_330 = arith.addi %add3A_270, %sub3A_329 : vector<16xi32>
      %get3A_331 = arith.index_cast %scan3A_93 : i32 to index
      %get3A_332 = arith.constant 64 : index
      %get3A_333 = tpu.vector_load %arg11[%get3A_331, %get3A_332] {strides = array<i32>} : memref<125x80xi32, #tpu.memory_space<vmem>>, vector<16xi32>,
      %get3A_334 = arith.index_cast %scan3A_93 : i32 to index
      %get3A_335 = arith.constant 64 : index
      %get3A_336 = tpu.vector_load %arg10[%get3A_334, %get3A_335] {strides = array<i32>} : memref<125x80xi32, #tpu.memory_space<vmem>>, vector<16xi32>,
      %lt3A_337 = arith.constant 5000 : i32
      %lt3A_338 = vector.broadcast %lt3A_337 : i32 to vector<16xi32>
      %lt3A_339 = arith.cmpi slt, %get3A_333, %lt3A_338 : vector<16xi32>
      %not3A_340 = arith.constant dense<true> : vector<16xi1>
      %not3A_341 = arith.xori %lt3A_339, %not3A_340 : vector<16xi1>
      %convert_element_type3A_342 = arith.extui %lt3A_339 : vector<16xi1> to vector<16xi32>
      %broadcast_in_dim3A_343 = arith.constant true
      %broadcast_in_dim3A_344 = vector.broadcast %broadcast_in_dim3A_343 : i1 to vector<16xi1>
      %masked_cumsum3A_345 = tpu.scan <sum>, %convert_element_type3A_342 masked %broadcast_in_dim3A_344 : vector<16xi32>, vector<16xi1> -> vector<16xi32>
      %add3A_346 = arith.constant 1 : i32
      %add3A_347 = vector.broadcast %add3A_346 : i32 to vector<16xi32>
      %add3A_348 = arith.addi %iota3A, %add3A_347 : vector<16xi32>
      %sub3A_349 = arith.subi %add3A_348, %masked_cumsum3A_345 : vector<16xi32>
      %add3A_350 = arith.addi %add3A_326, %masked_cumsum3A_345 : vector<16xi32>
      %sub3A_351 = arith.constant 1 : i32
      %sub3A_352 = vector.broadcast %sub3A_351 : i32 to vector<16xi32>
      %sub3A_353 = arith.subi %add3A_350, %sub3A_352 : vector<16xi32>
      %add3A_354 = arith.addi %add3A_330, %sub3A_349 : vector<16xi32>
      %sub3A_355 = arith.constant 10240 : i32
      %sub3A_356 = vector.broadcast %sub3A_355 : i32 to vector<16xi32>
      %sub3A_357 = arith.subi %sub3A_356, %add3A_354 : vector<16xi32>
      %shift_right_logical3A_358 = arith.constant 7 : i32
      %shift_right_logical3A_359 = vector.broadcast %shift_right_logical3A_358 : i32 to vector<16xi32>
      %shift_right_logical3A_360 = arith.shrui %sub3A_353, %shift_right_logical3A_359 : vector<16xi32>
      %and3A_361 = arith.constant 127 : i32
      %and3A_362 = vector.broadcast %and3A_361 : i32 to vector<16xi32>
      %and3A_363 = arith.andi %sub3A_353, %and3A_362 : vector<16xi32>
      tpu.vector_store_idx %arg13[%shift_right_logical3A_360, %and3A_363], %get3A_333 masked %lt3A_339 : memref<80x128xi32, #tpu.memory_space<vmem>>[vector<16xi32>, vector<16xi32>], vector<16xi32>, vector<16xi1>
      %shift_right_logical3A_364 = arith.constant 7 : i32
      %shift_right_logical3A_365 = vector.broadcast %shift_right_logical3A_364 : i32 to vector<16xi32>
      %shift_right_logical3A_366 = arith.shrui %sub3A_353, %shift_right_logical3A_365 : vector<16xi32>
      %and3A_367 = arith.constant 127 : i32
      %and3A_368 = vector.broadcast %and3A_367 : i32 to vector<16xi32>
      %and3A_369 = arith.andi %sub3A_353, %and3A_368 : vector<16xi32>
      tpu.vector_store_idx %arg12[%shift_right_logical3A_366, %and3A_369], %get3A_336 masked %lt3A_339 : memref<80x128xi32, #tpu.memory_space<vmem>>[vector<16xi32>, vector<16xi32>], vector<16xi32>, vector<16xi1>
      %shift_right_logical3A_370 = arith.constant 7 : i32
      %shift_right_logical3A_371 = vector.broadcast %shift_right_logical3A_370 : i32 to vector<16xi32>
      %shift_right_logical3A_372 = arith.shrui %sub3A_357, %shift_right_logical3A_371 : vector<16xi32>
      %and3A_373 = arith.constant 127 : i32
      %and3A_374 = vector.broadcast %and3A_373 : i32 to vector<16xi32>
      %and3A_375 = arith.andi %sub3A_357, %and3A_374 : vector<16xi32>
      %sub3A_376 = arith.constant 5000 : i32
      %sub3A_377 = vector.broadcast %sub3A_376 : i32 to vector<16xi32>
      %sub3A_378 = arith.subi %get3A_333, %sub3A_377 : vector<16xi32>
      tpu.vector_store_idx %arg13[%shift_right_logical3A_372, %and3A_375], %sub3A_378 masked %not3A_341 : memref<80x128xi32, #tpu.memory_space<vmem>>[vector<16xi32>, vector<16xi32>], vector<16xi32>, vector<16xi1>
      %shift_right_logical3A_379 = arith.constant 7 : i32
      %shift_right_logical3A_380 = vector.broadcast %shift_right_logical3A_379 : i32 to vector<16xi32>
      %shift_right_logical3A_381 = arith.shrui %sub3A_357, %shift_right_logical3A_380 : vector<16xi32>
      %and3A_382 = arith.constant 127 : i32
      %and3A_383 = vector.broadcast %and3A_382 : i32 to vector<16xi32>
      %and3A_384 = arith.andi %sub3A_357, %and3A_383 : vector<16xi32>
      tpu.vector_store_idx %arg12[%shift_right_logical3A_381, %and3A_384], %get3A_336 masked %not3A_341 : memref<80x128xi32, #tpu.memory_space<vmem>>[vector<16xi32>, vector<16xi32>], vector<16xi32>, vector<16xi1>
      %all_reduce_population_count3A_385 = tpu.all_reduce %lt3A_339 {dim = 0 : i64, kind = #tpu.reduction_kind<sum>} : vector<16xi1> -> vector<16xi32>
      %add3A_386 = arith.addi %add3A_326, %all_reduce_population_count3A_385 : vector<16xi32>
      %sub3A_387 = arith.constant 16 : i32
      %sub3A_388 = vector.broadcast %sub3A_387 : i32 to vector<16xi32>
      %sub3A_389 = arith.subi %sub3A_388, %all_reduce_population_count3A_385 : vector<16xi32>
      %add3A_390 = arith.addi %add3A_330, %sub3A_389 : vector<16xi32>
      scf.yield %add3A_386, %add3A_390 : vector<16xi32>, vector<16xi32>
    }
    %scan3A_7 = arith.constant 125 : i32
    %reduce_max3A = arith.constant true
    %reduce_max3A_8 = vector.broadcast %reduce_max3A : i1 to vector<16xi1>
    %reduce_max3A_9 = arith.constant -2147483648 : i32
    %reduce_max3A_10 = vector.broadcast %reduce_max3A_9 : i32 to vector<16xi32>
    %reduce_max3A_11 = arith.xori %scan3A_6#0, %reduce_max3A_10 : vector<16xi32>
    %reduce_max3A_12 = tpu.scan <max>, %reduce_max3A_11 masked %reduce_max3A_8 : vector<16xi32>, vector<16xi1> -> vector<16xi32>
    %reduce_max3A_13 = arith.xori %reduce_max3A_12, %reduce_max3A_10 : vector<16xi32>
    %reduce_max3A_14 = vector.extract %reduce_max3A_13[15] : i32 from vector<16xi32>
    %add3A = arith.constant 128 : i32
    %add3A_15 = arith.addi %reduce_max3A_14, %add3A : i32
    %sub3A = arith.constant 1 : i32
    %sub3A_16 = arith.subi %add3A_15, %sub3A : i32
    %shift_right_logical3A = arith.constant 7 : i32
    %shift_right_logical3A_17 = arith.shrui %sub3A_16, %shift_right_logical3A : i32
    %reduce_max3A_18 = arith.constant true
    %reduce_max3A_19 = vector.broadcast %reduce_max3A_18 : i1 to vector<16xi1>
    %reduce_max3A_20 = arith.constant -2147483648 : i32
    %reduce_max3A_21 = vector.broadcast %reduce_max3A_20 : i32 to vector<16xi32>
    %reduce_max3A_22 = arith.xori %scan3A_6#1, %reduce_max3A_21 : vector<16xi32>
    %reduce_max3A_23 = tpu.scan <max>, %reduce_max3A_22 masked %reduce_max3A_19 : vector<16xi32>, vector<16xi1> -> vector<16xi32>
    %reduce_max3A_24 = arith.xori %reduce_max3A_23, %reduce_max3A_21 : vector<16xi32>
    %reduce_max3A_25 = vector.extract %reduce_max3A_24[15] : i32 from vector<16xi32>
    %add3A_26 = arith.constant 128 : i32
    %add3A_27 = arith.addi %reduce_max3A_25, %add3A_26 : i32
    %sub3A_28 = arith.constant 1 : i32
    %sub3A_29 = arith.subi %add3A_27, %sub3A_28 : i32
    %shift_right_logical3A_30 = arith.constant 7 : i32
    %shift_right_logical3A_31 = arith.shrui %sub3A_29, %shift_right_logical3A_30 : i32
    %lt3A = arith.constant 15 : i32
    %lt3A_32 = arith.cmpi slt, %arg1, %lt3A : i32
    %convert_element_type3A = arith.extui %lt3A_32 : i1 to i32
    %cond3A = arith.constant 0 : i32
    %cond3A_33 = arith.cmpi ne, %convert_element_type3A, %cond3A : i32
    scf.if %cond3A_33 {
      %mul3A = arith.constant 320 : i32
      %mul3A_93 = arith.muli %arg1, %mul3A : i32
      "tpu.region"() ({
        %run_scoped3A = tpu.sem_alloc : memref<!tpu.dma_semaphore, #tpu.memory_space<semaphore_mem>>
        %dma_start3A = arith.constant 0 : i32
        %dma_start3A_94 = tpu.memref_slice %arg18[%mul3A_93, %dma_start3A] : memref<5008x128xf32, #tpu.memory_space<vmem_shared>> -> memref<320x128xf32, #tpu.memory_space<vmem_shared>>
        tpu.enqueue_dma source(%arg6 : memref<320x128xf32, #tpu.memory_space<hbm>>) target(%dma_start3A_94 : memref<320x128xf32, #tpu.memory_space<vmem_shared>>) target_semaphore(%run_scoped3A : memref<!tpu.dma_semaphore, #tpu.memory_space<semaphore_mem>>)
        %dma_wait3A = arith.constant 0 : i32
        %dma_wait3A_95 = tpu.memref_slice %arg18[%mul3A_93, %dma_wait3A] : memref<5008x128xf32, #tpu.memory_space<vmem_shared>> -> memref<320x128xf32, #tpu.memory_space<vmem_shared>>
        tpu.wait_dma2 semaphore(%run_scoped3A : memref<!tpu.dma_semaphore, #tpu.memory_space<semaphore_mem>>) src(%arg6 : memref<320x128xf32, #tpu.memory_space<hbm>>) dst(%dma_wait3A_95 : memref<320x128xf32, #tpu.memory_space<vmem_shared>>)
        tpu.yield
      }) : () -> ()
    } else {
    }
    %eq3A = arith.constant 15 : i32
    %eq3A_34 = arith.cmpi eq, %arg1, %eq3A : i32
    %convert_element_type3A_35 = arith.extui %eq3A_34 : i1 to i32
    %cond3A_36 = arith.constant 0 : i32
    %cond3A_37 = arith.cmpi ne, %convert_element_type3A_35, %cond3A_36 : i32
    scf.if %cond3A_37 {
      "tpu.region"() ({
        %run_scoped3A = tpu.sem_alloc : memref<!tpu.dma_semaphore, #tpu.memory_space<semaphore_mem>>
        %dma_start3A = arith.constant 4800 : i32
        %dma_start3A_93 = arith.constant 0 : i32
        %dma_start3A_94 = tpu.memref_slice %arg18[%dma_start3A, %dma_start3A_93] : memref<5008x128xf32, #tpu.memory_space<vmem_shared>> -> memref<208x128xf32, #tpu.memory_space<vmem_shared>>
        %dma_start3A_95 = arith.constant 0 : i32
        %dma_start3A_96 = arith.constant 0 : i32
        %dma_start3A_97 = tpu.memref_slice %arg6[%dma_start3A_95, %dma_start3A_96] : memref<320x128xf32, #tpu.memory_space<hbm>> -> memref<208x128xf32, #tpu.memory_space<hbm>>
        tpu.enqueue_dma source(%dma_start3A_97 : memref<208x128xf32, #tpu.memory_space<hbm>>) target(%dma_start3A_94 : memref<208x128xf32, #tpu.memory_space<vmem_shared>>) target_semaphore(%run_scoped3A : memref<!tpu.dma_semaphore, #tpu.memory_space<semaphore_mem>>)
        %dma_wait3A = arith.constant 4800 : i32
        %dma_wait3A_98 = arith.constant 0 : i32
        %dma_wait3A_99 = tpu.memref_slice %arg18[%dma_wait3A, %dma_wait3A_98] : memref<5008x128xf32, #tpu.memory_space<vmem_shared>> -> memref<208x128xf32, #tpu.memory_space<vmem_shared>>
        %dma_wait3A_100 = arith.constant 0 : i32
        %dma_wait3A_101 = arith.constant 0 : i32
        %dma_wait3A_102 = tpu.memref_slice %arg6[%dma_wait3A_100, %dma_wait3A_101] : memref<320x128xf32, #tpu.memory_space<hbm>> -> memref<208x128xf32, #tpu.memory_space<hbm>>
        tpu.wait_dma2 semaphore(%run_scoped3A : memref<!tpu.dma_semaphore, #tpu.memory_space<semaphore_mem>>) src(%dma_wait3A_102 : memref<208x128xf32, #tpu.memory_space<hbm>>) dst(%dma_wait3A_99 : memref<208x128xf32, #tpu.memory_space<vmem_shared>>)
        tpu.yield
      }) : () -> ()
    } else {
    }
    %barrier3A = arith.constant 0 : index
    tpu.barrier barrier_id(%barrier3A)
    %eq3A_38 = arith.constant 0 : i32
    %eq3A_39 = arith.cmpi eq, %arg0, %eq3A_38 : i32
    %convert_element_type3A_40 = arith.extui %eq3A_39 : i1 to i32
    %cond3A_41 = arith.constant 0 : i32
    %cond3A_42 = arith.cmpi ne, %convert_element_type3A_40, %cond3A_41 : i32
    scf.if %cond3A_42 {
      %gt3A = arith.constant 0 : i32
      %gt3A_93 = arith.cmpi sgt, %shift_right_logical3A_17, %gt3A : i32
      %convert_element_type3A_94 = arith.extui %gt3A_93 : i1 to i32
      %cond3A_95 = arith.constant 0 : i32
      %cond3A_96 = arith.cmpi ne, %convert_element_type3A_94, %cond3A_95 : i32
      scf.if %cond3A_96 {
        %dma_start3A = arith.constant 0 : i32
        %dma_start3A_108 = arith.constant 0 : i32
        %dma_start3A_109 = tpu.memref_slice %arg12[%dma_start3A, %dma_start3A_108] : memref<80x128xi32, #tpu.memory_space<vmem>> -> memref<1x128xi32, #tpu.memory_space<vmem>>
        %dma_start3A_110 = tpu.memref_squeeze %dma_start3A_109 : memref<1x128xi32, #tpu.memory_space<vmem>> -> memref<128xi32, #tpu.memory_space<vmem>>
        %dma_start3A_111 = arith.constant 0 : i32
        %dma_start3A_112 = arith.constant 0 : i32
        %dma_start3A_113 = tpu.memref_slice %arg4[%dma_start3A_111, %dma_start3A_112] : memref<10000x128xf32, #tpu.memory_space<hbm>> -> memref<10000x128xf32, #tpu.memory_space<hbm>>
        tpu.enqueue_indirect_dma source(%dma_start3A_113 : memref<10000x128xf32, #tpu.memory_space<hbm>>) target(%arg14 : memref<128x128xf32, #tpu.memory_space<vmem>>) offsets(%dma_start3A_110 : memref<128xi32, #tpu.memory_space<vmem>>) semaphore(%arg16 : memref<!tpu.dma_semaphore, #tpu.memory_space<semaphore_mem>>)
      } else {
      }
      %while3A = arith.constant 0 : i32
      %while3A_97 = arith.constant 0 : i32
      %while3A_98 = arith.subi %shift_right_logical3A_17, %while3A : i32
      %while3A_99 = arith.addi %while3A, %while3A_98 : i32
      %while3A_100 = arith.constant 1 : i32
      %while3A_101 = arith.divsi %while3A_98, %while3A_100 : i32
      %while3A_102 = arith.muli %while3A_101, %while3A_100 : i32
      %while3A_103 = arith.addi %while3A, %while3A_102 : i32
      %while3A_104 = arith.constant 1 : i32
      %while3A_105 = scf.for %while3A_108 = %while3A to %while3A_103 step %while3A_104 iter_args(%while3A_109 = %while3A_97) -> (i32)  : i32 {
        %jit3A = arith.constant 2 : i32
        %eq3A_110 = arith.constant 0 : i32
        %eq3A_111 = arith.cmpi eq, %jit3A, %eq3A_110 : i32
        %jit3A_112 = arith.constant 1 : i32
        %select_n3A = arith.select %eq3A_111, %jit3A_112, %jit3A : i32
        %rem3A = arith.remsi %while3A_108, %select_n3A : i32
        %ne3A = arith.constant 0 : i32
        %ne3A_113 = arith.cmpi ne, %rem3A, %ne3A : i32
        %lt3A_114 = arith.constant 0 : i32
        %lt3A_115 = arith.cmpi slt, %rem3A, %lt3A_114 : i32
        %lt3A_116 = arith.constant 0 : i32
        %lt3A_117 = arith.cmpi slt, %select_n3A, %lt3A_116 : i32
        %ne3A_118 = arith.xori %lt3A_115, %lt3A_117 : i1
        %and3A = arith.andi %ne3A_118, %ne3A_113 : i1
        %add3A_119 = arith.addi %rem3A, %select_n3A : i32
        %select_n3A_120 = arith.select %and3A, %add3A_119, %rem3A : i32
        %eq3A_121 = arith.constant 0 : i32
        %eq3A_122 = arith.cmpi eq, %select_n3A_120, %eq3A_121 : i32
        %convert_element_type3A_123 = arith.extui %eq3A_122 : i1 to i32
        %cond3A_124 = arith.constant 0 : i32
        %cond3A_125 = arith.cmpi ne, %convert_element_type3A_123, %cond3A_124 : i32
        scf.if %cond3A_125 {
          %dma_wait3A = arith.constant 0 : i32
          %dma_wait3A_148 = tpu.memref_slice %arg12[%while3A_108, %dma_wait3A] : memref<80x128xi32, #tpu.memory_space<vmem>> -> memref<1x128xi32, #tpu.memory_space<vmem>>
          %dma_wait3A_149 = tpu.memref_squeeze %dma_wait3A_148 : memref<1x128xi32, #tpu.memory_space<vmem>> -> memref<128xi32, #tpu.memory_space<vmem>>
          %dma_wait3A_150 = arith.constant 0 : i32
          %dma_wait3A_151 = arith.constant 0 : i32
          %dma_wait3A_152 = tpu.memref_slice %arg4[%dma_wait3A_150, %dma_wait3A_151] : memref<10000x128xf32, #tpu.memory_space<hbm>> -> memref<10000x128xf32, #tpu.memory_space<hbm>>
          tpu.wait_indirect_dma semaphore(%arg16 : memref<!tpu.dma_semaphore, #tpu.memory_space<semaphore_mem>>) src(%dma_wait3A_152 : memref<10000x128xf32, #tpu.memory_space<hbm>>) dst(%arg14 : memref<128x128xf32, #tpu.memory_space<vmem>>)
          %add3A_153 = arith.constant 1 : i32
          %add3A_154 = arith.addi %while3A_108, %add3A_153 : i32
          %lt3A_155 = arith.cmpi slt, %add3A_154, %shift_right_logical3A_17 : i32
          %convert_element_type3A_156 = arith.extui %lt3A_155 : i1 to i32
          %cond3A_157 = arith.constant 0 : i32
          %cond3A_158 = arith.cmpi ne, %convert_element_type3A_156, %cond3A_157 : i32
          scf.if %cond3A_158 {
            %add3A_159 = arith.constant 1 : i32
            %add3A_160 = arith.addi %while3A_108, %add3A_159 : i32
            %dma_start3A = arith.constant 0 : i32
            %dma_start3A_161 = tpu.memref_slice %arg12[%add3A_160, %dma_start3A] : memref<80x128xi32, #tpu.memory_space<vmem>> -> memref<1x128xi32, #tpu.memory_space<vmem>>
            %dma_start3A_162 = tpu.memref_squeeze %dma_start3A_161 : memref<1x128xi32, #tpu.memory_space<vmem>> -> memref<128xi32, #tpu.memory_space<vmem>>
            %dma_start3A_163 = arith.constant 0 : i32
            %dma_start3A_164 = arith.constant 0 : i32
            %dma_start3A_165 = tpu.memref_slice %arg4[%dma_start3A_163, %dma_start3A_164] : memref<10000x128xf32, #tpu.memory_space<hbm>> -> memref<10000x128xf32, #tpu.memory_space<hbm>>
            tpu.enqueue_indirect_dma source(%dma_start3A_165 : memref<10000x128xf32, #tpu.memory_space<hbm>>) target(%arg15 : memref<128x128xf32, #tpu.memory_space<vmem>>) offsets(%dma_start3A_162 : memref<128xi32, #tpu.memory_space<vmem>>) semaphore(%arg17 : memref<!tpu.dma_semaphore, #tpu.memory_space<semaphore_mem>>)
          } else {
          }
          "tpu.region"() ({
            %run_scoped3A = tpu.sem_alloc : memref<!tpu.dma_semaphore, #tpu.memory_space<semaphore_mem>>
            %dma_start3A = arith.constant 0 : i32
            %dma_start3A_159 = tpu.memref_slice %arg13[%while3A_108, %dma_start3A] : memref<80x128xi32, #tpu.memory_space<vmem>> -> memref<1x128xi32, #tpu.memory_space<vmem>>
            %dma_start3A_160 = tpu.memref_squeeze %dma_start3A_159 : memref<1x128xi32, #tpu.memory_space<vmem>> -> memref<128xi32, #tpu.memory_space<vmem>>
            %dma_start3A_161 = arith.constant 0 : i32
            %dma_start3A_162 = arith.constant 0 : i32
            %dma_start3A_163 = tpu.memref_slice %arg18[%dma_start3A_161, %dma_start3A_162] : memref<5008x128xf32, #tpu.memory_space<vmem_shared>> -> memref<5008x128xf32, #tpu.memory_space<vmem_shared>>
            tpu.enqueue_indirect_dma source(%arg14 : memref<128x128xf32, #tpu.memory_space<vmem>>) target(%dma_start3A_163 : memref<5008x128xf32, #tpu.memory_space<vmem_shared>>) offsets(%dma_start3A_160 : memref<128xi32, #tpu.memory_space<vmem>>) semaphore(%run_scoped3A : memref<!tpu.dma_semaphore, #tpu.memory_space<semaphore_mem>>) {add = true}
            %dma_wait3A_164 = arith.constant 0 : i32
            %dma_wait3A_165 = tpu.memref_slice %arg13[%while3A_108, %dma_wait3A_164] : memref<80x128xi32, #tpu.memory_space<vmem>> -> memref<1x128xi32, #tpu.memory_space<vmem>>
            %dma_wait3A_166 = tpu.memref_squeeze %dma_wait3A_165 : memref<1x128xi32, #tpu.memory_space<vmem>> -> memref<128xi32, #tpu.memory_space<vmem>>
            %dma_wait3A_167 = arith.constant 0 : i32
            %dma_wait3A_168 = arith.constant 0 : i32
            %dma_wait3A_169 = tpu.memref_slice %arg18[%dma_wait3A_167, %dma_wait3A_168] : memref<5008x128xf32, #tpu.memory_space<vmem_shared>> -> memref<5008x128xf32, #tpu.memory_space<vmem_shared>>
            tpu.wait_indirect_dma semaphore(%run_scoped3A : memref<!tpu.dma_semaphore, #tpu.memory_space<semaphore_mem>>) src(%arg14 : memref<128x128xf32, #tpu.memory_space<vmem>>) dst(%dma_wait3A_169 : memref<5008x128xf32, #tpu.memory_space<vmem_shared>>)
            tpu.yield
          }) : () -> ()
        } else {
        }
        %jit3A_126 = arith.constant 2 : i32
        %eq3A_127 = arith.constant 0 : i32
        %eq3A_128 = arith.cmpi eq, %jit3A_126, %eq3A_127 : i32
        %jit3A_129 = arith.constant 1 : i32
        %select_n3A_130 = arith.select %eq3A_128, %jit3A_129, %jit3A_126 : i32
        %rem3A_131 = arith.remsi %while3A_108, %select_n3A_130 : i32
        %ne3A_132 = arith.constant 0 : i32
        %ne3A_133 = arith.cmpi ne, %rem3A_131, %ne3A_132 : i32
        %lt3A_134 = arith.constant 0 : i32
        %lt3A_135 = arith.cmpi slt, %rem3A_131, %lt3A_134 : i32
        %lt3A_136 = arith.constant 0 : i32
        %lt3A_137 = arith.cmpi slt, %select_n3A_130, %lt3A_136 : i32
        %ne3A_138 = arith.xori %lt3A_135, %lt3A_137 : i1
        %and3A_139 = arith.andi %ne3A_138, %ne3A_133 : i1
        %add3A_140 = arith.addi %rem3A_131, %select_n3A_130 : i32
        %select_n3A_141 = arith.select %and3A_139, %add3A_140, %rem3A_131 : i32
        %eq3A_142 = arith.constant 1 : i32
        %eq3A_143 = arith.cmpi eq, %select_n3A_141, %eq3A_142 : i32
        %convert_element_type3A_144 = arith.extui %eq3A_143 : i1 to i32
        %cond3A_145 = arith.constant 0 : i32
        %cond3A_146 = arith.cmpi ne, %convert_element_type3A_144, %cond3A_145 : i32
        scf.if %cond3A_146 {
          %dma_wait3A = arith.constant 0 : i32
          %dma_wait3A_148 = tpu.memref_slice %arg12[%while3A_108, %dma_wait3A] : memref<80x128xi32, #tpu.memory_space<vmem>> -> memref<1x128xi32, #tpu.memory_space<vmem>>
          %dma_wait3A_149 = tpu.memref_squeeze %dma_wait3A_148 : memref<1x128xi32, #tpu.memory_space<vmem>> -> memref<128xi32, #tpu.memory_space<vmem>>
          %dma_wait3A_150 = arith.constant 0 : i32
          %dma_wait3A_151 = arith.constant 0 : i32
          %dma_wait3A_152 = tpu.memref_slice %arg4[%dma_wait3A_150, %dma_wait3A_151] : memref<10000x128xf32, #tpu.memory_space<hbm>> -> memref<10000x128xf32, #tpu.memory_space<hbm>>
          tpu.wait_indirect_dma semaphore(%arg17 : memref<!tpu.dma_semaphore, #tpu.memory_space<semaphore_mem>>) src(%dma_wait3A_152 : memref<10000x128xf32, #tpu.memory_space<hbm>>) dst(%arg15 : memref<128x128xf32, #tpu.memory_space<vmem>>)
          %add3A_153 = arith.constant 1 : i32
          %add3A_154 = arith.addi %while3A_108, %add3A_153 : i32
          %lt3A_155 = arith.cmpi slt, %add3A_154, %shift_right_logical3A_17 : i32
          %convert_element_type3A_156 = arith.extui %lt3A_155 : i1 to i32
          %cond3A_157 = arith.constant 0 : i32
          %cond3A_158 = arith.cmpi ne, %convert_element_type3A_156, %cond3A_157 : i32
          scf.if %cond3A_158 {
            %add3A_159 = arith.constant 1 : i32
            %add3A_160 = arith.addi %while3A_108, %add3A_159 : i32
            %dma_start3A = arith.constant 0 : i32
            %dma_start3A_161 = tpu.memref_slice %arg12[%add3A_160, %dma_start3A] : memref<80x128xi32, #tpu.memory_space<vmem>> -> memref<1x128xi32, #tpu.memory_space<vmem>>
            %dma_start3A_162 = tpu.memref_squeeze %dma_start3A_161 : memref<1x128xi32, #tpu.memory_space<vmem>> -> memref<128xi32, #tpu.memory_space<vmem>>
            %dma_start3A_163 = arith.constant 0 : i32
            %dma_start3A_164 = arith.constant 0 : i32
            %dma_start3A_165 = tpu.memref_slice %arg4[%dma_start3A_163, %dma_start3A_164] : memref<10000x128xf32, #tpu.memory_space<hbm>> -> memref<10000x128xf32, #tpu.memory_space<hbm>>
            tpu.enqueue_indirect_dma source(%dma_start3A_165 : memref<10000x128xf32, #tpu.memory_space<hbm>>) target(%arg14 : memref<128x128xf32, #tpu.memory_space<vmem>>) offsets(%dma_start3A_162 : memref<128xi32, #tpu.memory_space<vmem>>) semaphore(%arg16 : memref<!tpu.dma_semaphore, #tpu.memory_space<semaphore_mem>>)
          } else {
          }
          "tpu.region"() ({
            %run_scoped3A = tpu.sem_alloc : memref<!tpu.dma_semaphore, #tpu.memory_space<semaphore_mem>>
            %dma_start3A = arith.constant 0 : i32
            %dma_start3A_159 = tpu.memref_slice %arg13[%while3A_108, %dma_start3A] : memref<80x128xi32, #tpu.memory_space<vmem>> -> memref<1x128xi32, #tpu.memory_space<vmem>>
            %dma_start3A_160 = tpu.memref_squeeze %dma_start3A_159 : memref<1x128xi32, #tpu.memory_space<vmem>> -> memref<128xi32, #tpu.memory_space<vmem>>
            %dma_start3A_161 = arith.constant 0 : i32
            %dma_start3A_162 = arith.constant 0 : i32
            %dma_start3A_163 = tpu.memref_slice %arg18[%dma_start3A_161, %dma_start3A_162] : memref<5008x128xf32, #tpu.memory_space<vmem_shared>> -> memref<5008x128xf32, #tpu.memory_space<vmem_shared>>
            tpu.enqueue_indirect_dma source(%arg15 : memref<128x128xf32, #tpu.memory_space<vmem>>) target(%dma_start3A_163 : memref<5008x128xf32, #tpu.memory_space<vmem_shared>>) offsets(%dma_start3A_160 : memref<128xi32, #tpu.memory_space<vmem>>) semaphore(%run_scoped3A : memref<!tpu.dma_semaphore, #tpu.memory_space<semaphore_mem>>) {add = true}
            %dma_wait3A_164 = arith.constant 0 : i32
            %dma_wait3A_165 = tpu.memref_slice %arg13[%while3A_108, %dma_wait3A_164] : memref<80x128xi32, #tpu.memory_space<vmem>> -> memref<1x128xi32, #tpu.memory_space<vmem>>
            %dma_wait3A_166 = tpu.memref_squeeze %dma_wait3A_165 : memref<1x128xi32, #tpu.memory_space<vmem>> -> memref<128xi32, #tpu.memory_space<vmem>>
            %dma_wait3A_167 = arith.constant 0 : i32
            %dma_wait3A_168 = arith.constant 0 : i32
            %dma_wait3A_169 = tpu.memref_slice %arg18[%dma_wait3A_167, %dma_wait3A_168] : memref<5008x128xf32, #tpu.memory_space<vmem_shared>> -> memref<5008x128xf32, #tpu.memory_space<vmem_shared>>
            tpu.wait_indirect_dma semaphore(%run_scoped3A : memref<!tpu.dma_semaphore, #tpu.memory_space<semaphore_mem>>) src(%arg15 : memref<128x128xf32, #tpu.memory_space<vmem>>) dst(%dma_wait3A_169 : memref<5008x128xf32, #tpu.memory_space<vmem_shared>>)
            tpu.yield
          }) : () -> ()
        } else {
        }
        %while3A_147 = arith.constant 0 : i32
        scf.yield %while3A_147 : i32
      }
      %while3A_106 = arith.constant 1 : i32
      %while3A_107 = scf.for %while3A_108 = %while3A_103 to %while3A_99 step %while3A_106 iter_args(%while3A_109 = %while3A_105) -> (i32)  : i32 {
        %jit3A = arith.constant 2 : i32
        %eq3A_110 = arith.constant 0 : i32
        %eq3A_111 = arith.cmpi eq, %jit3A, %eq3A_110 : i32
        %jit3A_112 = arith.constant 1 : i32
        %select_n3A = arith.select %eq3A_111, %jit3A_112, %jit3A : i32
        %rem3A = arith.remsi %while3A_108, %select_n3A : i32
        %ne3A = arith.constant 0 : i32
        %ne3A_113 = arith.cmpi ne, %rem3A, %ne3A : i32
        %lt3A_114 = arith.constant 0 : i32
        %lt3A_115 = arith.cmpi slt, %rem3A, %lt3A_114 : i32
        %lt3A_116 = arith.constant 0 : i32
        %lt3A_117 = arith.cmpi slt, %select_n3A, %lt3A_116 : i32
        %ne3A_118 = arith.xori %lt3A_115, %lt3A_117 : i1
        %and3A = arith.andi %ne3A_118, %ne3A_113 : i1
        %add3A_119 = arith.addi %rem3A, %select_n3A : i32
        %select_n3A_120 = arith.select %and3A, %add3A_119, %rem3A : i32
        %eq3A_121 = arith.constant 0 : i32
        %eq3A_122 = arith.cmpi eq, %select_n3A_120, %eq3A_121 : i32
        %convert_element_type3A_123 = arith.extui %eq3A_122 : i1 to i32
        %cond3A_124 = arith.constant 0 : i32
        %cond3A_125 = arith.cmpi ne, %convert_element_type3A_123, %cond3A_124 : i32
        scf.if %cond3A_125 {
          %dma_wait3A = arith.constant 0 : i32
          %dma_wait3A_148 = tpu.memref_slice %arg12[%while3A_108, %dma_wait3A] : memref<80x128xi32, #tpu.memory_space<vmem>> -> memref<1x128xi32, #tpu.memory_space<vmem>>
          %dma_wait3A_149 = tpu.memref_squeeze %dma_wait3A_148 : memref<1x128xi32, #tpu.memory_space<vmem>> -> memref<128xi32, #tpu.memory_space<vmem>>
          %dma_wait3A_150 = arith.constant 0 : i32
          %dma_wait3A_151 = arith.constant 0 : i32
          %dma_wait3A_152 = tpu.memref_slice %arg4[%dma_wait3A_150, %dma_wait3A_151] : memref<10000x128xf32, #tpu.memory_space<hbm>> -> memref<10000x128xf32, #tpu.memory_space<hbm>>
          tpu.wait_indirect_dma semaphore(%arg16 : memref<!tpu.dma_semaphore, #tpu.memory_space<semaphore_mem>>) src(%dma_wait3A_152 : memref<10000x128xf32, #tpu.memory_space<hbm>>) dst(%arg14 : memref<128x128xf32, #tpu.memory_space<vmem>>)
          %add3A_153 = arith.constant 1 : i32
          %add3A_154 = arith.addi %while3A_108, %add3A_153 : i32
          %lt3A_155 = arith.cmpi slt, %add3A_154, %shift_right_logical3A_17 : i32
          %convert_element_type3A_156 = arith.extui %lt3A_155 : i1 to i32
          %cond3A_157 = arith.constant 0 : i32
          %cond3A_158 = arith.cmpi ne, %convert_element_type3A_156, %cond3A_157 : i32
          scf.if %cond3A_158 {
            %add3A_159 = arith.constant 1 : i32
            %add3A_160 = arith.addi %while3A_108, %add3A_159 : i32
            %dma_start3A = arith.constant 0 : i32
            %dma_start3A_161 = tpu.memref_slice %arg12[%add3A_160, %dma_start3A] : memref<80x128xi32, #tpu.memory_space<vmem>> -> memref<1x128xi32, #tpu.memory_space<vmem>>
            %dma_start3A_162 = tpu.memref_squeeze %dma_start3A_161 : memref<1x128xi32, #tpu.memory_space<vmem>> -> memref<128xi32, #tpu.memory_space<vmem>>
            %dma_start3A_163 = arith.constant 0 : i32
            %dma_start3A_164 = arith.constant 0 : i32
            %dma_start3A_165 = tpu.memref_slice %arg4[%dma_start3A_163, %dma_start3A_164] : memref<10000x128xf32, #tpu.memory_space<hbm>> -> memref<10000x128xf32, #tpu.memory_space<hbm>>
            tpu.enqueue_indirect_dma source(%dma_start3A_165 : memref<10000x128xf32, #tpu.memory_space<hbm>>) target(%arg15 : memref<128x128xf32, #tpu.memory_space<vmem>>) offsets(%dma_start3A_162 : memref<128xi32, #tpu.memory_space<vmem>>) semaphore(%arg17 : memref<!tpu.dma_semaphore, #tpu.memory_space<semaphore_mem>>)
          } else {
          }
          "tpu.region"() ({
            %run_scoped3A = tpu.sem_alloc : memref<!tpu.dma_semaphore, #tpu.memory_space<semaphore_mem>>
            %dma_start3A = arith.constant 0 : i32
            %dma_start3A_159 = tpu.memref_slice %arg13[%while3A_108, %dma_start3A] : memref<80x128xi32, #tpu.memory_space<vmem>> -> memref<1x128xi32, #tpu.memory_space<vmem>>
            %dma_start3A_160 = tpu.memref_squeeze %dma_start3A_159 : memref<1x128xi32, #tpu.memory_space<vmem>> -> memref<128xi32, #tpu.memory_space<vmem>>
            %dma_start3A_161 = arith.constant 0 : i32
            %dma_start3A_162 = arith.constant 0 : i32
            %dma_start3A_163 = tpu.memref_slice %arg18[%dma_start3A_161, %dma_start3A_162] : memref<5008x128xf32, #tpu.memory_space<vmem_shared>> -> memref<5008x128xf32, #tpu.memory_space<vmem_shared>>
            tpu.enqueue_indirect_dma source(%arg14 : memref<128x128xf32, #tpu.memory_space<vmem>>) target(%dma_start3A_163 : memref<5008x128xf32, #tpu.memory_space<vmem_shared>>) offsets(%dma_start3A_160 : memref<128xi32, #tpu.memory_space<vmem>>) semaphore(%run_scoped3A : memref<!tpu.dma_semaphore, #tpu.memory_space<semaphore_mem>>) {add = true}
            %dma_wait3A_164 = arith.constant 0 : i32
            %dma_wait3A_165 = tpu.memref_slice %arg13[%while3A_108, %dma_wait3A_164] : memref<80x128xi32, #tpu.memory_space<vmem>> -> memref<1x128xi32, #tpu.memory_space<vmem>>
            %dma_wait3A_166 = tpu.memref_squeeze %dma_wait3A_165 : memref<1x128xi32, #tpu.memory_space<vmem>> -> memref<128xi32, #tpu.memory_space<vmem>>
            %dma_wait3A_167 = arith.constant 0 : i32
            %dma_wait3A_168 = arith.constant 0 : i32
            %dma_wait3A_169 = tpu.memref_slice %arg18[%dma_wait3A_167, %dma_wait3A_168] : memref<5008x128xf32, #tpu.memory_space<vmem_shared>> -> memref<5008x128xf32, #tpu.memory_space<vmem_shared>>
            tpu.wait_indirect_dma semaphore(%run_scoped3A : memref<!tpu.dma_semaphore, #tpu.memory_space<semaphore_mem>>) src(%arg14 : memref<128x128xf32, #tpu.memory_space<vmem>>) dst(%dma_wait3A_169 : memref<5008x128xf32, #tpu.memory_space<vmem_shared>>)
            tpu.yield
          }) : () -> ()
        } else {
        }
        %jit3A_126 = arith.constant 2 : i32
        %eq3A_127 = arith.constant 0 : i32
        %eq3A_128 = arith.cmpi eq, %jit3A_126, %eq3A_127 : i32
        %jit3A_129 = arith.constant 1 : i32
        %select_n3A_130 = arith.select %eq3A_128, %jit3A_129, %jit3A_126 : i32
        %rem3A_131 = arith.remsi %while3A_108, %select_n3A_130 : i32
        %ne3A_132 = arith.constant 0 : i32
        %ne3A_133 = arith.cmpi ne, %rem3A_131, %ne3A_132 : i32
        %lt3A_134 = arith.constant 0 : i32
        %lt3A_135 = arith.cmpi slt, %rem3A_131, %lt3A_134 : i32
        %lt3A_136 = arith.constant 0 : i32
        %lt3A_137 = arith.cmpi slt, %select_n3A_130, %lt3A_136 : i32
        %ne3A_138 = arith.xori %lt3A_135, %lt3A_137 : i1
        %and3A_139 = arith.andi %ne3A_138, %ne3A_133 : i1
        %add3A_140 = arith.addi %rem3A_131, %select_n3A_130 : i32
        %select_n3A_141 = arith.select %and3A_139, %add3A_140, %rem3A_131 : i32
        %eq3A_142 = arith.constant 1 : i32
        %eq3A_143 = arith.cmpi eq, %select_n3A_141, %eq3A_142 : i32
        %convert_element_type3A_144 = arith.extui %eq3A_143 : i1 to i32
        %cond3A_145 = arith.constant 0 : i32
        %cond3A_146 = arith.cmpi ne, %convert_element_type3A_144, %cond3A_145 : i32
        scf.if %cond3A_146 {
          %dma_wait3A = arith.constant 0 : i32
          %dma_wait3A_148 = tpu.memref_slice %arg12[%while3A_108, %dma_wait3A] : memref<80x128xi32, #tpu.memory_space<vmem>> -> memref<1x128xi32, #tpu.memory_space<vmem>>
          %dma_wait3A_149 = tpu.memref_squeeze %dma_wait3A_148 : memref<1x128xi32, #tpu.memory_space<vmem>> -> memref<128xi32, #tpu.memory_space<vmem>>
          %dma_wait3A_150 = arith.constant 0 : i32
          %dma_wait3A_151 = arith.constant 0 : i32
          %dma_wait3A_152 = tpu.memref_slice %arg4[%dma_wait3A_150, %dma_wait3A_151] : memref<10000x128xf32, #tpu.memory_space<hbm>> -> memref<10000x128xf32, #tpu.memory_space<hbm>>
          tpu.wait_indirect_dma semaphore(%arg17 : memref<!tpu.dma_semaphore, #tpu.memory_space<semaphore_mem>>) src(%dma_wait3A_152 : memref<10000x128xf32, #tpu.memory_space<hbm>>) dst(%arg15 : memref<128x128xf32, #tpu.memory_space<vmem>>)
          %add3A_153 = arith.constant 1 : i32
          %add3A_154 = arith.addi %while3A_108, %add3A_153 : i32
          %lt3A_155 = arith.cmpi slt, %add3A_154, %shift_right_logical3A_17 : i32
          %convert_element_type3A_156 = arith.extui %lt3A_155 : i1 to i32
          %cond3A_157 = arith.constant 0 : i32
          %cond3A_158 = arith.cmpi ne, %convert_element_type3A_156, %cond3A_157 : i32
          scf.if %cond3A_158 {
            %add3A_159 = arith.constant 1 : i32
            %add3A_160 = arith.addi %while3A_108, %add3A_159 : i32
            %dma_start3A = arith.constant 0 : i32
            %dma_start3A_161 = tpu.memref_slice %arg12[%add3A_160, %dma_start3A] : memref<80x128xi32, #tpu.memory_space<vmem>> -> memref<1x128xi32, #tpu.memory_space<vmem>>
            %dma_start3A_162 = tpu.memref_squeeze %dma_start3A_161 : memref<1x128xi32, #tpu.memory_space<vmem>> -> memref<128xi32, #tpu.memory_space<vmem>>
            %dma_start3A_163 = arith.constant 0 : i32
            %dma_start3A_164 = arith.constant 0 : i32
            %dma_start3A_165 = tpu.memref_slice %arg4[%dma_start3A_163, %dma_start3A_164] : memref<10000x128xf32, #tpu.memory_space<hbm>> -> memref<10000x128xf32, #tpu.memory_space<hbm>>
            tpu.enqueue_indirect_dma source(%dma_start3A_165 : memref<10000x128xf32, #tpu.memory_space<hbm>>) target(%arg14 : memref<128x128xf32, #tpu.memory_space<vmem>>) offsets(%dma_start3A_162 : memref<128xi32, #tpu.memory_space<vmem>>) semaphore(%arg16 : memref<!tpu.dma_semaphore, #tpu.memory_space<semaphore_mem>>)
          } else {
          }
          "tpu.region"() ({
            %run_scoped3A = tpu.sem_alloc : memref<!tpu.dma_semaphore, #tpu.memory_space<semaphore_mem>>
            %dma_start3A = arith.constant 0 : i32
            %dma_start3A_159 = tpu.memref_slice %arg13[%while3A_108, %dma_start3A] : memref<80x128xi32, #tpu.memory_space<vmem>> -> memref<1x128xi32, #tpu.memory_space<vmem>>
            %dma_start3A_160 = tpu.memref_squeeze %dma_start3A_159 : memref<1x128xi32, #tpu.memory_space<vmem>> -> memref<128xi32, #tpu.memory_space<vmem>>
            %dma_start3A_161 = arith.constant 0 : i32
            %dma_start3A_162 = arith.constant 0 : i32
            %dma_start3A_163 = tpu.memref_slice %arg18[%dma_start3A_161, %dma_start3A_162] : memref<5008x128xf32, #tpu.memory_space<vmem_shared>> -> memref<5008x128xf32, #tpu.memory_space<vmem_shared>>
            tpu.enqueue_indirect_dma source(%arg15 : memref<128x128xf32, #tpu.memory_space<vmem>>) target(%dma_start3A_163 : memref<5008x128xf32, #tpu.memory_space<vmem_shared>>) offsets(%dma_start3A_160 : memref<128xi32, #tpu.memory_space<vmem>>) semaphore(%run_scoped3A : memref<!tpu.dma_semaphore, #tpu.memory_space<semaphore_mem>>) {add = true}
            %dma_wait3A_164 = arith.constant 0 : i32
            %dma_wait3A_165 = tpu.memref_slice %arg13[%while3A_108, %dma_wait3A_164] : memref<80x128xi32, #tpu.memory_space<vmem>> -> memref<1x128xi32, #tpu.memory_space<vmem>>
            %dma_wait3A_166 = tpu.memref_squeeze %dma_wait3A_165 : memref<1x128xi32, #tpu.memory_space<vmem>> -> memref<128xi32, #tpu.memory_space<vmem>>
            %dma_wait3A_167 = arith.constant 0 : i32
            %dma_wait3A_168 = arith.constant 0 : i32
            %dma_wait3A_169 = tpu.memref_slice %arg18[%dma_wait3A_167, %dma_wait3A_168] : memref<5008x128xf32, #tpu.memory_space<vmem_shared>> -> memref<5008x128xf32, #tpu.memory_space<vmem_shared>>
            tpu.wait_indirect_dma semaphore(%run_scoped3A : memref<!tpu.dma_semaphore, #tpu.memory_space<semaphore_mem>>) src(%arg15 : memref<128x128xf32, #tpu.memory_space<vmem>>) dst(%dma_wait3A_169 : memref<5008x128xf32, #tpu.memory_space<vmem_shared>>)
            tpu.yield
          }) : () -> ()
        } else {
        }
        %while3A_147 = arith.constant 0 : i32
        scf.yield %while3A_147 : i32
      }
    } else {
    }
    %eq3A_43 = arith.constant 1 : i32
    %eq3A_44 = arith.cmpi eq, %arg0, %eq3A_43 : i32
    %convert_element_type3A_45 = arith.extui %eq3A_44 : i1 to i32
    %cond3A_46 = arith.constant 0 : i32
    %cond3A_47 = arith.cmpi ne, %convert_element_type3A_45, %cond3A_46 : i32
    scf.if %cond3A_47 {
      %gt3A = arith.constant 0 : i32
      %gt3A_93 = arith.cmpi sgt, %shift_right_logical3A_17, %gt3A : i32
      %convert_element_type3A_94 = arith.extui %gt3A_93 : i1 to i32
      %cond3A_95 = arith.constant 0 : i32
      %cond3A_96 = arith.cmpi ne, %convert_element_type3A_94, %cond3A_95 : i32
      scf.if %cond3A_96 {
        %dma_start3A = arith.constant 0 : i32
        %dma_start3A_108 = arith.constant 0 : i32
        %dma_start3A_109 = tpu.memref_slice %arg12[%dma_start3A, %dma_start3A_108] : memref<80x128xi32, #tpu.memory_space<vmem>> -> memref<1x128xi32, #tpu.memory_space<vmem>>
        %dma_start3A_110 = tpu.memref_squeeze %dma_start3A_109 : memref<1x128xi32, #tpu.memory_space<vmem>> -> memref<128xi32, #tpu.memory_space<vmem>>
        %dma_start3A_111 = arith.constant 0 : i32
        %dma_start3A_112 = arith.constant 0 : i32
        %dma_start3A_113 = tpu.memref_slice %arg5[%dma_start3A_111, %dma_start3A_112] : memref<10000x128xf32, #tpu.memory_space<hbm>> -> memref<10000x128xf32, #tpu.memory_space<hbm>>
        tpu.enqueue_indirect_dma source(%dma_start3A_113 : memref<10000x128xf32, #tpu.memory_space<hbm>>) target(%arg14 : memref<128x128xf32, #tpu.memory_space<vmem>>) offsets(%dma_start3A_110 : memref<128xi32, #tpu.memory_space<vmem>>) semaphore(%arg16 : memref<!tpu.dma_semaphore, #tpu.memory_space<semaphore_mem>>)
      } else {
      }
      %while3A = arith.constant 0 : i32
      %while3A_97 = arith.constant 0 : i32
      %while3A_98 = arith.subi %shift_right_logical3A_17, %while3A : i32
      %while3A_99 = arith.addi %while3A, %while3A_98 : i32
      %while3A_100 = arith.constant 1 : i32
      %while3A_101 = arith.divsi %while3A_98, %while3A_100 : i32
      %while3A_102 = arith.muli %while3A_101, %while3A_100 : i32
      %while3A_103 = arith.addi %while3A, %while3A_102 : i32
      %while3A_104 = arith.constant 1 : i32
      %while3A_105 = scf.for %while3A_108 = %while3A to %while3A_103 step %while3A_104 iter_args(%while3A_109 = %while3A_97) -> (i32)  : i32 {
        %jit3A = arith.constant 2 : i32
        %eq3A_110 = arith.constant 0 : i32
        %eq3A_111 = arith.cmpi eq, %jit3A, %eq3A_110 : i32
        %jit3A_112 = arith.constant 1 : i32
        %select_n3A = arith.select %eq3A_111, %jit3A_112, %jit3A : i32
        %rem3A = arith.remsi %while3A_108, %select_n3A : i32
        %ne3A = arith.constant 0 : i32
        %ne3A_113 = arith.cmpi ne, %rem3A, %ne3A : i32
        %lt3A_114 = arith.constant 0 : i32
        %lt3A_115 = arith.cmpi slt, %rem3A, %lt3A_114 : i32
        %lt3A_116 = arith.constant 0 : i32
        %lt3A_117 = arith.cmpi slt, %select_n3A, %lt3A_116 : i32
        %ne3A_118 = arith.xori %lt3A_115, %lt3A_117 : i1
        %and3A = arith.andi %ne3A_118, %ne3A_113 : i1
        %add3A_119 = arith.addi %rem3A, %select_n3A : i32
        %select_n3A_120 = arith.select %and3A, %add3A_119, %rem3A : i32
        %eq3A_121 = arith.constant 0 : i32
        %eq3A_122 = arith.cmpi eq, %select_n3A_120, %eq3A_121 : i32
        %convert_element_type3A_123 = arith.extui %eq3A_122 : i1 to i32
        %cond3A_124 = arith.constant 0 : i32
        %cond3A_125 = arith.cmpi ne, %convert_element_type3A_123, %cond3A_124 : i32
        scf.if %cond3A_125 {
          %dma_wait3A = arith.constant 0 : i32
          %dma_wait3A_148 = tpu.memref_slice %arg12[%while3A_108, %dma_wait3A] : memref<80x128xi32, #tpu.memory_space<vmem>> -> memref<1x128xi32, #tpu.memory_space<vmem>>
          %dma_wait3A_149 = tpu.memref_squeeze %dma_wait3A_148 : memref<1x128xi32, #tpu.memory_space<vmem>> -> memref<128xi32, #tpu.memory_space<vmem>>
          %dma_wait3A_150 = arith.constant 0 : i32
          %dma_wait3A_151 = arith.constant 0 : i32
          %dma_wait3A_152 = tpu.memref_slice %arg5[%dma_wait3A_150, %dma_wait3A_151] : memref<10000x128xf32, #tpu.memory_space<hbm>> -> memref<10000x128xf32, #tpu.memory_space<hbm>>
          tpu.wait_indirect_dma semaphore(%arg16 : memref<!tpu.dma_semaphore, #tpu.memory_space<semaphore_mem>>) src(%dma_wait3A_152 : memref<10000x128xf32, #tpu.memory_space<hbm>>) dst(%arg14 : memref<128x128xf32, #tpu.memory_space<vmem>>)
          %add3A_153 = arith.constant 1 : i32
          %add3A_154 = arith.addi %while3A_108, %add3A_153 : i32
          %lt3A_155 = arith.cmpi slt, %add3A_154, %shift_right_logical3A_17 : i32
          %convert_element_type3A_156 = arith.extui %lt3A_155 : i1 to i32
          %cond3A_157 = arith.constant 0 : i32
          %cond3A_158 = arith.cmpi ne, %convert_element_type3A_156, %cond3A_157 : i32
          scf.if %cond3A_158 {
            %add3A_159 = arith.constant 1 : i32
            %add3A_160 = arith.addi %while3A_108, %add3A_159 : i32
            %dma_start3A = arith.constant 0 : i32
            %dma_start3A_161 = tpu.memref_slice %arg12[%add3A_160, %dma_start3A] : memref<80x128xi32, #tpu.memory_space<vmem>> -> memref<1x128xi32, #tpu.memory_space<vmem>>
            %dma_start3A_162 = tpu.memref_squeeze %dma_start3A_161 : memref<1x128xi32, #tpu.memory_space<vmem>> -> memref<128xi32, #tpu.memory_space<vmem>>
            %dma_start3A_163 = arith.constant 0 : i32
            %dma_start3A_164 = arith.constant 0 : i32
            %dma_start3A_165 = tpu.memref_slice %arg5[%dma_start3A_163, %dma_start3A_164] : memref<10000x128xf32, #tpu.memory_space<hbm>> -> memref<10000x128xf32, #tpu.memory_space<hbm>>
            tpu.enqueue_indirect_dma source(%dma_start3A_165 : memref<10000x128xf32, #tpu.memory_space<hbm>>) target(%arg15 : memref<128x128xf32, #tpu.memory_space<vmem>>) offsets(%dma_start3A_162 : memref<128xi32, #tpu.memory_space<vmem>>) semaphore(%arg17 : memref<!tpu.dma_semaphore, #tpu.memory_space<semaphore_mem>>)
          } else {
          }
          "tpu.region"() ({
            %run_scoped3A = tpu.sem_alloc : memref<!tpu.dma_semaphore, #tpu.memory_space<semaphore_mem>>
            %dma_start3A = arith.constant 0 : i32
            %dma_start3A_159 = tpu.memref_slice %arg13[%while3A_108, %dma_start3A] : memref<80x128xi32, #tpu.memory_space<vmem>> -> memref<1x128xi32, #tpu.memory_space<vmem>>
            %dma_start3A_160 = tpu.memref_squeeze %dma_start3A_159 : memref<1x128xi32, #tpu.memory_space<vmem>> -> memref<128xi32, #tpu.memory_space<vmem>>
            %dma_start3A_161 = arith.constant 0 : i32
            %dma_start3A_162 = arith.constant 0 : i32
            %dma_start3A_163 = tpu.memref_slice %arg18[%dma_start3A_161, %dma_start3A_162] : memref<5008x128xf32, #tpu.memory_space<vmem_shared>> -> memref<5008x128xf32, #tpu.memory_space<vmem_shared>>
            tpu.enqueue_indirect_dma source(%arg14 : memref<128x128xf32, #tpu.memory_space<vmem>>) target(%dma_start3A_163 : memref<5008x128xf32, #tpu.memory_space<vmem_shared>>) offsets(%dma_start3A_160 : memref<128xi32, #tpu.memory_space<vmem>>) semaphore(%run_scoped3A : memref<!tpu.dma_semaphore, #tpu.memory_space<semaphore_mem>>) {add = true}
            %dma_wait3A_164 = arith.constant 0 : i32
            %dma_wait3A_165 = tpu.memref_slice %arg13[%while3A_108, %dma_wait3A_164] : memref<80x128xi32, #tpu.memory_space<vmem>> -> memref<1x128xi32, #tpu.memory_space<vmem>>
            %dma_wait3A_166 = tpu.memref_squeeze %dma_wait3A_165 : memref<1x128xi32, #tpu.memory_space<vmem>> -> memref<128xi32, #tpu.memory_space<vmem>>
            %dma_wait3A_167 = arith.constant 0 : i32
            %dma_wait3A_168 = arith.constant 0 : i32
            %dma_wait3A_169 = tpu.memref_slice %arg18[%dma_wait3A_167, %dma_wait3A_168] : memref<5008x128xf32, #tpu.memory_space<vmem_shared>> -> memref<5008x128xf32, #tpu.memory_space<vmem_shared>>
            tpu.wait_indirect_dma semaphore(%run_scoped3A : memref<!tpu.dma_semaphore, #tpu.memory_space<semaphore_mem>>) src(%arg14 : memref<128x128xf32, #tpu.memory_space<vmem>>) dst(%dma_wait3A_169 : memref<5008x128xf32, #tpu.memory_space<vmem_shared>>)
            tpu.yield
          }) : () -> ()
        } else {
        }
        %jit3A_126 = arith.constant 2 : i32
        %eq3A_127 = arith.constant 0 : i32
        %eq3A_128 = arith.cmpi eq, %jit3A_126, %eq3A_127 : i32
        %jit3A_129 = arith.constant 1 : i32
        %select_n3A_130 = arith.select %eq3A_128, %jit3A_129, %jit3A_126 : i32
        %rem3A_131 = arith.remsi %while3A_108, %select_n3A_130 : i32
        %ne3A_132 = arith.constant 0 : i32
        %ne3A_133 = arith.cmpi ne, %rem3A_131, %ne3A_132 : i32
        %lt3A_134 = arith.constant 0 : i32
        %lt3A_135 = arith.cmpi slt, %rem3A_131, %lt3A_134 : i32
        %lt3A_136 = arith.constant 0 : i32
        %lt3A_137 = arith.cmpi slt, %select_n3A_130, %lt3A_136 : i32
        %ne3A_138 = arith.xori %lt3A_135, %lt3A_137 : i1
        %and3A_139 = arith.andi %ne3A_138, %ne3A_133 : i1
        %add3A_140 = arith.addi %rem3A_131, %select_n3A_130 : i32
        %select_n3A_141 = arith.select %and3A_139, %add3A_140, %rem3A_131 : i32
        %eq3A_142 = arith.constant 1 : i32
        %eq3A_143 = arith.cmpi eq, %select_n3A_141, %eq3A_142 : i32
        %convert_element_type3A_144 = arith.extui %eq3A_143 : i1 to i32
        %cond3A_145 = arith.constant 0 : i32
        %cond3A_146 = arith.cmpi ne, %convert_element_type3A_144, %cond3A_145 : i32
        scf.if %cond3A_146 {
          %dma_wait3A = arith.constant 0 : i32
          %dma_wait3A_148 = tpu.memref_slice %arg12[%while3A_108, %dma_wait3A] : memref<80x128xi32, #tpu.memory_space<vmem>> -> memref<1x128xi32, #tpu.memory_space<vmem>>
          %dma_wait3A_149 = tpu.memref_squeeze %dma_wait3A_148 : memref<1x128xi32, #tpu.memory_space<vmem>> -> memref<128xi32, #tpu.memory_space<vmem>>
          %dma_wait3A_150 = arith.constant 0 : i32
          %dma_wait3A_151 = arith.constant 0 : i32
          %dma_wait3A_152 = tpu.memref_slice %arg5[%dma_wait3A_150, %dma_wait3A_151] : memref<10000x128xf32, #tpu.memory_space<hbm>> -> memref<10000x128xf32, #tpu.memory_space<hbm>>
          tpu.wait_indirect_dma semaphore(%arg17 : memref<!tpu.dma_semaphore, #tpu.memory_space<semaphore_mem>>) src(%dma_wait3A_152 : memref<10000x128xf32, #tpu.memory_space<hbm>>) dst(%arg15 : memref<128x128xf32, #tpu.memory_space<vmem>>)
          %add3A_153 = arith.constant 1 : i32
          %add3A_154 = arith.addi %while3A_108, %add3A_153 : i32
          %lt3A_155 = arith.cmpi slt, %add3A_154, %shift_right_logical3A_17 : i32
          %convert_element_type3A_156 = arith.extui %lt3A_155 : i1 to i32
          %cond3A_157 = arith.constant 0 : i32
          %cond3A_158 = arith.cmpi ne, %convert_element_type3A_156, %cond3A_157 : i32
          scf.if %cond3A_158 {
            %add3A_159 = arith.constant 1 : i32
            %add3A_160 = arith.addi %while3A_108, %add3A_159 : i32
            %dma_start3A = arith.constant 0 : i32
            %dma_start3A_161 = tpu.memref_slice %arg12[%add3A_160, %dma_start3A] : memref<80x128xi32, #tpu.memory_space<vmem>> -> memref<1x128xi32, #tpu.memory_space<vmem>>
            %dma_start3A_162 = tpu.memref_squeeze %dma_start3A_161 : memref<1x128xi32, #tpu.memory_space<vmem>> -> memref<128xi32, #tpu.memory_space<vmem>>
            %dma_start3A_163 = arith.constant 0 : i32
            %dma_start3A_164 = arith.constant 0 : i32
            %dma_start3A_165 = tpu.memref_slice %arg5[%dma_start3A_163, %dma_start3A_164] : memref<10000x128xf32, #tpu.memory_space<hbm>> -> memref<10000x128xf32, #tpu.memory_space<hbm>>
            tpu.enqueue_indirect_dma source(%dma_start3A_165 : memref<10000x128xf32, #tpu.memory_space<hbm>>) target(%arg14 : memref<128x128xf32, #tpu.memory_space<vmem>>) offsets(%dma_start3A_162 : memref<128xi32, #tpu.memory_space<vmem>>) semaphore(%arg16 : memref<!tpu.dma_semaphore, #tpu.memory_space<semaphore_mem>>)
          } else {
          }
          "tpu.region"() ({
            %run_scoped3A = tpu.sem_alloc : memref<!tpu.dma_semaphore, #tpu.memory_space<semaphore_mem>>
            %dma_start3A = arith.constant 0 : i32
            %dma_start3A_159 = tpu.memref_slice %arg13[%while3A_108, %dma_start3A] : memref<80x128xi32, #tpu.memory_space<vmem>> -> memref<1x128xi32, #tpu.memory_space<vmem>>
            %dma_start3A_160 = tpu.memref_squeeze %dma_start3A_159 : memref<1x128xi32, #tpu.memory_space<vmem>> -> memref<128xi32, #tpu.memory_space<vmem>>
            %dma_start3A_161 = arith.constant 0 : i32
            %dma_start3A_162 = arith.constant 0 : i32
            %dma_start3A_163 = tpu.memref_slice %arg18[%dma_start3A_161, %dma_start3A_162] : memref<5008x128xf32, #tpu.memory_space<vmem_shared>> -> memref<5008x128xf32, #tpu.memory_space<vmem_shared>>
            tpu.enqueue_indirect_dma source(%arg15 : memref<128x128xf32, #tpu.memory_space<vmem>>) target(%dma_start3A_163 : memref<5008x128xf32, #tpu.memory_space<vmem_shared>>) offsets(%dma_start3A_160 : memref<128xi32, #tpu.memory_space<vmem>>) semaphore(%run_scoped3A : memref<!tpu.dma_semaphore, #tpu.memory_space<semaphore_mem>>) {add = true}
            %dma_wait3A_164 = arith.constant 0 : i32
            %dma_wait3A_165 = tpu.memref_slice %arg13[%while3A_108, %dma_wait3A_164] : memref<80x128xi32, #tpu.memory_space<vmem>> -> memref<1x128xi32, #tpu.memory_space<vmem>>
            %dma_wait3A_166 = tpu.memref_squeeze %dma_wait3A_165 : memref<1x128xi32, #tpu.memory_space<vmem>> -> memref<128xi32, #tpu.memory_space<vmem>>
            %dma_wait3A_167 = arith.constant 0 : i32
            %dma_wait3A_168 = arith.constant 0 : i32
            %dma_wait3A_169 = tpu.memref_slice %arg18[%dma_wait3A_167, %dma_wait3A_168] : memref<5008x128xf32, #tpu.memory_space<vmem_shared>> -> memref<5008x128xf32, #tpu.memory_space<vmem_shared>>
            tpu.wait_indirect_dma semaphore(%run_scoped3A : memref<!tpu.dma_semaphore, #tpu.memory_space<semaphore_mem>>) src(%arg15 : memref<128x128xf32, #tpu.memory_space<vmem>>) dst(%dma_wait3A_169 : memref<5008x128xf32, #tpu.memory_space<vmem_shared>>)
            tpu.yield
          }) : () -> ()
        } else {
        }
        %while3A_147 = arith.constant 0 : i32
        scf.yield %while3A_147 : i32
      }
      %while3A_106 = arith.constant 1 : i32
      %while3A_107 = scf.for %while3A_108 = %while3A_103 to %while3A_99 step %while3A_106 iter_args(%while3A_109 = %while3A_105) -> (i32)  : i32 {
        %jit3A = arith.constant 2 : i32
        %eq3A_110 = arith.constant 0 : i32
        %eq3A_111 = arith.cmpi eq, %jit3A, %eq3A_110 : i32
        %jit3A_112 = arith.constant 1 : i32
        %select_n3A = arith.select %eq3A_111, %jit3A_112, %jit3A : i32
        %rem3A = arith.remsi %while3A_108, %select_n3A : i32
        %ne3A = arith.constant 0 : i32
        %ne3A_113 = arith.cmpi ne, %rem3A, %ne3A : i32
        %lt3A_114 = arith.constant 0 : i32
        %lt3A_115 = arith.cmpi slt, %rem3A, %lt3A_114 : i32
        %lt3A_116 = arith.constant 0 : i32
        %lt3A_117 = arith.cmpi slt, %select_n3A, %lt3A_116 : i32
        %ne3A_118 = arith.xori %lt3A_115, %lt3A_117 : i1
        %and3A = arith.andi %ne3A_118, %ne3A_113 : i1
        %add3A_119 = arith.addi %rem3A, %select_n3A : i32
        %select_n3A_120 = arith.select %and3A, %add3A_119, %rem3A : i32
        %eq3A_121 = arith.constant 0 : i32
        %eq3A_122 = arith.cmpi eq, %select_n3A_120, %eq3A_121 : i32
        %convert_element_type3A_123 = arith.extui %eq3A_122 : i1 to i32
        %cond3A_124 = arith.constant 0 : i32
        %cond3A_125 = arith.cmpi ne, %convert_element_type3A_123, %cond3A_124 : i32
        scf.if %cond3A_125 {
          %dma_wait3A = arith.constant 0 : i32
          %dma_wait3A_148 = tpu.memref_slice %arg12[%while3A_108, %dma_wait3A] : memref<80x128xi32, #tpu.memory_space<vmem>> -> memref<1x128xi32, #tpu.memory_space<vmem>>
          %dma_wait3A_149 = tpu.memref_squeeze %dma_wait3A_148 : memref<1x128xi32, #tpu.memory_space<vmem>> -> memref<128xi32, #tpu.memory_space<vmem>>
          %dma_wait3A_150 = arith.constant 0 : i32
          %dma_wait3A_151 = arith.constant 0 : i32
          %dma_wait3A_152 = tpu.memref_slice %arg5[%dma_wait3A_150, %dma_wait3A_151] : memref<10000x128xf32, #tpu.memory_space<hbm>> -> memref<10000x128xf32, #tpu.memory_space<hbm>>
          tpu.wait_indirect_dma semaphore(%arg16 : memref<!tpu.dma_semaphore, #tpu.memory_space<semaphore_mem>>) src(%dma_wait3A_152 : memref<10000x128xf32, #tpu.memory_space<hbm>>) dst(%arg14 : memref<128x128xf32, #tpu.memory_space<vmem>>)
          %add3A_153 = arith.constant 1 : i32
          %add3A_154 = arith.addi %while3A_108, %add3A_153 : i32
          %lt3A_155 = arith.cmpi slt, %add3A_154, %shift_right_logical3A_17 : i32
          %convert_element_type3A_156 = arith.extui %lt3A_155 : i1 to i32
          %cond3A_157 = arith.constant 0 : i32
          %cond3A_158 = arith.cmpi ne, %convert_element_type3A_156, %cond3A_157 : i32
          scf.if %cond3A_158 {
            %add3A_159 = arith.constant 1 : i32
            %add3A_160 = arith.addi %while3A_108, %add3A_159 : i32
            %dma_start3A = arith.constant 0 : i32
            %dma_start3A_161 = tpu.memref_slice %arg12[%add3A_160, %dma_start3A] : memref<80x128xi32, #tpu.memory_space<vmem>> -> memref<1x128xi32, #tpu.memory_space<vmem>>
            %dma_start3A_162 = tpu.memref_squeeze %dma_start3A_161 : memref<1x128xi32, #tpu.memory_space<vmem>> -> memref<128xi32, #tpu.memory_space<vmem>>
            %dma_start3A_163 = arith.constant 0 : i32
            %dma_start3A_164 = arith.constant 0 : i32
            %dma_start3A_165 = tpu.memref_slice %arg5[%dma_start3A_163, %dma_start3A_164] : memref<10000x128xf32, #tpu.memory_space<hbm>> -> memref<10000x128xf32, #tpu.memory_space<hbm>>
            tpu.enqueue_indirect_dma source(%dma_start3A_165 : memref<10000x128xf32, #tpu.memory_space<hbm>>) target(%arg15 : memref<128x128xf32, #tpu.memory_space<vmem>>) offsets(%dma_start3A_162 : memref<128xi32, #tpu.memory_space<vmem>>) semaphore(%arg17 : memref<!tpu.dma_semaphore, #tpu.memory_space<semaphore_mem>>)
          } else {
          }
          "tpu.region"() ({
            %run_scoped3A = tpu.sem_alloc : memref<!tpu.dma_semaphore, #tpu.memory_space<semaphore_mem>>
            %dma_start3A = arith.constant 0 : i32
            %dma_start3A_159 = tpu.memref_slice %arg13[%while3A_108, %dma_start3A] : memref<80x128xi32, #tpu.memory_space<vmem>> -> memref<1x128xi32, #tpu.memory_space<vmem>>
            %dma_start3A_160 = tpu.memref_squeeze %dma_start3A_159 : memref<1x128xi32, #tpu.memory_space<vmem>> -> memref<128xi32, #tpu.memory_space<vmem>>
            %dma_start3A_161 = arith.constant 0 : i32
            %dma_start3A_162 = arith.constant 0 : i32
            %dma_start3A_163 = tpu.memref_slice %arg18[%dma_start3A_161, %dma_start3A_162] : memref<5008x128xf32, #tpu.memory_space<vmem_shared>> -> memref<5008x128xf32, #tpu.memory_space<vmem_shared>>
            tpu.enqueue_indirect_dma source(%arg14 : memref<128x128xf32, #tpu.memory_space<vmem>>) target(%dma_start3A_163 : memref<5008x128xf32, #tpu.memory_space<vmem_shared>>) offsets(%dma_start3A_160 : memref<128xi32, #tpu.memory_space<vmem>>) semaphore(%run_scoped3A : memref<!tpu.dma_semaphore, #tpu.memory_space<semaphore_mem>>) {add = true}
            %dma_wait3A_164 = arith.constant 0 : i32
            %dma_wait3A_165 = tpu.memref_slice %arg13[%while3A_108, %dma_wait3A_164] : memref<80x128xi32, #tpu.memory_space<vmem>> -> memref<1x128xi32, #tpu.memory_space<vmem>>
            %dma_wait3A_166 = tpu.memref_squeeze %dma_wait3A_165 : memref<1x128xi32, #tpu.memory_space<vmem>> -> memref<128xi32, #tpu.memory_space<vmem>>
            %dma_wait3A_167 = arith.constant 0 : i32
            %dma_wait3A_168 = arith.constant 0 : i32
            %dma_wait3A_169 = tpu.memref_slice %arg18[%dma_wait3A_167, %dma_wait3A_168] : memref<5008x128xf32, #tpu.memory_space<vmem_shared>> -> memref<5008x128xf32, #tpu.memory_space<vmem_shared>>
            tpu.wait_indirect_dma semaphore(%run_scoped3A : memref<!tpu.dma_semaphore, #tpu.memory_space<semaphore_mem>>) src(%arg14 : memref<128x128xf32, #tpu.memory_space<vmem>>) dst(%dma_wait3A_169 : memref<5008x128xf32, #tpu.memory_space<vmem_shared>>)
            tpu.yield
          }) : () -> ()
        } else {
        }
        %jit3A_126 = arith.constant 2 : i32
        %eq3A_127 = arith.constant 0 : i32
        %eq3A_128 = arith.cmpi eq, %jit3A_126, %eq3A_127 : i32
        %jit3A_129 = arith.constant 1 : i32
        %select_n3A_130 = arith.select %eq3A_128, %jit3A_129, %jit3A_126 : i32
        %rem3A_131 = arith.remsi %while3A_108, %select_n3A_130 : i32
        %ne3A_132 = arith.constant 0 : i32
        %ne3A_133 = arith.cmpi ne, %rem3A_131, %ne3A_132 : i32
        %lt3A_134 = arith.constant 0 : i32
        %lt3A_135 = arith.cmpi slt, %rem3A_131, %lt3A_134 : i32
        %lt3A_136 = arith.constant 0 : i32
        %lt3A_137 = arith.cmpi slt, %select_n3A_130, %lt3A_136 : i32
        %ne3A_138 = arith.xori %lt3A_135, %lt3A_137 : i1
        %and3A_139 = arith.andi %ne3A_138, %ne3A_133 : i1
        %add3A_140 = arith.addi %rem3A_131, %select_n3A_130 : i32
        %select_n3A_141 = arith.select %and3A_139, %add3A_140, %rem3A_131 : i32
        %eq3A_142 = arith.constant 1 : i32
        %eq3A_143 = arith.cmpi eq, %select_n3A_141, %eq3A_142 : i32
        %convert_element_type3A_144 = arith.extui %eq3A_143 : i1 to i32
        %cond3A_145 = arith.constant 0 : i32
        %cond3A_146 = arith.cmpi ne, %convert_element_type3A_144, %cond3A_145 : i32
        scf.if %cond3A_146 {
          %dma_wait3A = arith.constant 0 : i32
          %dma_wait3A_148 = tpu.memref_slice %arg12[%while3A_108, %dma_wait3A] : memref<80x128xi32, #tpu.memory_space<vmem>> -> memref<1x128xi32, #tpu.memory_space<vmem>>
          %dma_wait3A_149 = tpu.memref_squeeze %dma_wait3A_148 : memref<1x128xi32, #tpu.memory_space<vmem>> -> memref<128xi32, #tpu.memory_space<vmem>>
          %dma_wait3A_150 = arith.constant 0 : i32
          %dma_wait3A_151 = arith.constant 0 : i32
          %dma_wait3A_152 = tpu.memref_slice %arg5[%dma_wait3A_150, %dma_wait3A_151] : memref<10000x128xf32, #tpu.memory_space<hbm>> -> memref<10000x128xf32, #tpu.memory_space<hbm>>
          tpu.wait_indirect_dma semaphore(%arg17 : memref<!tpu.dma_semaphore, #tpu.memory_space<semaphore_mem>>) src(%dma_wait3A_152 : memref<10000x128xf32, #tpu.memory_space<hbm>>) dst(%arg15 : memref<128x128xf32, #tpu.memory_space<vmem>>)
          %add3A_153 = arith.constant 1 : i32
          %add3A_154 = arith.addi %while3A_108, %add3A_153 : i32
          %lt3A_155 = arith.cmpi slt, %add3A_154, %shift_right_logical3A_17 : i32
          %convert_element_type3A_156 = arith.extui %lt3A_155 : i1 to i32
          %cond3A_157 = arith.constant 0 : i32
          %cond3A_158 = arith.cmpi ne, %convert_element_type3A_156, %cond3A_157 : i32
          scf.if %cond3A_158 {
            %add3A_159 = arith.constant 1 : i32
            %add3A_160 = arith.addi %while3A_108, %add3A_159 : i32
            %dma_start3A = arith.constant 0 : i32
            %dma_start3A_161 = tpu.memref_slice %arg12[%add3A_160, %dma_start3A] : memref<80x128xi32, #tpu.memory_space<vmem>> -> memref<1x128xi32, #tpu.memory_space<vmem>>
            %dma_start3A_162 = tpu.memref_squeeze %dma_start3A_161 : memref<1x128xi32, #tpu.memory_space<vmem>> -> memref<128xi32, #tpu.memory_space<vmem>>
            %dma_start3A_163 = arith.constant 0 : i32
            %dma_start3A_164 = arith.constant 0 : i32
            %dma_start3A_165 = tpu.memref_slice %arg5[%dma_start3A_163, %dma_start3A_164] : memref<10000x128xf32, #tpu.memory_space<hbm>> -> memref<10000x128xf32, #tpu.memory_space<hbm>>
            tpu.enqueue_indirect_dma source(%dma_start3A_165 : memref<10000x128xf32, #tpu.memory_space<hbm>>) target(%arg14 : memref<128x128xf32, #tpu.memory_space<vmem>>) offsets(%dma_start3A_162 : memref<128xi32, #tpu.memory_space<vmem>>) semaphore(%arg16 : memref<!tpu.dma_semaphore, #tpu.memory_space<semaphore_mem>>)
          } else {
          }
          "tpu.region"() ({
            %run_scoped3A = tpu.sem_alloc : memref<!tpu.dma_semaphore, #tpu.memory_space<semaphore_mem>>
            %dma_start3A = arith.constant 0 : i32
            %dma_start3A_159 = tpu.memref_slice %arg13[%while3A_108, %dma_start3A] : memref<80x128xi32, #tpu.memory_space<vmem>> -> memref<1x128xi32, #tpu.memory_space<vmem>>
            %dma_start3A_160 = tpu.memref_squeeze %dma_start3A_159 : memref<1x128xi32, #tpu.memory_space<vmem>> -> memref<128xi32, #tpu.memory_space<vmem>>
            %dma_start3A_161 = arith.constant 0 : i32
            %dma_start3A_162 = arith.constant 0 : i32
            %dma_start3A_163 = tpu.memref_slice %arg18[%dma_start3A_161, %dma_start3A_162] : memref<5008x128xf32, #tpu.memory_space<vmem_shared>> -> memref<5008x128xf32, #tpu.memory_space<vmem_shared>>
            tpu.enqueue_indirect_dma source(%arg15 : memref<128x128xf32, #tpu.memory_space<vmem>>) target(%dma_start3A_163 : memref<5008x128xf32, #tpu.memory_space<vmem_shared>>) offsets(%dma_start3A_160 : memref<128xi32, #tpu.memory_space<vmem>>) semaphore(%run_scoped3A : memref<!tpu.dma_semaphore, #tpu.memory_space<semaphore_mem>>) {add = true}
            %dma_wait3A_164 = arith.constant 0 : i32
            %dma_wait3A_165 = tpu.memref_slice %arg13[%while3A_108, %dma_wait3A_164] : memref<80x128xi32, #tpu.memory_space<vmem>> -> memref<1x128xi32, #tpu.memory_space<vmem>>
            %dma_wait3A_166 = tpu.memref_squeeze %dma_wait3A_165 : memref<1x128xi32, #tpu.memory_space<vmem>> -> memref<128xi32, #tpu.memory_space<vmem>>
            %dma_wait3A_167 = arith.constant 0 : i32
            %dma_wait3A_168 = arith.constant 0 : i32
            %dma_wait3A_169 = tpu.memref_slice %arg18[%dma_wait3A_167, %dma_wait3A_168] : memref<5008x128xf32, #tpu.memory_space<vmem_shared>> -> memref<5008x128xf32, #tpu.memory_space<vmem_shared>>
            tpu.wait_indirect_dma semaphore(%run_scoped3A : memref<!tpu.dma_semaphore, #tpu.memory_space<semaphore_mem>>) src(%arg15 : memref<128x128xf32, #tpu.memory_space<vmem>>) dst(%dma_wait3A_169 : memref<5008x128xf32, #tpu.memory_space<vmem_shared>>)
            tpu.yield
          }) : () -> ()
        } else {
        }
        %while3A_147 = arith.constant 0 : i32
        scf.yield %while3A_147 : i32
      }
    } else {
    }
    %barrier3A_48 = arith.constant 0 : index
    tpu.barrier barrier_id(%barrier3A_48)
    %eq3A_49 = arith.constant 0 : i32
    %eq3A_50 = arith.cmpi eq, %arg0, %eq3A_49 : i32
    %convert_element_type3A_51 = arith.extui %eq3A_50 : i1 to i32
    %cond3A_52 = arith.constant 0 : i32
    %cond3A_53 = arith.cmpi ne, %convert_element_type3A_51, %cond3A_52 : i32
    scf.if %cond3A_53 {
      %lt3A_93 = arith.constant 15 : i32
      %lt3A_94 = arith.cmpi slt, %arg1, %lt3A_93 : i32
      %convert_element_type3A_95 = arith.extui %lt3A_94 : i1 to i32
      %cond3A_96 = arith.constant 0 : i32
      %cond3A_97 = arith.cmpi ne, %convert_element_type3A_95, %cond3A_96 : i32
      scf.if %cond3A_97 {
        %mul3A = arith.constant 320 : i32
        %mul3A_103 = arith.muli %arg1, %mul3A : i32
        %mul3A_104 = arith.constant 320 : i32
        %mul3A_105 = arith.muli %arg1, %mul3A_104 : i32
        %add3A_106 = arith.constant 0 : i32
        %add3A_107 = arith.addi %add3A_106, %mul3A_105 : i32
        "tpu.region"() ({
          %run_scoped3A = tpu.sem_alloc : memref<!tpu.dma_semaphore, #tpu.memory_space<semaphore_mem>>
          %dma_start3A = arith.constant 0 : i32
          %dma_start3A_108 = tpu.memref_slice %arg8[%add3A_107, %dma_start3A] : memref<10000x128xf32, #tpu.memory_space<hbm>> -> memref<320x128xf32, #tpu.memory_space<hbm>>
          %dma_start3A_109 = arith.constant 0 : i32
          %dma_start3A_110 = tpu.memref_slice %arg18[%mul3A_103, %dma_start3A_109] : memref<5008x128xf32, #tpu.memory_space<vmem_shared>> -> memref<320x128xf32, #tpu.memory_space<vmem_shared>>
          tpu.enqueue_dma source(%dma_start3A_110 : memref<320x128xf32, #tpu.memory_space<vmem_shared>>) target(%dma_start3A_108 : memref<320x128xf32, #tpu.memory_space<hbm>>) target_semaphore(%run_scoped3A : memref<!tpu.dma_semaphore, #tpu.memory_space<semaphore_mem>>)
          %dma_wait3A = arith.constant 0 : i32
          %dma_wait3A_111 = tpu.memref_slice %arg8[%add3A_107, %dma_wait3A] : memref<10000x128xf32, #tpu.memory_space<hbm>> -> memref<320x128xf32, #tpu.memory_space<hbm>>
          %dma_wait3A_112 = arith.constant 0 : i32
          %dma_wait3A_113 = tpu.memref_slice %arg18[%mul3A_103, %dma_wait3A_112] : memref<5008x128xf32, #tpu.memory_space<vmem_shared>> -> memref<320x128xf32, #tpu.memory_space<vmem_shared>>
          tpu.wait_dma2 semaphore(%run_scoped3A : memref<!tpu.dma_semaphore, #tpu.memory_space<semaphore_mem>>) src(%dma_wait3A_113 : memref<320x128xf32, #tpu.memory_space<vmem_shared>>) dst(%dma_wait3A_111 : memref<320x128xf32, #tpu.memory_space<hbm>>)
          tpu.yield
        }) : () -> ()
      } else {
      }
      %eq3A_98 = arith.constant 15 : i32
      %eq3A_99 = arith.cmpi eq, %arg1, %eq3A_98 : i32
      %convert_element_type3A_100 = arith.extui %eq3A_99 : i1 to i32
      %cond3A_101 = arith.constant 0 : i32
      %cond3A_102 = arith.cmpi ne, %convert_element_type3A_100, %cond3A_101 : i32
      scf.if %cond3A_102 {
        "tpu.region"() ({
          %run_scoped3A = tpu.sem_alloc : memref<!tpu.dma_semaphore, #tpu.memory_space<semaphore_mem>>
          %dma_start3A = arith.constant 4800 : i32
          %dma_start3A_103 = arith.constant 0 : i32
          %dma_start3A_104 = tpu.memref_slice %arg8[%dma_start3A, %dma_start3A_103] : memref<10000x128xf32, #tpu.memory_space<hbm>> -> memref<200x128xf32, #tpu.memory_space<hbm>>
          %dma_start3A_105 = arith.constant 4800 : i32
          %dma_start3A_106 = arith.constant 0 : i32
          %dma_start3A_107 = tpu.memref_slice %arg18[%dma_start3A_105, %dma_start3A_106] : memref<5008x128xf32, #tpu.memory_space<vmem_shared>> -> memref<200x128xf32, #tpu.memory_space<vmem_shared>>
          tpu.enqueue_dma source(%dma_start3A_107 : memref<200x128xf32, #tpu.memory_space<vmem_shared>>) target(%dma_start3A_104 : memref<200x128xf32, #tpu.memory_space<hbm>>) target_semaphore(%run_scoped3A : memref<!tpu.dma_semaphore, #tpu.memory_space<semaphore_mem>>)
          %dma_wait3A = arith.constant 4800 : i32
          %dma_wait3A_108 = arith.constant 0 : i32
          %dma_wait3A_109 = tpu.memref_slice %arg8[%dma_wait3A, %dma_wait3A_108] : memref<10000x128xf32, #tpu.memory_space<hbm>> -> memref<200x128xf32, #tpu.memory_space<hbm>>
          %dma_wait3A_110 = arith.constant 4800 : i32
          %dma_wait3A_111 = arith.constant 0 : i32
          %dma_wait3A_112 = tpu.memref_slice %arg18[%dma_wait3A_110, %dma_wait3A_111] : memref<5008x128xf32, #tpu.memory_space<vmem_shared>> -> memref<200x128xf32, #tpu.memory_space<vmem_shared>>
          tpu.wait_dma2 semaphore(%run_scoped3A : memref<!tpu.dma_semaphore, #tpu.memory_space<semaphore_mem>>) src(%dma_wait3A_112 : memref<200x128xf32, #tpu.memory_space<vmem_shared>>) dst(%dma_wait3A_109 : memref<200x128xf32, #tpu.memory_space<hbm>>)
          tpu.yield
        }) : () -> ()
      } else {
      }
    } else {
    }
    %eq3A_54 = arith.constant 1 : i32
    %eq3A_55 = arith.cmpi eq, %arg0, %eq3A_54 : i32
    %convert_element_type3A_56 = arith.extui %eq3A_55 : i1 to i32
    %cond3A_57 = arith.constant 0 : i32
    %cond3A_58 = arith.cmpi ne, %convert_element_type3A_56, %cond3A_57 : i32
    scf.if %cond3A_58 {
      %lt3A_93 = arith.constant 15 : i32
      %lt3A_94 = arith.cmpi slt, %arg1, %lt3A_93 : i32
      %convert_element_type3A_95 = arith.extui %lt3A_94 : i1 to i32
      %cond3A_96 = arith.constant 0 : i32
      %cond3A_97 = arith.cmpi ne, %convert_element_type3A_95, %cond3A_96 : i32
      scf.if %cond3A_97 {
        %mul3A = arith.constant 320 : i32
        %mul3A_103 = arith.muli %arg1, %mul3A : i32
        %mul3A_104 = arith.constant 320 : i32
        %mul3A_105 = arith.muli %arg1, %mul3A_104 : i32
        %add3A_106 = arith.constant 0 : i32
        %add3A_107 = arith.addi %add3A_106, %mul3A_105 : i32
        "tpu.region"() ({
          %run_scoped3A = tpu.sem_alloc : memref<!tpu.dma_semaphore, #tpu.memory_space<semaphore_mem>>
          %dma_start3A = arith.constant 0 : i32
          %dma_start3A_108 = tpu.memref_slice %arg9[%add3A_107, %dma_start3A] : memref<10000x128xf32, #tpu.memory_space<hbm>> -> memref<320x128xf32, #tpu.memory_space<hbm>>
          %dma_start3A_109 = arith.constant 0 : i32
          %dma_start3A_110 = tpu.memref_slice %arg18[%mul3A_103, %dma_start3A_109] : memref<5008x128xf32, #tpu.memory_space<vmem_shared>> -> memref<320x128xf32, #tpu.memory_space<vmem_shared>>
          tpu.enqueue_dma source(%dma_start3A_110 : memref<320x128xf32, #tpu.memory_space<vmem_shared>>) target(%dma_start3A_108 : memref<320x128xf32, #tpu.memory_space<hbm>>) target_semaphore(%run_scoped3A : memref<!tpu.dma_semaphore, #tpu.memory_space<semaphore_mem>>)
          %dma_wait3A = arith.constant 0 : i32
          %dma_wait3A_111 = tpu.memref_slice %arg9[%add3A_107, %dma_wait3A] : memref<10000x128xf32, #tpu.memory_space<hbm>> -> memref<320x128xf32, #tpu.memory_space<hbm>>
          %dma_wait3A_112 = arith.constant 0 : i32
          %dma_wait3A_113 = tpu.memref_slice %arg18[%mul3A_103, %dma_wait3A_112] : memref<5008x128xf32, #tpu.memory_space<vmem_shared>> -> memref<320x128xf32, #tpu.memory_space<vmem_shared>>
          tpu.wait_dma2 semaphore(%run_scoped3A : memref<!tpu.dma_semaphore, #tpu.memory_space<semaphore_mem>>) src(%dma_wait3A_113 : memref<320x128xf32, #tpu.memory_space<vmem_shared>>) dst(%dma_wait3A_111 : memref<320x128xf32, #tpu.memory_space<hbm>>)
          tpu.yield
        }) : () -> ()
      } else {
      }
      %eq3A_98 = arith.constant 15 : i32
      %eq3A_99 = arith.cmpi eq, %arg1, %eq3A_98 : i32
      %convert_element_type3A_100 = arith.extui %eq3A_99 : i1 to i32
      %cond3A_101 = arith.constant 0 : i32
      %cond3A_102 = arith.cmpi ne, %convert_element_type3A_100, %cond3A_101 : i32
      scf.if %cond3A_102 {
        "tpu.region"() ({
          %run_scoped3A = tpu.sem_alloc : memref<!tpu.dma_semaphore, #tpu.memory_space<semaphore_mem>>
          %dma_start3A = arith.constant 4800 : i32
          %dma_start3A_103 = arith.constant 0 : i32
          %dma_start3A_104 = tpu.memref_slice %arg9[%dma_start3A, %dma_start3A_103] : memref<10000x128xf32, #tpu.memory_space<hbm>> -> memref<200x128xf32, #tpu.memory_space<hbm>>
          %dma_start3A_105 = arith.constant 4800 : i32
          %dma_start3A_106 = arith.constant 0 : i32
          %dma_start3A_107 = tpu.memref_slice %arg18[%dma_start3A_105, %dma_start3A_106] : memref<5008x128xf32, #tpu.memory_space<vmem_shared>> -> memref<200x128xf32, #tpu.memory_space<vmem_shared>>
          tpu.enqueue_dma source(%dma_start3A_107 : memref<200x128xf32, #tpu.memory_space<vmem_shared>>) target(%dma_start3A_104 : memref<200x128xf32, #tpu.memory_space<hbm>>) target_semaphore(%run_scoped3A : memref<!tpu.dma_semaphore, #tpu.memory_space<semaphore_mem>>)
          %dma_wait3A = arith.constant 4800 : i32
          %dma_wait3A_108 = arith.constant 0 : i32
          %dma_wait3A_109 = tpu.memref_slice %arg9[%dma_wait3A, %dma_wait3A_108] : memref<10000x128xf32, #tpu.memory_space<hbm>> -> memref<200x128xf32, #tpu.memory_space<hbm>>
          %dma_wait3A_110 = arith.constant 4800 : i32
          %dma_wait3A_111 = arith.constant 0 : i32
          %dma_wait3A_112 = tpu.memref_slice %arg18[%dma_wait3A_110, %dma_wait3A_111] : memref<5008x128xf32, #tpu.memory_space<vmem_shared>> -> memref<200x128xf32, #tpu.memory_space<vmem_shared>>
          tpu.wait_dma2 semaphore(%run_scoped3A : memref<!tpu.dma_semaphore, #tpu.memory_space<semaphore_mem>>) src(%dma_wait3A_112 : memref<200x128xf32, #tpu.memory_space<vmem_shared>>) dst(%dma_wait3A_109 : memref<200x128xf32, #tpu.memory_space<hbm>>)
          tpu.yield
        }) : () -> ()
      } else {
      }
    } else {
    }
    %barrier3A_59 = arith.constant 0 : index
    tpu.barrier barrier_id(%barrier3A_59)
    %lt3A_60 = arith.constant 15 : i32
    %lt3A_61 = arith.cmpi slt, %arg1, %lt3A_60 : i32
    %convert_element_type3A_62 = arith.extui %lt3A_61 : i1 to i32
    %cond3A_63 = arith.constant 0 : i32
    %cond3A_64 = arith.cmpi ne, %convert_element_type3A_62, %cond3A_63 : i32
    scf.if %cond3A_64 {
      %mul3A = arith.constant 320 : i32
      %mul3A_93 = arith.muli %arg1, %mul3A : i32
      "tpu.region"() ({
        %run_scoped3A = tpu.sem_alloc : memref<!tpu.dma_semaphore, #tpu.memory_space<semaphore_mem>>
        %dma_start3A = arith.constant 0 : i32
        %dma_start3A_94 = tpu.memref_slice %arg18[%mul3A_93, %dma_start3A] : memref<5008x128xf32, #tpu.memory_space<vmem_shared>> -> memref<320x128xf32, #tpu.memory_space<vmem_shared>>
        tpu.enqueue_dma source(%arg6 : memref<320x128xf32, #tpu.memory_space<hbm>>) target(%dma_start3A_94 : memref<320x128xf32, #tpu.memory_space<vmem_shared>>) target_semaphore(%run_scoped3A : memref<!tpu.dma_semaphore, #tpu.memory_space<semaphore_mem>>)
        %dma_wait3A = arith.constant 0 : i32
        %dma_wait3A_95 = tpu.memref_slice %arg18[%mul3A_93, %dma_wait3A] : memref<5008x128xf32, #tpu.memory_space<vmem_shared>> -> memref<320x128xf32, #tpu.memory_space<vmem_shared>>
        tpu.wait_dma2 semaphore(%run_scoped3A : memref<!tpu.dma_semaphore, #tpu.memory_space<semaphore_mem>>) src(%arg6 : memref<320x128xf32, #tpu.memory_space<hbm>>) dst(%dma_wait3A_95 : memref<320x128xf32, #tpu.memory_space<vmem_shared>>)
        tpu.yield
      }) : () -> ()
    } else {
    }
    %eq3A_65 = arith.constant 15 : i32
    %eq3A_66 = arith.cmpi eq, %arg1, %eq3A_65 : i32
    %convert_element_type3A_67 = arith.extui %eq3A_66 : i1 to i32
    %cond3A_68 = arith.constant 0 : i32
    %cond3A_69 = arith.cmpi ne, %convert_element_type3A_67, %cond3A_68 : i32
    scf.if %cond3A_69 {
      "tpu.region"() ({
        %run_scoped3A = tpu.sem_alloc : memref<!tpu.dma_semaphore, #tpu.memory_space<semaphore_mem>>
        %dma_start3A = arith.constant 4800 : i32
        %dma_start3A_93 = arith.constant 0 : i32
        %dma_start3A_94 = tpu.memref_slice %arg18[%dma_start3A, %dma_start3A_93] : memref<5008x128xf32, #tpu.memory_space<vmem_shared>> -> memref<208x128xf32, #tpu.memory_space<vmem_shared>>
        %dma_start3A_95 = arith.constant 0 : i32
        %dma_start3A_96 = arith.constant 0 : i32
        %dma_start3A_97 = tpu.memref_slice %arg6[%dma_start3A_95, %dma_start3A_96] : memref<320x128xf32, #tpu.memory_space<hbm>> -> memref<208x128xf32, #tpu.memory_space<hbm>>
        tpu.enqueue_dma source(%dma_start3A_97 : memref<208x128xf32, #tpu.memory_space<hbm>>) target(%dma_start3A_94 : memref<208x128xf32, #tpu.memory_space<vmem_shared>>) target_semaphore(%run_scoped3A : memref<!tpu.dma_semaphore, #tpu.memory_space<semaphore_mem>>)
        %dma_wait3A = arith.constant 4800 : i32
        %dma_wait3A_98 = arith.constant 0 : i32
        %dma_wait3A_99 = tpu.memref_slice %arg18[%dma_wait3A, %dma_wait3A_98] : memref<5008x128xf32, #tpu.memory_space<vmem_shared>> -> memref<208x128xf32, #tpu.memory_space<vmem_shared>>
        %dma_wait3A_100 = arith.constant 0 : i32
        %dma_wait3A_101 = arith.constant 0 : i32
        %dma_wait3A_102 = tpu.memref_slice %arg6[%dma_wait3A_100, %dma_wait3A_101] : memref<320x128xf32, #tpu.memory_space<hbm>> -> memref<208x128xf32, #tpu.memory_space<hbm>>
        tpu.wait_dma2 semaphore(%run_scoped3A : memref<!tpu.dma_semaphore, #tpu.memory_space<semaphore_mem>>) src(%dma_wait3A_102 : memref<208x128xf32, #tpu.memory_space<hbm>>) dst(%dma_wait3A_99 : memref<208x128xf32, #tpu.memory_space<vmem_shared>>)
        tpu.yield
      }) : () -> ()
    } else {
    }
    %barrier3A_70 = arith.constant 0 : index
    tpu.barrier barrier_id(%barrier3A_70)
    %eq3A_71 = arith.constant 0 : i32
    %eq3A_72 = arith.cmpi eq, %arg0, %eq3A_71 : i32
    %convert_element_type3A_73 = arith.extui %eq3A_72 : i1 to i32
    %cond3A_74 = arith.constant 0 : i32
    %cond3A_75 = arith.cmpi ne, %convert_element_type3A_73, %cond3A_74 : i32
    scf.if %cond3A_75 {
      %gt3A = arith.constant 0 : i32
      %gt3A_93 = arith.cmpi sgt, %shift_right_logical3A_31, %gt3A : i32
      %convert_element_type3A_94 = arith.extui %gt3A_93 : i1 to i32
      %cond3A_95 = arith.constant 0 : i32
      %cond3A_96 = arith.cmpi ne, %convert_element_type3A_94, %cond3A_95 : i32
      scf.if %cond3A_96 {
        %dma_start3A = arith.constant 79 : i32
        %dma_start3A_108 = arith.constant 0 : i32
        %dma_start3A_109 = tpu.memref_slice %arg12[%dma_start3A, %dma_start3A_108] : memref<80x128xi32, #tpu.memory_space<vmem>> -> memref<1x128xi32, #tpu.memory_space<vmem>>
        %dma_start3A_110 = tpu.memref_squeeze %dma_start3A_109 : memref<1x128xi32, #tpu.memory_space<vmem>> -> memref<128xi32, #tpu.memory_space<vmem>>
        %dma_start3A_111 = arith.constant 0 : i32
        %dma_start3A_112 = arith.constant 0 : i32
        %dma_start3A_113 = tpu.memref_slice %arg4[%dma_start3A_111, %dma_start3A_112] : memref<10000x128xf32, #tpu.memory_space<hbm>> -> memref<10000x128xf32, #tpu.memory_space<hbm>>
        tpu.enqueue_indirect_dma source(%dma_start3A_113 : memref<10000x128xf32, #tpu.memory_space<hbm>>) target(%arg14 : memref<128x128xf32, #tpu.memory_space<vmem>>) offsets(%dma_start3A_110 : memref<128xi32, #tpu.memory_space<vmem>>) semaphore(%arg16 : memref<!tpu.dma_semaphore, #tpu.memory_space<semaphore_mem>>)
      } else {
      }
      %while3A = arith.constant 0 : i32
      %while3A_97 = arith.constant 0 : i32
      %while3A_98 = arith.subi %shift_right_logical3A_31, %while3A : i32
      %while3A_99 = arith.addi %while3A, %while3A_98 : i32
      %while3A_100 = arith.constant 1 : i32
      %while3A_101 = arith.divsi %while3A_98, %while3A_100 : i32
      %while3A_102 = arith.muli %while3A_101, %while3A_100 : i32
      %while3A_103 = arith.addi %while3A, %while3A_102 : i32
      %while3A_104 = arith.constant 1 : i32
      %while3A_105 = scf.for %while3A_108 = %while3A to %while3A_103 step %while3A_104 iter_args(%while3A_109 = %while3A_97) -> (i32)  : i32 {
        %jit3A = arith.constant 2 : i32
        %eq3A_110 = arith.constant 0 : i32
        %eq3A_111 = arith.cmpi eq, %jit3A, %eq3A_110 : i32
        %jit3A_112 = arith.constant 1 : i32
        %select_n3A = arith.select %eq3A_111, %jit3A_112, %jit3A : i32
        %rem3A = arith.remsi %while3A_108, %select_n3A : i32
        %ne3A = arith.constant 0 : i32
        %ne3A_113 = arith.cmpi ne, %rem3A, %ne3A : i32
        %lt3A_114 = arith.constant 0 : i32
        %lt3A_115 = arith.cmpi slt, %rem3A, %lt3A_114 : i32
        %lt3A_116 = arith.constant 0 : i32
        %lt3A_117 = arith.cmpi slt, %select_n3A, %lt3A_116 : i32
        %ne3A_118 = arith.xori %lt3A_115, %lt3A_117 : i1
        %and3A = arith.andi %ne3A_118, %ne3A_113 : i1
        %add3A_119 = arith.addi %rem3A, %select_n3A : i32
        %select_n3A_120 = arith.select %and3A, %add3A_119, %rem3A : i32
        %eq3A_121 = arith.constant 0 : i32
        %eq3A_122 = arith.cmpi eq, %select_n3A_120, %eq3A_121 : i32
        %convert_element_type3A_123 = arith.extui %eq3A_122 : i1 to i32
        %cond3A_124 = arith.constant 0 : i32
        %cond3A_125 = arith.cmpi ne, %convert_element_type3A_123, %cond3A_124 : i32
        scf.if %cond3A_125 {
          %sub3A_148 = arith.constant 79 : i32
          %sub3A_149 = arith.subi %sub3A_148, %while3A_108 : i32
          %dma_wait3A = arith.constant 0 : i32
          %dma_wait3A_150 = tpu.memref_slice %arg12[%sub3A_149, %dma_wait3A] : memref<80x128xi32, #tpu.memory_space<vmem>> -> memref<1x128xi32, #tpu.memory_space<vmem>>
          %dma_wait3A_151 = tpu.memref_squeeze %dma_wait3A_150 : memref<1x128xi32, #tpu.memory_space<vmem>> -> memref<128xi32, #tpu.memory_space<vmem>>
          %dma_wait3A_152 = arith.constant 0 : i32
          %dma_wait3A_153 = arith.constant 0 : i32
          %dma_wait3A_154 = tpu.memref_slice %arg4[%dma_wait3A_152, %dma_wait3A_153] : memref<10000x128xf32, #tpu.memory_space<hbm>> -> memref<10000x128xf32, #tpu.memory_space<hbm>>
          tpu.wait_indirect_dma semaphore(%arg16 : memref<!tpu.dma_semaphore, #tpu.memory_space<semaphore_mem>>) src(%dma_wait3A_154 : memref<10000x128xf32, #tpu.memory_space<hbm>>) dst(%arg14 : memref<128x128xf32, #tpu.memory_space<vmem>>)
          %add3A_155 = arith.constant 1 : i32
          %add3A_156 = arith.addi %while3A_108, %add3A_155 : i32
          %lt3A_157 = arith.cmpi slt, %add3A_156, %shift_right_logical3A_31 : i32
          %convert_element_type3A_158 = arith.extui %lt3A_157 : i1 to i32
          %cond3A_159 = arith.constant 0 : i32
          %cond3A_160 = arith.cmpi ne, %convert_element_type3A_158, %cond3A_159 : i32
          scf.if %cond3A_160 {
            %add3A_163 = arith.constant 1 : i32
            %add3A_164 = arith.addi %while3A_108, %add3A_163 : i32
            %sub3A_165 = arith.constant 79 : i32
            %sub3A_166 = arith.subi %sub3A_165, %add3A_164 : i32
            %dma_start3A = arith.constant 0 : i32
            %dma_start3A_167 = tpu.memref_slice %arg12[%sub3A_166, %dma_start3A] : memref<80x128xi32, #tpu.memory_space<vmem>> -> memref<1x128xi32, #tpu.memory_space<vmem>>
            %dma_start3A_168 = tpu.memref_squeeze %dma_start3A_167 : memref<1x128xi32, #tpu.memory_space<vmem>> -> memref<128xi32, #tpu.memory_space<vmem>>
            %dma_start3A_169 = arith.constant 0 : i32
            %dma_start3A_170 = arith.constant 0 : i32
            %dma_start3A_171 = tpu.memref_slice %arg4[%dma_start3A_169, %dma_start3A_170] : memref<10000x128xf32, #tpu.memory_space<hbm>> -> memref<10000x128xf32, #tpu.memory_space<hbm>>
            tpu.enqueue_indirect_dma source(%dma_start3A_171 : memref<10000x128xf32, #tpu.memory_space<hbm>>) target(%arg15 : memref<128x128xf32, #tpu.memory_space<vmem>>) offsets(%dma_start3A_168 : memref<128xi32, #tpu.memory_space<vmem>>) semaphore(%arg17 : memref<!tpu.dma_semaphore, #tpu.memory_space<semaphore_mem>>)
          } else {
          }
          %sub3A_161 = arith.constant 79 : i32
          %sub3A_162 = arith.subi %sub3A_161, %while3A_108 : i32
          "tpu.region"() ({
            %run_scoped3A = tpu.sem_alloc : memref<!tpu.dma_semaphore, #tpu.memory_space<semaphore_mem>>
            %dma_start3A = arith.constant 0 : i32
            %dma_start3A_163 = tpu.memref_slice %arg13[%sub3A_162, %dma_start3A] : memref<80x128xi32, #tpu.memory_space<vmem>> -> memref<1x128xi32, #tpu.memory_space<vmem>>
            %dma_start3A_164 = tpu.memref_squeeze %dma_start3A_163 : memref<1x128xi32, #tpu.memory_space<vmem>> -> memref<128xi32, #tpu.memory_space<vmem>>
            %dma_start3A_165 = arith.constant 0 : i32
            %dma_start3A_166 = arith.constant 0 : i32
            %dma_start3A_167 = tpu.memref_slice %arg18[%dma_start3A_165, %dma_start3A_166] : memref<5008x128xf32, #tpu.memory_space<vmem_shared>> -> memref<5008x128xf32, #tpu.memory_space<vmem_shared>>
            tpu.enqueue_indirect_dma source(%arg14 : memref<128x128xf32, #tpu.memory_space<vmem>>) target(%dma_start3A_167 : memref<5008x128xf32, #tpu.memory_space<vmem_shared>>) offsets(%dma_start3A_164 : memref<128xi32, #tpu.memory_space<vmem>>) semaphore(%run_scoped3A : memref<!tpu.dma_semaphore, #tpu.memory_space<semaphore_mem>>) {add = true}
            %dma_wait3A_168 = arith.constant 0 : i32
            %dma_wait3A_169 = tpu.memref_slice %arg13[%sub3A_162, %dma_wait3A_168] : memref<80x128xi32, #tpu.memory_space<vmem>> -> memref<1x128xi32, #tpu.memory_space<vmem>>
            %dma_wait3A_170 = tpu.memref_squeeze %dma_wait3A_169 : memref<1x128xi32, #tpu.memory_space<vmem>> -> memref<128xi32, #tpu.memory_space<vmem>>
            %dma_wait3A_171 = arith.constant 0 : i32
            %dma_wait3A_172 = arith.constant 0 : i32
            %dma_wait3A_173 = tpu.memref_slice %arg18[%dma_wait3A_171, %dma_wait3A_172] : memref<5008x128xf32, #tpu.memory_space<vmem_shared>> -> memref<5008x128xf32, #tpu.memory_space<vmem_shared>>
            tpu.wait_indirect_dma semaphore(%run_scoped3A : memref<!tpu.dma_semaphore, #tpu.memory_space<semaphore_mem>>) src(%arg14 : memref<128x128xf32, #tpu.memory_space<vmem>>) dst(%dma_wait3A_173 : memref<5008x128xf32, #tpu.memory_space<vmem_shared>>)
            tpu.yield
          }) : () -> ()
        } else {
        }
        %jit3A_126 = arith.constant 2 : i32
        %eq3A_127 = arith.constant 0 : i32
        %eq3A_128 = arith.cmpi eq, %jit3A_126, %eq3A_127 : i32
        %jit3A_129 = arith.constant 1 : i32
        %select_n3A_130 = arith.select %eq3A_128, %jit3A_129, %jit3A_126 : i32
        %rem3A_131 = arith.remsi %while3A_108, %select_n3A_130 : i32
        %ne3A_132 = arith.constant 0 : i32
        %ne3A_133 = arith.cmpi ne, %rem3A_131, %ne3A_132 : i32
        %lt3A_134 = arith.constant 0 : i32
        %lt3A_135 = arith.cmpi slt, %rem3A_131, %lt3A_134 : i32
        %lt3A_136 = arith.constant 0 : i32
        %lt3A_137 = arith.cmpi slt, %select_n3A_130, %lt3A_136 : i32
        %ne3A_138 = arith.xori %lt3A_135, %lt3A_137 : i1
        %and3A_139 = arith.andi %ne3A_138, %ne3A_133 : i1
        %add3A_140 = arith.addi %rem3A_131, %select_n3A_130 : i32
        %select_n3A_141 = arith.select %and3A_139, %add3A_140, %rem3A_131 : i32
        %eq3A_142 = arith.constant 1 : i32
        %eq3A_143 = arith.cmpi eq, %select_n3A_141, %eq3A_142 : i32
        %convert_element_type3A_144 = arith.extui %eq3A_143 : i1 to i32
        %cond3A_145 = arith.constant 0 : i32
        %cond3A_146 = arith.cmpi ne, %convert_element_type3A_144, %cond3A_145 : i32
        scf.if %cond3A_146 {
          %sub3A_148 = arith.constant 79 : i32
          %sub3A_149 = arith.subi %sub3A_148, %while3A_108 : i32
          %dma_wait3A = arith.constant 0 : i32
          %dma_wait3A_150 = tpu.memref_slice %arg12[%sub3A_149, %dma_wait3A] : memref<80x128xi32, #tpu.memory_space<vmem>> -> memref<1x128xi32, #tpu.memory_space<vmem>>
          %dma_wait3A_151 = tpu.memref_squeeze %dma_wait3A_150 : memref<1x128xi32, #tpu.memory_space<vmem>> -> memref<128xi32, #tpu.memory_space<vmem>>
          %dma_wait3A_152 = arith.constant 0 : i32
          %dma_wait3A_153 = arith.constant 0 : i32
          %dma_wait3A_154 = tpu.memref_slice %arg4[%dma_wait3A_152, %dma_wait3A_153] : memref<10000x128xf32, #tpu.memory_space<hbm>> -> memref<10000x128xf32, #tpu.memory_space<hbm>>
          tpu.wait_indirect_dma semaphore(%arg17 : memref<!tpu.dma_semaphore, #tpu.memory_space<semaphore_mem>>) src(%dma_wait3A_154 : memref<10000x128xf32, #tpu.memory_space<hbm>>) dst(%arg15 : memref<128x128xf32, #tpu.memory_space<vmem>>)
          %add3A_155 = arith.constant 1 : i32
          %add3A_156 = arith.addi %while3A_108, %add3A_155 : i32
          %lt3A_157 = arith.cmpi slt, %add3A_156, %shift_right_logical3A_31 : i32
          %convert_element_type3A_158 = arith.extui %lt3A_157 : i1 to i32
          %cond3A_159 = arith.constant 0 : i32
          %cond3A_160 = arith.cmpi ne, %convert_element_type3A_158, %cond3A_159 : i32
          scf.if %cond3A_160 {
            %add3A_163 = arith.constant 1 : i32
            %add3A_164 = arith.addi %while3A_108, %add3A_163 : i32
            %sub3A_165 = arith.constant 79 : i32
            %sub3A_166 = arith.subi %sub3A_165, %add3A_164 : i32
            %dma_start3A = arith.constant 0 : i32
            %dma_start3A_167 = tpu.memref_slice %arg12[%sub3A_166, %dma_start3A] : memref<80x128xi32, #tpu.memory_space<vmem>> -> memref<1x128xi32, #tpu.memory_space<vmem>>
            %dma_start3A_168 = tpu.memref_squeeze %dma_start3A_167 : memref<1x128xi32, #tpu.memory_space<vmem>> -> memref<128xi32, #tpu.memory_space<vmem>>
            %dma_start3A_169 = arith.constant 0 : i32
            %dma_start3A_170 = arith.constant 0 : i32
            %dma_start3A_171 = tpu.memref_slice %arg4[%dma_start3A_169, %dma_start3A_170] : memref<10000x128xf32, #tpu.memory_space<hbm>> -> memref<10000x128xf32, #tpu.memory_space<hbm>>
            tpu.enqueue_indirect_dma source(%dma_start3A_171 : memref<10000x128xf32, #tpu.memory_space<hbm>>) target(%arg14 : memref<128x128xf32, #tpu.memory_space<vmem>>) offsets(%dma_start3A_168 : memref<128xi32, #tpu.memory_space<vmem>>) semaphore(%arg16 : memref<!tpu.dma_semaphore, #tpu.memory_space<semaphore_mem>>)
          } else {
          }
          %sub3A_161 = arith.constant 79 : i32
          %sub3A_162 = arith.subi %sub3A_161, %while3A_108 : i32
          "tpu.region"() ({
            %run_scoped3A = tpu.sem_alloc : memref<!tpu.dma_semaphore, #tpu.memory_space<semaphore_mem>>
            %dma_start3A = arith.constant 0 : i32
            %dma_start3A_163 = tpu.memref_slice %arg13[%sub3A_162, %dma_start3A] : memref<80x128xi32, #tpu.memory_space<vmem>> -> memref<1x128xi32, #tpu.memory_space<vmem>>
            %dma_start3A_164 = tpu.memref_squeeze %dma_start3A_163 : memref<1x128xi32, #tpu.memory_space<vmem>> -> memref<128xi32, #tpu.memory_space<vmem>>
            %dma_start3A_165 = arith.constant 0 : i32
            %dma_start3A_166 = arith.constant 0 : i32
            %dma_start3A_167 = tpu.memref_slice %arg18[%dma_start3A_165, %dma_start3A_166] : memref<5008x128xf32, #tpu.memory_space<vmem_shared>> -> memref<5008x128xf32, #tpu.memory_space<vmem_shared>>
            tpu.enqueue_indirect_dma source(%arg15 : memref<128x128xf32, #tpu.memory_space<vmem>>) target(%dma_start3A_167 : memref<5008x128xf32, #tpu.memory_space<vmem_shared>>) offsets(%dma_start3A_164 : memref<128xi32, #tpu.memory_space<vmem>>) semaphore(%run_scoped3A : memref<!tpu.dma_semaphore, #tpu.memory_space<semaphore_mem>>) {add = true}
            %dma_wait3A_168 = arith.constant 0 : i32
            %dma_wait3A_169 = tpu.memref_slice %arg13[%sub3A_162, %dma_wait3A_168] : memref<80x128xi32, #tpu.memory_space<vmem>> -> memref<1x128xi32, #tpu.memory_space<vmem>>
            %dma_wait3A_170 = tpu.memref_squeeze %dma_wait3A_169 : memref<1x128xi32, #tpu.memory_space<vmem>> -> memref<128xi32, #tpu.memory_space<vmem>>
            %dma_wait3A_171 = arith.constant 0 : i32
            %dma_wait3A_172 = arith.constant 0 : i32
            %dma_wait3A_173 = tpu.memref_slice %arg18[%dma_wait3A_171, %dma_wait3A_172] : memref<5008x128xf32, #tpu.memory_space<vmem_shared>> -> memref<5008x128xf32, #tpu.memory_space<vmem_shared>>
            tpu.wait_indirect_dma semaphore(%run_scoped3A : memref<!tpu.dma_semaphore, #tpu.memory_space<semaphore_mem>>) src(%arg15 : memref<128x128xf32, #tpu.memory_space<vmem>>) dst(%dma_wait3A_173 : memref<5008x128xf32, #tpu.memory_space<vmem_shared>>)
            tpu.yield
          }) : () -> ()
        } else {
        }
        %while3A_147 = arith.constant 0 : i32
        scf.yield %while3A_147 : i32
      }
      %while3A_106 = arith.constant 1 : i32
      %while3A_107 = scf.for %while3A_108 = %while3A_103 to %while3A_99 step %while3A_106 iter_args(%while3A_109 = %while3A_105) -> (i32)  : i32 {
        %jit3A = arith.constant 2 : i32
        %eq3A_110 = arith.constant 0 : i32
        %eq3A_111 = arith.cmpi eq, %jit3A, %eq3A_110 : i32
        %jit3A_112 = arith.constant 1 : i32
        %select_n3A = arith.select %eq3A_111, %jit3A_112, %jit3A : i32
        %rem3A = arith.remsi %while3A_108, %select_n3A : i32
        %ne3A = arith.constant 0 : i32
        %ne3A_113 = arith.cmpi ne, %rem3A, %ne3A : i32
        %lt3A_114 = arith.constant 0 : i32
        %lt3A_115 = arith.cmpi slt, %rem3A, %lt3A_114 : i32
        %lt3A_116 = arith.constant 0 : i32
        %lt3A_117 = arith.cmpi slt, %select_n3A, %lt3A_116 : i32
        %ne3A_118 = arith.xori %lt3A_115, %lt3A_117 : i1
        %and3A = arith.andi %ne3A_118, %ne3A_113 : i1
        %add3A_119 = arith.addi %rem3A, %select_n3A : i32
        %select_n3A_120 = arith.select %and3A, %add3A_119, %rem3A : i32
        %eq3A_121 = arith.constant 0 : i32
        %eq3A_122 = arith.cmpi eq, %select_n3A_120, %eq3A_121 : i32
        %convert_element_type3A_123 = arith.extui %eq3A_122 : i1 to i32
        %cond3A_124 = arith.constant 0 : i32
        %cond3A_125 = arith.cmpi ne, %convert_element_type3A_123, %cond3A_124 : i32
        scf.if %cond3A_125 {
          %sub3A_148 = arith.constant 79 : i32
          %sub3A_149 = arith.subi %sub3A_148, %while3A_108 : i32
          %dma_wait3A = arith.constant 0 : i32
          %dma_wait3A_150 = tpu.memref_slice %arg12[%sub3A_149, %dma_wait3A] : memref<80x128xi32, #tpu.memory_space<vmem>> -> memref<1x128xi32, #tpu.memory_space<vmem>>
          %dma_wait3A_151 = tpu.memref_squeeze %dma_wait3A_150 : memref<1x128xi32, #tpu.memory_space<vmem>> -> memref<128xi32, #tpu.memory_space<vmem>>
          %dma_wait3A_152 = arith.constant 0 : i32
          %dma_wait3A_153 = arith.constant 0 : i32
          %dma_wait3A_154 = tpu.memref_slice %arg4[%dma_wait3A_152, %dma_wait3A_153] : memref<10000x128xf32, #tpu.memory_space<hbm>> -> memref<10000x128xf32, #tpu.memory_space<hbm>>
          tpu.wait_indirect_dma semaphore(%arg16 : memref<!tpu.dma_semaphore, #tpu.memory_space<semaphore_mem>>) src(%dma_wait3A_154 : memref<10000x128xf32, #tpu.memory_space<hbm>>) dst(%arg14 : memref<128x128xf32, #tpu.memory_space<vmem>>)
          %add3A_155 = arith.constant 1 : i32
          %add3A_156 = arith.addi %while3A_108, %add3A_155 : i32
          %lt3A_157 = arith.cmpi slt, %add3A_156, %shift_right_logical3A_31 : i32
          %convert_element_type3A_158 = arith.extui %lt3A_157 : i1 to i32
          %cond3A_159 = arith.constant 0 : i32
          %cond3A_160 = arith.cmpi ne, %convert_element_type3A_158, %cond3A_159 : i32
          scf.if %cond3A_160 {
            %add3A_163 = arith.constant 1 : i32
            %add3A_164 = arith.addi %while3A_108, %add3A_163 : i32
            %sub3A_165 = arith.constant 79 : i32
            %sub3A_166 = arith.subi %sub3A_165, %add3A_164 : i32
            %dma_start3A = arith.constant 0 : i32
            %dma_start3A_167 = tpu.memref_slice %arg12[%sub3A_166, %dma_start3A] : memref<80x128xi32, #tpu.memory_space<vmem>> -> memref<1x128xi32, #tpu.memory_space<vmem>>
            %dma_start3A_168 = tpu.memref_squeeze %dma_start3A_167 : memref<1x128xi32, #tpu.memory_space<vmem>> -> memref<128xi32, #tpu.memory_space<vmem>>
            %dma_start3A_169 = arith.constant 0 : i32
            %dma_start3A_170 = arith.constant 0 : i32
            %dma_start3A_171 = tpu.memref_slice %arg4[%dma_start3A_169, %dma_start3A_170] : memref<10000x128xf32, #tpu.memory_space<hbm>> -> memref<10000x128xf32, #tpu.memory_space<hbm>>
            tpu.enqueue_indirect_dma source(%dma_start3A_171 : memref<10000x128xf32, #tpu.memory_space<hbm>>) target(%arg15 : memref<128x128xf32, #tpu.memory_space<vmem>>) offsets(%dma_start3A_168 : memref<128xi32, #tpu.memory_space<vmem>>) semaphore(%arg17 : memref<!tpu.dma_semaphore, #tpu.memory_space<semaphore_mem>>)
          } else {
          }
          %sub3A_161 = arith.constant 79 : i32
          %sub3A_162 = arith.subi %sub3A_161, %while3A_108 : i32
          "tpu.region"() ({
            %run_scoped3A = tpu.sem_alloc : memref<!tpu.dma_semaphore, #tpu.memory_space<semaphore_mem>>
            %dma_start3A = arith.constant 0 : i32
            %dma_start3A_163 = tpu.memref_slice %arg13[%sub3A_162, %dma_start3A] : memref<80x128xi32, #tpu.memory_space<vmem>> -> memref<1x128xi32, #tpu.memory_space<vmem>>
            %dma_start3A_164 = tpu.memref_squeeze %dma_start3A_163 : memref<1x128xi32, #tpu.memory_space<vmem>> -> memref<128xi32, #tpu.memory_space<vmem>>
            %dma_start3A_165 = arith.constant 0 : i32
            %dma_start3A_166 = arith.constant 0 : i32
            %dma_start3A_167 = tpu.memref_slice %arg18[%dma_start3A_165, %dma_start3A_166] : memref<5008x128xf32, #tpu.memory_space<vmem_shared>> -> memref<5008x128xf32, #tpu.memory_space<vmem_shared>>
            tpu.enqueue_indirect_dma source(%arg14 : memref<128x128xf32, #tpu.memory_space<vmem>>) target(%dma_start3A_167 : memref<5008x128xf32, #tpu.memory_space<vmem_shared>>) offsets(%dma_start3A_164 : memref<128xi32, #tpu.memory_space<vmem>>) semaphore(%run_scoped3A : memref<!tpu.dma_semaphore, #tpu.memory_space<semaphore_mem>>) {add = true}
            %dma_wait3A_168 = arith.constant 0 : i32
            %dma_wait3A_169 = tpu.memref_slice %arg13[%sub3A_162, %dma_wait3A_168] : memref<80x128xi32, #tpu.memory_space<vmem>> -> memref<1x128xi32, #tpu.memory_space<vmem>>
            %dma_wait3A_170 = tpu.memref_squeeze %dma_wait3A_169 : memref<1x128xi32, #tpu.memory_space<vmem>> -> memref<128xi32, #tpu.memory_space<vmem>>
            %dma_wait3A_171 = arith.constant 0 : i32
            %dma_wait3A_172 = arith.constant 0 : i32
            %dma_wait3A_173 = tpu.memref_slice %arg18[%dma_wait3A_171, %dma_wait3A_172] : memref<5008x128xf32, #tpu.memory_space<vmem_shared>> -> memref<5008x128xf32, #tpu.memory_space<vmem_shared>>
            tpu.wait_indirect_dma semaphore(%run_scoped3A : memref<!tpu.dma_semaphore, #tpu.memory_space<semaphore_mem>>) src(%arg14 : memref<128x128xf32, #tpu.memory_space<vmem>>) dst(%dma_wait3A_173 : memref<5008x128xf32, #tpu.memory_space<vmem_shared>>)
            tpu.yield
          }) : () -> ()
        } else {
        }
        %jit3A_126 = arith.constant 2 : i32
        %eq3A_127 = arith.constant 0 : i32
        %eq3A_128 = arith.cmpi eq, %jit3A_126, %eq3A_127 : i32
        %jit3A_129 = arith.constant 1 : i32
        %select_n3A_130 = arith.select %eq3A_128, %jit3A_129, %jit3A_126 : i32
        %rem3A_131 = arith.remsi %while3A_108, %select_n3A_130 : i32
        %ne3A_132 = arith.constant 0 : i32
        %ne3A_133 = arith.cmpi ne, %rem3A_131, %ne3A_132 : i32
        %lt3A_134 = arith.constant 0 : i32
        %lt3A_135 = arith.cmpi slt, %rem3A_131, %lt3A_134 : i32
        %lt3A_136 = arith.constant 0 : i32
        %lt3A_137 = arith.cmpi slt, %select_n3A_130, %lt3A_136 : i32
        %ne3A_138 = arith.xori %lt3A_135, %lt3A_137 : i1
        %and3A_139 = arith.andi %ne3A_138, %ne3A_133 : i1
        %add3A_140 = arith.addi %rem3A_131, %select_n3A_130 : i32
        %select_n3A_141 = arith.select %and3A_139, %add3A_140, %rem3A_131 : i32
        %eq3A_142 = arith.constant 1 : i32
        %eq3A_143 = arith.cmpi eq, %select_n3A_141, %eq3A_142 : i32
        %convert_element_type3A_144 = arith.extui %eq3A_143 : i1 to i32
        %cond3A_145 = arith.constant 0 : i32
        %cond3A_146 = arith.cmpi ne, %convert_element_type3A_144, %cond3A_145 : i32
        scf.if %cond3A_146 {
          %sub3A_148 = arith.constant 79 : i32
          %sub3A_149 = arith.subi %sub3A_148, %while3A_108 : i32
          %dma_wait3A = arith.constant 0 : i32
          %dma_wait3A_150 = tpu.memref_slice %arg12[%sub3A_149, %dma_wait3A] : memref<80x128xi32, #tpu.memory_space<vmem>> -> memref<1x128xi32, #tpu.memory_space<vmem>>
          %dma_wait3A_151 = tpu.memref_squeeze %dma_wait3A_150 : memref<1x128xi32, #tpu.memory_space<vmem>> -> memref<128xi32, #tpu.memory_space<vmem>>
          %dma_wait3A_152 = arith.constant 0 : i32
          %dma_wait3A_153 = arith.constant 0 : i32
          %dma_wait3A_154 = tpu.memref_slice %arg4[%dma_wait3A_152, %dma_wait3A_153] : memref<10000x128xf32, #tpu.memory_space<hbm>> -> memref<10000x128xf32, #tpu.memory_space<hbm>>
          tpu.wait_indirect_dma semaphore(%arg17 : memref<!tpu.dma_semaphore, #tpu.memory_space<semaphore_mem>>) src(%dma_wait3A_154 : memref<10000x128xf32, #tpu.memory_space<hbm>>) dst(%arg15 : memref<128x128xf32, #tpu.memory_space<vmem>>)
          %add3A_155 = arith.constant 1 : i32
          %add3A_156 = arith.addi %while3A_108, %add3A_155 : i32
          %lt3A_157 = arith.cmpi slt, %add3A_156, %shift_right_logical3A_31 : i32
          %convert_element_type3A_158 = arith.extui %lt3A_157 : i1 to i32
          %cond3A_159 = arith.constant 0 : i32
          %cond3A_160 = arith.cmpi ne, %convert_element_type3A_158, %cond3A_159 : i32
          scf.if %cond3A_160 {
            %add3A_163 = arith.constant 1 : i32
            %add3A_164 = arith.addi %while3A_108, %add3A_163 : i32
            %sub3A_165 = arith.constant 79 : i32
            %sub3A_166 = arith.subi %sub3A_165, %add3A_164 : i32
            %dma_start3A = arith.constant 0 : i32
            %dma_start3A_167 = tpu.memref_slice %arg12[%sub3A_166, %dma_start3A] : memref<80x128xi32, #tpu.memory_space<vmem>> -> memref<1x128xi32, #tpu.memory_space<vmem>>
            %dma_start3A_168 = tpu.memref_squeeze %dma_start3A_167 : memref<1x128xi32, #tpu.memory_space<vmem>> -> memref<128xi32, #tpu.memory_space<vmem>>
            %dma_start3A_169 = arith.constant 0 : i32
            %dma_start3A_170 = arith.constant 0 : i32
            %dma_start3A_171 = tpu.memref_slice %arg4[%dma_start3A_169, %dma_start3A_170] : memref<10000x128xf32, #tpu.memory_space<hbm>> -> memref<10000x128xf32, #tpu.memory_space<hbm>>
            tpu.enqueue_indirect_dma source(%dma_start3A_171 : memref<10000x128xf32, #tpu.memory_space<hbm>>) target(%arg14 : memref<128x128xf32, #tpu.memory_space<vmem>>) offsets(%dma_start3A_168 : memref<128xi32, #tpu.memory_space<vmem>>) semaphore(%arg16 : memref<!tpu.dma_semaphore, #tpu.memory_space<semaphore_mem>>)
          } else {
          }
          %sub3A_161 = arith.constant 79 : i32
          %sub3A_162 = arith.subi %sub3A_161, %while3A_108 : i32
          "tpu.region"() ({
            %run_scoped3A = tpu.sem_alloc : memref<!tpu.dma_semaphore, #tpu.memory_space<semaphore_mem>>
            %dma_start3A = arith.constant 0 : i32
            %dma_start3A_163 = tpu.memref_slice %arg13[%sub3A_162, %dma_start3A] : memref<80x128xi32, #tpu.memory_space<vmem>> -> memref<1x128xi32, #tpu.memory_space<vmem>>
            %dma_start3A_164 = tpu.memref_squeeze %dma_start3A_163 : memref<1x128xi32, #tpu.memory_space<vmem>> -> memref<128xi32, #tpu.memory_space<vmem>>
            %dma_start3A_165 = arith.constant 0 : i32
            %dma_start3A_166 = arith.constant 0 : i32
            %dma_start3A_167 = tpu.memref_slice %arg18[%dma_start3A_165, %dma_start3A_166] : memref<5008x128xf32, #tpu.memory_space<vmem_shared>> -> memref<5008x128xf32, #tpu.memory_space<vmem_shared>>
            tpu.enqueue_indirect_dma source(%arg15 : memref<128x128xf32, #tpu.memory_space<vmem>>) target(%dma_start3A_167 : memref<5008x128xf32, #tpu.memory_space<vmem_shared>>) offsets(%dma_start3A_164 : memref<128xi32, #tpu.memory_space<vmem>>) semaphore(%run_scoped3A : memref<!tpu.dma_semaphore, #tpu.memory_space<semaphore_mem>>) {add = true}
            %dma_wait3A_168 = arith.constant 0 : i32
            %dma_wait3A_169 = tpu.memref_slice %arg13[%sub3A_162, %dma_wait3A_168] : memref<80x128xi32, #tpu.memory_space<vmem>> -> memref<1x128xi32, #tpu.memory_space<vmem>>
            %dma_wait3A_170 = tpu.memref_squeeze %dma_wait3A_169 : memref<1x128xi32, #tpu.memory_space<vmem>> -> memref<128xi32, #tpu.memory_space<vmem>>
            %dma_wait3A_171 = arith.constant 0 : i32
            %dma_wait3A_172 = arith.constant 0 : i32
            %dma_wait3A_173 = tpu.memref_slice %arg18[%dma_wait3A_171, %dma_wait3A_172] : memref<5008x128xf32, #tpu.memory_space<vmem_shared>> -> memref<5008x128xf32, #tpu.memory_space<vmem_shared>>
            tpu.wait_indirect_dma semaphore(%run_scoped3A : memref<!tpu.dma_semaphore, #tpu.memory_space<semaphore_mem>>) src(%arg15 : memref<128x128xf32, #tpu.memory_space<vmem>>) dst(%dma_wait3A_173 : memref<5008x128xf32, #tpu.memory_space<vmem_shared>>)
            tpu.yield
          }) : () -> ()
        } else {
        }
        %while3A_147 = arith.constant 0 : i32
        scf.yield %while3A_147 : i32
      }
    } else {
    }
    %eq3A_76 = arith.constant 1 : i32
    %eq3A_77 = arith.cmpi eq, %arg0, %eq3A_76 : i32
    %convert_element_type3A_78 = arith.extui %eq3A_77 : i1 to i32
    %cond3A_79 = arith.constant 0 : i32
    %cond3A_80 = arith.cmpi ne, %convert_element_type3A_78, %cond3A_79 : i32
    scf.if %cond3A_80 {
      %gt3A = arith.constant 0 : i32
      %gt3A_93 = arith.cmpi sgt, %shift_right_logical3A_31, %gt3A : i32
      %convert_element_type3A_94 = arith.extui %gt3A_93 : i1 to i32
      %cond3A_95 = arith.constant 0 : i32
      %cond3A_96 = arith.cmpi ne, %convert_element_type3A_94, %cond3A_95 : i32
      scf.if %cond3A_96 {
        %dma_start3A = arith.constant 79 : i32
        %dma_start3A_108 = arith.constant 0 : i32
        %dma_start3A_109 = tpu.memref_slice %arg12[%dma_start3A, %dma_start3A_108] : memref<80x128xi32, #tpu.memory_space<vmem>> -> memref<1x128xi32, #tpu.memory_space<vmem>>
        %dma_start3A_110 = tpu.memref_squeeze %dma_start3A_109 : memref<1x128xi32, #tpu.memory_space<vmem>> -> memref<128xi32, #tpu.memory_space<vmem>>
        %dma_start3A_111 = arith.constant 0 : i32
        %dma_start3A_112 = arith.constant 0 : i32
        %dma_start3A_113 = tpu.memref_slice %arg5[%dma_start3A_111, %dma_start3A_112] : memref<10000x128xf32, #tpu.memory_space<hbm>> -> memref<10000x128xf32, #tpu.memory_space<hbm>>
        tpu.enqueue_indirect_dma source(%dma_start3A_113 : memref<10000x128xf32, #tpu.memory_space<hbm>>) target(%arg14 : memref<128x128xf32, #tpu.memory_space<vmem>>) offsets(%dma_start3A_110 : memref<128xi32, #tpu.memory_space<vmem>>) semaphore(%arg16 : memref<!tpu.dma_semaphore, #tpu.memory_space<semaphore_mem>>)
      } else {
      }
      %while3A = arith.constant 0 : i32
      %while3A_97 = arith.constant 0 : i32
      %while3A_98 = arith.subi %shift_right_logical3A_31, %while3A : i32
      %while3A_99 = arith.addi %while3A, %while3A_98 : i32
      %while3A_100 = arith.constant 1 : i32
      %while3A_101 = arith.divsi %while3A_98, %while3A_100 : i32
      %while3A_102 = arith.muli %while3A_101, %while3A_100 : i32
      %while3A_103 = arith.addi %while3A, %while3A_102 : i32
      %while3A_104 = arith.constant 1 : i32
      %while3A_105 = scf.for %while3A_108 = %while3A to %while3A_103 step %while3A_104 iter_args(%while3A_109 = %while3A_97) -> (i32)  : i32 {
        %jit3A = arith.constant 2 : i32
        %eq3A_110 = arith.constant 0 : i32
        %eq3A_111 = arith.cmpi eq, %jit3A, %eq3A_110 : i32
        %jit3A_112 = arith.constant 1 : i32
        %select_n3A = arith.select %eq3A_111, %jit3A_112, %jit3A : i32
        %rem3A = arith.remsi %while3A_108, %select_n3A : i32
        %ne3A = arith.constant 0 : i32
        %ne3A_113 = arith.cmpi ne, %rem3A, %ne3A : i32
        %lt3A_114 = arith.constant 0 : i32
        %lt3A_115 = arith.cmpi slt, %rem3A, %lt3A_114 : i32
        %lt3A_116 = arith.constant 0 : i32
        %lt3A_117 = arith.cmpi slt, %select_n3A, %lt3A_116 : i32
        %ne3A_118 = arith.xori %lt3A_115, %lt3A_117 : i1
        %and3A = arith.andi %ne3A_118, %ne3A_113 : i1
        %add3A_119 = arith.addi %rem3A, %select_n3A : i32
        %select_n3A_120 = arith.select %and3A, %add3A_119, %rem3A : i32
        %eq3A_121 = arith.constant 0 : i32
        %eq3A_122 = arith.cmpi eq, %select_n3A_120, %eq3A_121 : i32
        %convert_element_type3A_123 = arith.extui %eq3A_122 : i1 to i32
        %cond3A_124 = arith.constant 0 : i32
        %cond3A_125 = arith.cmpi ne, %convert_element_type3A_123, %cond3A_124 : i32
        scf.if %cond3A_125 {
          %sub3A_148 = arith.constant 79 : i32
          %sub3A_149 = arith.subi %sub3A_148, %while3A_108 : i32
          %dma_wait3A = arith.constant 0 : i32
          %dma_wait3A_150 = tpu.memref_slice %arg12[%sub3A_149, %dma_wait3A] : memref<80x128xi32, #tpu.memory_space<vmem>> -> memref<1x128xi32, #tpu.memory_space<vmem>>
          %dma_wait3A_151 = tpu.memref_squeeze %dma_wait3A_150 : memref<1x128xi32, #tpu.memory_space<vmem>> -> memref<128xi32, #tpu.memory_space<vmem>>
          %dma_wait3A_152 = arith.constant 0 : i32
          %dma_wait3A_153 = arith.constant 0 : i32
          %dma_wait3A_154 = tpu.memref_slice %arg5[%dma_wait3A_152, %dma_wait3A_153] : memref<10000x128xf32, #tpu.memory_space<hbm>> -> memref<10000x128xf32, #tpu.memory_space<hbm>>
          tpu.wait_indirect_dma semaphore(%arg16 : memref<!tpu.dma_semaphore, #tpu.memory_space<semaphore_mem>>) src(%dma_wait3A_154 : memref<10000x128xf32, #tpu.memory_space<hbm>>) dst(%arg14 : memref<128x128xf32, #tpu.memory_space<vmem>>)
          %add3A_155 = arith.constant 1 : i32
          %add3A_156 = arith.addi %while3A_108, %add3A_155 : i32
          %lt3A_157 = arith.cmpi slt, %add3A_156, %shift_right_logical3A_31 : i32
          %convert_element_type3A_158 = arith.extui %lt3A_157 : i1 to i32
          %cond3A_159 = arith.constant 0 : i32
          %cond3A_160 = arith.cmpi ne, %convert_element_type3A_158, %cond3A_159 : i32
          scf.if %cond3A_160 {
            %add3A_163 = arith.constant 1 : i32
            %add3A_164 = arith.addi %while3A_108, %add3A_163 : i32
            %sub3A_165 = arith.constant 79 : i32
            %sub3A_166 = arith.subi %sub3A_165, %add3A_164 : i32
            %dma_start3A = arith.constant 0 : i32
            %dma_start3A_167 = tpu.memref_slice %arg12[%sub3A_166, %dma_start3A] : memref<80x128xi32, #tpu.memory_space<vmem>> -> memref<1x128xi32, #tpu.memory_space<vmem>>
            %dma_start3A_168 = tpu.memref_squeeze %dma_start3A_167 : memref<1x128xi32, #tpu.memory_space<vmem>> -> memref<128xi32, #tpu.memory_space<vmem>>
            %dma_start3A_169 = arith.constant 0 : i32
            %dma_start3A_170 = arith.constant 0 : i32
            %dma_start3A_171 = tpu.memref_slice %arg5[%dma_start3A_169, %dma_start3A_170] : memref<10000x128xf32, #tpu.memory_space<hbm>> -> memref<10000x128xf32, #tpu.memory_space<hbm>>
            tpu.enqueue_indirect_dma source(%dma_start3A_171 : memref<10000x128xf32, #tpu.memory_space<hbm>>) target(%arg15 : memref<128x128xf32, #tpu.memory_space<vmem>>) offsets(%dma_start3A_168 : memref<128xi32, #tpu.memory_space<vmem>>) semaphore(%arg17 : memref<!tpu.dma_semaphore, #tpu.memory_space<semaphore_mem>>)
          } else {
          }
          %sub3A_161 = arith.constant 79 : i32
          %sub3A_162 = arith.subi %sub3A_161, %while3A_108 : i32
          "tpu.region"() ({
            %run_scoped3A = tpu.sem_alloc : memref<!tpu.dma_semaphore, #tpu.memory_space<semaphore_mem>>
            %dma_start3A = arith.constant 0 : i32
            %dma_start3A_163 = tpu.memref_slice %arg13[%sub3A_162, %dma_start3A] : memref<80x128xi32, #tpu.memory_space<vmem>> -> memref<1x128xi32, #tpu.memory_space<vmem>>
            %dma_start3A_164 = tpu.memref_squeeze %dma_start3A_163 : memref<1x128xi32, #tpu.memory_space<vmem>> -> memref<128xi32, #tpu.memory_space<vmem>>
            %dma_start3A_165 = arith.constant 0 : i32
            %dma_start3A_166 = arith.constant 0 : i32
            %dma_start3A_167 = tpu.memref_slice %arg18[%dma_start3A_165, %dma_start3A_166] : memref<5008x128xf32, #tpu.memory_space<vmem_shared>> -> memref<5008x128xf32, #tpu.memory_space<vmem_shared>>
            tpu.enqueue_indirect_dma source(%arg14 : memref<128x128xf32, #tpu.memory_space<vmem>>) target(%dma_start3A_167 : memref<5008x128xf32, #tpu.memory_space<vmem_shared>>) offsets(%dma_start3A_164 : memref<128xi32, #tpu.memory_space<vmem>>) semaphore(%run_scoped3A : memref<!tpu.dma_semaphore, #tpu.memory_space<semaphore_mem>>) {add = true}
            %dma_wait3A_168 = arith.constant 0 : i32
            %dma_wait3A_169 = tpu.memref_slice %arg13[%sub3A_162, %dma_wait3A_168] : memref<80x128xi32, #tpu.memory_space<vmem>> -> memref<1x128xi32, #tpu.memory_space<vmem>>
            %dma_wait3A_170 = tpu.memref_squeeze %dma_wait3A_169 : memref<1x128xi32, #tpu.memory_space<vmem>> -> memref<128xi32, #tpu.memory_space<vmem>>
            %dma_wait3A_171 = arith.constant 0 : i32
            %dma_wait3A_172 = arith.constant 0 : i32
            %dma_wait3A_173 = tpu.memref_slice %arg18[%dma_wait3A_171, %dma_wait3A_172] : memref<5008x128xf32, #tpu.memory_space<vmem_shared>> -> memref<5008x128xf32, #tpu.memory_space<vmem_shared>>
            tpu.wait_indirect_dma semaphore(%run_scoped3A : memref<!tpu.dma_semaphore, #tpu.memory_space<semaphore_mem>>) src(%arg14 : memref<128x128xf32, #tpu.memory_space<vmem>>) dst(%dma_wait3A_173 : memref<5008x128xf32, #tpu.memory_space<vmem_shared>>)
            tpu.yield
          }) : () -> ()
        } else {
        }
        %jit3A_126 = arith.constant 2 : i32
        %eq3A_127 = arith.constant 0 : i32
        %eq3A_128 = arith.cmpi eq, %jit3A_126, %eq3A_127 : i32
        %jit3A_129 = arith.constant 1 : i32
        %select_n3A_130 = arith.select %eq3A_128, %jit3A_129, %jit3A_126 : i32
        %rem3A_131 = arith.remsi %while3A_108, %select_n3A_130 : i32
        %ne3A_132 = arith.constant 0 : i32
        %ne3A_133 = arith.cmpi ne, %rem3A_131, %ne3A_132 : i32
        %lt3A_134 = arith.constant 0 : i32
        %lt3A_135 = arith.cmpi slt, %rem3A_131, %lt3A_134 : i32
        %lt3A_136 = arith.constant 0 : i32
        %lt3A_137 = arith.cmpi slt, %select_n3A_130, %lt3A_136 : i32
        %ne3A_138 = arith.xori %lt3A_135, %lt3A_137 : i1
        %and3A_139 = arith.andi %ne3A_138, %ne3A_133 : i1
        %add3A_140 = arith.addi %rem3A_131, %select_n3A_130 : i32
        %select_n3A_141 = arith.select %and3A_139, %add3A_140, %rem3A_131 : i32
        %eq3A_142 = arith.constant 1 : i32
        %eq3A_143 = arith.cmpi eq, %select_n3A_141, %eq3A_142 : i32
        %convert_element_type3A_144 = arith.extui %eq3A_143 : i1 to i32
        %cond3A_145 = arith.constant 0 : i32
        %cond3A_146 = arith.cmpi ne, %convert_element_type3A_144, %cond3A_145 : i32
        scf.if %cond3A_146 {
          %sub3A_148 = arith.constant 79 : i32
          %sub3A_149 = arith.subi %sub3A_148, %while3A_108 : i32
          %dma_wait3A = arith.constant 0 : i32
          %dma_wait3A_150 = tpu.memref_slice %arg12[%sub3A_149, %dma_wait3A] : memref<80x128xi32, #tpu.memory_space<vmem>> -> memref<1x128xi32, #tpu.memory_space<vmem>>
          %dma_wait3A_151 = tpu.memref_squeeze %dma_wait3A_150 : memref<1x128xi32, #tpu.memory_space<vmem>> -> memref<128xi32, #tpu.memory_space<vmem>>
          %dma_wait3A_152 = arith.constant 0 : i32
          %dma_wait3A_153 = arith.constant 0 : i32
          %dma_wait3A_154 = tpu.memref_slice %arg5[%dma_wait3A_152, %dma_wait3A_153] : memref<10000x128xf32, #tpu.memory_space<hbm>> -> memref<10000x128xf32, #tpu.memory_space<hbm>>
          tpu.wait_indirect_dma semaphore(%arg17 : memref<!tpu.dma_semaphore, #tpu.memory_space<semaphore_mem>>) src(%dma_wait3A_154 : memref<10000x128xf32, #tpu.memory_space<hbm>>) dst(%arg15 : memref<128x128xf32, #tpu.memory_space<vmem>>)
          %add3A_155 = arith.constant 1 : i32
          %add3A_156 = arith.addi %while3A_108, %add3A_155 : i32
          %lt3A_157 = arith.cmpi slt, %add3A_156, %shift_right_logical3A_31 : i32
          %convert_element_type3A_158 = arith.extui %lt3A_157 : i1 to i32
          %cond3A_159 = arith.constant 0 : i32
          %cond3A_160 = arith.cmpi ne, %convert_element_type3A_158, %cond3A_159 : i32
          scf.if %cond3A_160 {
            %add3A_163 = arith.constant 1 : i32
            %add3A_164 = arith.addi %while3A_108, %add3A_163 : i32
            %sub3A_165 = arith.constant 79 : i32
            %sub3A_166 = arith.subi %sub3A_165, %add3A_164 : i32
            %dma_start3A = arith.constant 0 : i32
            %dma_start3A_167 = tpu.memref_slice %arg12[%sub3A_166, %dma_start3A] : memref<80x128xi32, #tpu.memory_space<vmem>> -> memref<1x128xi32, #tpu.memory_space<vmem>>
            %dma_start3A_168 = tpu.memref_squeeze %dma_start3A_167 : memref<1x128xi32, #tpu.memory_space<vmem>> -> memref<128xi32, #tpu.memory_space<vmem>>
            %dma_start3A_169 = arith.constant 0 : i32
            %dma_start3A_170 = arith.constant 0 : i32
            %dma_start3A_171 = tpu.memref_slice %arg5[%dma_start3A_169, %dma_start3A_170] : memref<10000x128xf32, #tpu.memory_space<hbm>> -> memref<10000x128xf32, #tpu.memory_space<hbm>>
            tpu.enqueue_indirect_dma source(%dma_start3A_171 : memref<10000x128xf32, #tpu.memory_space<hbm>>) target(%arg14 : memref<128x128xf32, #tpu.memory_space<vmem>>) offsets(%dma_start3A_168 : memref<128xi32, #tpu.memory_space<vmem>>) semaphore(%arg16 : memref<!tpu.dma_semaphore, #tpu.memory_space<semaphore_mem>>)
          } else {
          }
          %sub3A_161 = arith.constant 79 : i32
          %sub3A_162 = arith.subi %sub3A_161, %while3A_108 : i32
          "tpu.region"() ({
            %run_scoped3A = tpu.sem_alloc : memref<!tpu.dma_semaphore, #tpu.memory_space<semaphore_mem>>
            %dma_start3A = arith.constant 0 : i32
            %dma_start3A_163 = tpu.memref_slice %arg13[%sub3A_162, %dma_start3A] : memref<80x128xi32, #tpu.memory_space<vmem>> -> memref<1x128xi32, #tpu.memory_space<vmem>>
            %dma_start3A_164 = tpu.memref_squeeze %dma_start3A_163 : memref<1x128xi32, #tpu.memory_space<vmem>> -> memref<128xi32, #tpu.memory_space<vmem>>
            %dma_start3A_165 = arith.constant 0 : i32
            %dma_start3A_166 = arith.constant 0 : i32
            %dma_start3A_167 = tpu.memref_slice %arg18[%dma_start3A_165, %dma_start3A_166] : memref<5008x128xf32, #tpu.memory_space<vmem_shared>> -> memref<5008x128xf32, #tpu.memory_space<vmem_shared>>
            tpu.enqueue_indirect_dma source(%arg15 : memref<128x128xf32, #tpu.memory_space<vmem>>) target(%dma_start3A_167 : memref<5008x128xf32, #tpu.memory_space<vmem_shared>>) offsets(%dma_start3A_164 : memref<128xi32, #tpu.memory_space<vmem>>) semaphore(%run_scoped3A : memref<!tpu.dma_semaphore, #tpu.memory_space<semaphore_mem>>) {add = true}
            %dma_wait3A_168 = arith.constant 0 : i32
            %dma_wait3A_169 = tpu.memref_slice %arg13[%sub3A_162, %dma_wait3A_168] : memref<80x128xi32, #tpu.memory_space<vmem>> -> memref<1x128xi32, #tpu.memory_space<vmem>>
            %dma_wait3A_170 = tpu.memref_squeeze %dma_wait3A_169 : memref<1x128xi32, #tpu.memory_space<vmem>> -> memref<128xi32, #tpu.memory_space<vmem>>
            %dma_wait3A_171 = arith.constant 0 : i32
            %dma_wait3A_172 = arith.constant 0 : i32
            %dma_wait3A_173 = tpu.memref_slice %arg18[%dma_wait3A_171, %dma_wait3A_172] : memref<5008x128xf32, #tpu.memory_space<vmem_shared>> -> memref<5008x128xf32, #tpu.memory_space<vmem_shared>>
            tpu.wait_indirect_dma semaphore(%run_scoped3A : memref<!tpu.dma_semaphore, #tpu.memory_space<semaphore_mem>>) src(%arg15 : memref<128x128xf32, #tpu.memory_space<vmem>>) dst(%dma_wait3A_173 : memref<5008x128xf32, #tpu.memory_space<vmem_shared>>)
            tpu.yield
          }) : () -> ()
        } else {
        }
        %while3A_147 = arith.constant 0 : i32
        scf.yield %while3A_147 : i32
      }
      %while3A_106 = arith.constant 1 : i32
      %while3A_107 = scf.for %while3A_108 = %while3A_103 to %while3A_99 step %while3A_106 iter_args(%while3A_109 = %while3A_105) -> (i32)  : i32 {
        %jit3A = arith.constant 2 : i32
        %eq3A_110 = arith.constant 0 : i32
        %eq3A_111 = arith.cmpi eq, %jit3A, %eq3A_110 : i32
        %jit3A_112 = arith.constant 1 : i32
        %select_n3A = arith.select %eq3A_111, %jit3A_112, %jit3A : i32
        %rem3A = arith.remsi %while3A_108, %select_n3A : i32
        %ne3A = arith.constant 0 : i32
        %ne3A_113 = arith.cmpi ne, %rem3A, %ne3A : i32
        %lt3A_114 = arith.constant 0 : i32
        %lt3A_115 = arith.cmpi slt, %rem3A, %lt3A_114 : i32
        %lt3A_116 = arith.constant 0 : i32
        %lt3A_117 = arith.cmpi slt, %select_n3A, %lt3A_116 : i32
        %ne3A_118 = arith.xori %lt3A_115, %lt3A_117 : i1
        %and3A = arith.andi %ne3A_118, %ne3A_113 : i1
        %add3A_119 = arith.addi %rem3A, %select_n3A : i32
        %select_n3A_120 = arith.select %and3A, %add3A_119, %rem3A : i32
        %eq3A_121 = arith.constant 0 : i32
        %eq3A_122 = arith.cmpi eq, %select_n3A_120, %eq3A_121 : i32
        %convert_element_type3A_123 = arith.extui %eq3A_122 : i1 to i32
        %cond3A_124 = arith.constant 0 : i32
        %cond3A_125 = arith.cmpi ne, %convert_element_type3A_123, %cond3A_124 : i32
        scf.if %cond3A_125 {
          %sub3A_148 = arith.constant 79 : i32
          %sub3A_149 = arith.subi %sub3A_148, %while3A_108 : i32
          %dma_wait3A = arith.constant 0 : i32
          %dma_wait3A_150 = tpu.memref_slice %arg12[%sub3A_149, %dma_wait3A] : memref<80x128xi32, #tpu.memory_space<vmem>> -> memref<1x128xi32, #tpu.memory_space<vmem>>
          %dma_wait3A_151 = tpu.memref_squeeze %dma_wait3A_150 : memref<1x128xi32, #tpu.memory_space<vmem>> -> memref<128xi32, #tpu.memory_space<vmem>>
          %dma_wait3A_152 = arith.constant 0 : i32
          %dma_wait3A_153 = arith.constant 0 : i32
          %dma_wait3A_154 = tpu.memref_slice %arg5[%dma_wait3A_152, %dma_wait3A_153] : memref<10000x128xf32, #tpu.memory_space<hbm>> -> memref<10000x128xf32, #tpu.memory_space<hbm>>
          tpu.wait_indirect_dma semaphore(%arg16 : memref<!tpu.dma_semaphore, #tpu.memory_space<semaphore_mem>>) src(%dma_wait3A_154 : memref<10000x128xf32, #tpu.memory_space<hbm>>) dst(%arg14 : memref<128x128xf32, #tpu.memory_space<vmem>>)
          %add3A_155 = arith.constant 1 : i32
          %add3A_156 = arith.addi %while3A_108, %add3A_155 : i32
          %lt3A_157 = arith.cmpi slt, %add3A_156, %shift_right_logical3A_31 : i32
          %convert_element_type3A_158 = arith.extui %lt3A_157 : i1 to i32
          %cond3A_159 = arith.constant 0 : i32
          %cond3A_160 = arith.cmpi ne, %convert_element_type3A_158, %cond3A_159 : i32
          scf.if %cond3A_160 {
            %add3A_163 = arith.constant 1 : i32
            %add3A_164 = arith.addi %while3A_108, %add3A_163 : i32
            %sub3A_165 = arith.constant 79 : i32
            %sub3A_166 = arith.subi %sub3A_165, %add3A_164 : i32
            %dma_start3A = arith.constant 0 : i32
            %dma_start3A_167 = tpu.memref_slice %arg12[%sub3A_166, %dma_start3A] : memref<80x128xi32, #tpu.memory_space<vmem>> -> memref<1x128xi32, #tpu.memory_space<vmem>>
            %dma_start3A_168 = tpu.memref_squeeze %dma_start3A_167 : memref<1x128xi32, #tpu.memory_space<vmem>> -> memref<128xi32, #tpu.memory_space<vmem>>
            %dma_start3A_169 = arith.constant 0 : i32
            %dma_start3A_170 = arith.constant 0 : i32
            %dma_start3A_171 = tpu.memref_slice %arg5[%dma_start3A_169, %dma_start3A_170] : memref<10000x128xf32, #tpu.memory_space<hbm>> -> memref<10000x128xf32, #tpu.memory_space<hbm>>
            tpu.enqueue_indirect_dma source(%dma_start3A_171 : memref<10000x128xf32, #tpu.memory_space<hbm>>) target(%arg15 : memref<128x128xf32, #tpu.memory_space<vmem>>) offsets(%dma_start3A_168 : memref<128xi32, #tpu.memory_space<vmem>>) semaphore(%arg17 : memref<!tpu.dma_semaphore, #tpu.memory_space<semaphore_mem>>)
          } else {
          }
          %sub3A_161 = arith.constant 79 : i32
          %sub3A_162 = arith.subi %sub3A_161, %while3A_108 : i32
          "tpu.region"() ({
            %run_scoped3A = tpu.sem_alloc : memref<!tpu.dma_semaphore, #tpu.memory_space<semaphore_mem>>
            %dma_start3A = arith.constant 0 : i32
            %dma_start3A_163 = tpu.memref_slice %arg13[%sub3A_162, %dma_start3A] : memref<80x128xi32, #tpu.memory_space<vmem>> -> memref<1x128xi32, #tpu.memory_space<vmem>>
            %dma_start3A_164 = tpu.memref_squeeze %dma_start3A_163 : memref<1x128xi32, #tpu.memory_space<vmem>> -> memref<128xi32, #tpu.memory_space<vmem>>
            %dma_start3A_165 = arith.constant 0 : i32
            %dma_start3A_166 = arith.constant 0 : i32
            %dma_start3A_167 = tpu.memref_slice %arg18[%dma_start3A_165, %dma_start3A_166] : memref<5008x128xf32, #tpu.memory_space<vmem_shared>> -> memref<5008x128xf32, #tpu.memory_space<vmem_shared>>
            tpu.enqueue_indirect_dma source(%arg14 : memref<128x128xf32, #tpu.memory_space<vmem>>) target(%dma_start3A_167 : memref<5008x128xf32, #tpu.memory_space<vmem_shared>>) offsets(%dma_start3A_164 : memref<128xi32, #tpu.memory_space<vmem>>) semaphore(%run_scoped3A : memref<!tpu.dma_semaphore, #tpu.memory_space<semaphore_mem>>) {add = true}
            %dma_wait3A_168 = arith.constant 0 : i32
            %dma_wait3A_169 = tpu.memref_slice %arg13[%sub3A_162, %dma_wait3A_168] : memref<80x128xi32, #tpu.memory_space<vmem>> -> memref<1x128xi32, #tpu.memory_space<vmem>>
            %dma_wait3A_170 = tpu.memref_squeeze %dma_wait3A_169 : memref<1x128xi32, #tpu.memory_space<vmem>> -> memref<128xi32, #tpu.memory_space<vmem>>
            %dma_wait3A_171 = arith.constant 0 : i32
            %dma_wait3A_172 = arith.constant 0 : i32
            %dma_wait3A_173 = tpu.memref_slice %arg18[%dma_wait3A_171, %dma_wait3A_172] : memref<5008x128xf32, #tpu.memory_space<vmem_shared>> -> memref<5008x128xf32, #tpu.memory_space<vmem_shared>>
            tpu.wait_indirect_dma semaphore(%run_scoped3A : memref<!tpu.dma_semaphore, #tpu.memory_space<semaphore_mem>>) src(%arg14 : memref<128x128xf32, #tpu.memory_space<vmem>>) dst(%dma_wait3A_173 : memref<5008x128xf32, #tpu.memory_space<vmem_shared>>)
            tpu.yield
          }) : () -> ()
        } else {
        }
        %jit3A_126 = arith.constant 2 : i32
        %eq3A_127 = arith.constant 0 : i32
        %eq3A_128 = arith.cmpi eq, %jit3A_126, %eq3A_127 : i32
        %jit3A_129 = arith.constant 1 : i32
        %select_n3A_130 = arith.select %eq3A_128, %jit3A_129, %jit3A_126 : i32
        %rem3A_131 = arith.remsi %while3A_108, %select_n3A_130 : i32
        %ne3A_132 = arith.constant 0 : i32
        %ne3A_133 = arith.cmpi ne, %rem3A_131, %ne3A_132 : i32
        %lt3A_134 = arith.constant 0 : i32
        %lt3A_135 = arith.cmpi slt, %rem3A_131, %lt3A_134 : i32
        %lt3A_136 = arith.constant 0 : i32
        %lt3A_137 = arith.cmpi slt, %select_n3A_130, %lt3A_136 : i32
        %ne3A_138 = arith.xori %lt3A_135, %lt3A_137 : i1
        %and3A_139 = arith.andi %ne3A_138, %ne3A_133 : i1
        %add3A_140 = arith.addi %rem3A_131, %select_n3A_130 : i32
        %select_n3A_141 = arith.select %and3A_139, %add3A_140, %rem3A_131 : i32
        %eq3A_142 = arith.constant 1 : i32
        %eq3A_143 = arith.cmpi eq, %select_n3A_141, %eq3A_142 : i32
        %convert_element_type3A_144 = arith.extui %eq3A_143 : i1 to i32
        %cond3A_145 = arith.constant 0 : i32
        %cond3A_146 = arith.cmpi ne, %convert_element_type3A_144, %cond3A_145 : i32
        scf.if %cond3A_146 {
          %sub3A_148 = arith.constant 79 : i32
          %sub3A_149 = arith.subi %sub3A_148, %while3A_108 : i32
          %dma_wait3A = arith.constant 0 : i32
          %dma_wait3A_150 = tpu.memref_slice %arg12[%sub3A_149, %dma_wait3A] : memref<80x128xi32, #tpu.memory_space<vmem>> -> memref<1x128xi32, #tpu.memory_space<vmem>>
          %dma_wait3A_151 = tpu.memref_squeeze %dma_wait3A_150 : memref<1x128xi32, #tpu.memory_space<vmem>> -> memref<128xi32, #tpu.memory_space<vmem>>
          %dma_wait3A_152 = arith.constant 0 : i32
          %dma_wait3A_153 = arith.constant 0 : i32
          %dma_wait3A_154 = tpu.memref_slice %arg5[%dma_wait3A_152, %dma_wait3A_153] : memref<10000x128xf32, #tpu.memory_space<hbm>> -> memref<10000x128xf32, #tpu.memory_space<hbm>>
          tpu.wait_indirect_dma semaphore(%arg17 : memref<!tpu.dma_semaphore, #tpu.memory_space<semaphore_mem>>) src(%dma_wait3A_154 : memref<10000x128xf32, #tpu.memory_space<hbm>>) dst(%arg15 : memref<128x128xf32, #tpu.memory_space<vmem>>)
          %add3A_155 = arith.constant 1 : i32
          %add3A_156 = arith.addi %while3A_108, %add3A_155 : i32
          %lt3A_157 = arith.cmpi slt, %add3A_156, %shift_right_logical3A_31 : i32
          %convert_element_type3A_158 = arith.extui %lt3A_157 : i1 to i32
          %cond3A_159 = arith.constant 0 : i32
          %cond3A_160 = arith.cmpi ne, %convert_element_type3A_158, %cond3A_159 : i32
          scf.if %cond3A_160 {
            %add3A_163 = arith.constant 1 : i32
            %add3A_164 = arith.addi %while3A_108, %add3A_163 : i32
            %sub3A_165 = arith.constant 79 : i32
            %sub3A_166 = arith.subi %sub3A_165, %add3A_164 : i32
            %dma_start3A = arith.constant 0 : i32
            %dma_start3A_167 = tpu.memref_slice %arg12[%sub3A_166, %dma_start3A] : memref<80x128xi32, #tpu.memory_space<vmem>> -> memref<1x128xi32, #tpu.memory_space<vmem>>
            %dma_start3A_168 = tpu.memref_squeeze %dma_start3A_167 : memref<1x128xi32, #tpu.memory_space<vmem>> -> memref<128xi32, #tpu.memory_space<vmem>>
            %dma_start3A_169 = arith.constant 0 : i32
            %dma_start3A_170 = arith.constant 0 : i32
            %dma_start3A_171 = tpu.memref_slice %arg5[%dma_start3A_169, %dma_start3A_170] : memref<10000x128xf32, #tpu.memory_space<hbm>> -> memref<10000x128xf32, #tpu.memory_space<hbm>>
            tpu.enqueue_indirect_dma source(%dma_start3A_171 : memref<10000x128xf32, #tpu.memory_space<hbm>>) target(%arg14 : memref<128x128xf32, #tpu.memory_space<vmem>>) offsets(%dma_start3A_168 : memref<128xi32, #tpu.memory_space<vmem>>) semaphore(%arg16 : memref<!tpu.dma_semaphore, #tpu.memory_space<semaphore_mem>>)
          } else {
          }
          %sub3A_161 = arith.constant 79 : i32
          %sub3A_162 = arith.subi %sub3A_161, %while3A_108 : i32
          "tpu.region"() ({
            %run_scoped3A = tpu.sem_alloc : memref<!tpu.dma_semaphore, #tpu.memory_space<semaphore_mem>>
            %dma_start3A = arith.constant 0 : i32
            %dma_start3A_163 = tpu.memref_slice %arg13[%sub3A_162, %dma_start3A] : memref<80x128xi32, #tpu.memory_space<vmem>> -> memref<1x128xi32, #tpu.memory_space<vmem>>
            %dma_start3A_164 = tpu.memref_squeeze %dma_start3A_163 : memref<1x128xi32, #tpu.memory_space<vmem>> -> memref<128xi32, #tpu.memory_space<vmem>>
            %dma_start3A_165 = arith.constant 0 : i32
            %dma_start3A_166 = arith.constant 0 : i32
            %dma_start3A_167 = tpu.memref_slice %arg18[%dma_start3A_165, %dma_start3A_166] : memref<5008x128xf32, #tpu.memory_space<vmem_shared>> -> memref<5008x128xf32, #tpu.memory_space<vmem_shared>>
            tpu.enqueue_indirect_dma source(%arg15 : memref<128x128xf32, #tpu.memory_space<vmem>>) target(%dma_start3A_167 : memref<5008x128xf32, #tpu.memory_space<vmem_shared>>) offsets(%dma_start3A_164 : memref<128xi32, #tpu.memory_space<vmem>>) semaphore(%run_scoped3A : memref<!tpu.dma_semaphore, #tpu.memory_space<semaphore_mem>>) {add = true}
            %dma_wait3A_168 = arith.constant 0 : i32
            %dma_wait3A_169 = tpu.memref_slice %arg13[%sub3A_162, %dma_wait3A_168] : memref<80x128xi32, #tpu.memory_space<vmem>> -> memref<1x128xi32, #tpu.memory_space<vmem>>
            %dma_wait3A_170 = tpu.memref_squeeze %dma_wait3A_169 : memref<1x128xi32, #tpu.memory_space<vmem>> -> memref<128xi32, #tpu.memory_space<vmem>>
            %dma_wait3A_171 = arith.constant 0 : i32
            %dma_wait3A_172 = arith.constant 0 : i32
            %dma_wait3A_173 = tpu.memref_slice %arg18[%dma_wait3A_171, %dma_wait3A_172] : memref<5008x128xf32, #tpu.memory_space<vmem_shared>> -> memref<5008x128xf32, #tpu.memory_space<vmem_shared>>
            tpu.wait_indirect_dma semaphore(%run_scoped3A : memref<!tpu.dma_semaphore, #tpu.memory_space<semaphore_mem>>) src(%arg15 : memref<128x128xf32, #tpu.memory_space<vmem>>) dst(%dma_wait3A_173 : memref<5008x128xf32, #tpu.memory_space<vmem_shared>>)
            tpu.yield
          }) : () -> ()
        } else {
        }
        %while3A_147 = arith.constant 0 : i32
        scf.yield %while3A_147 : i32
      }
    } else {
    }
    %barrier3A_81 = arith.constant 0 : index
    tpu.barrier barrier_id(%barrier3A_81)
    %eq3A_82 = arith.constant 0 : i32
    %eq3A_83 = arith.cmpi eq, %arg0, %eq3A_82 : i32
    %convert_element_type3A_84 = arith.extui %eq3A_83 : i1 to i32
    %cond3A_85 = arith.constant 0 : i32
    %cond3A_86 = arith.cmpi ne, %convert_element_type3A_84, %cond3A_85 : i32
    scf.if %cond3A_86 {
      %lt3A_93 = arith.constant 15 : i32
      %lt3A_94 = arith.cmpi slt, %arg1, %lt3A_93 : i32
      %convert_element_type3A_95 = arith.extui %lt3A_94 : i1 to i32
      %cond3A_96 = arith.constant 0 : i32
      %cond3A_97 = arith.cmpi ne, %convert_element_type3A_95, %cond3A_96 : i32
      scf.if %cond3A_97 {
        %mul3A = arith.constant 320 : i32
        %mul3A_103 = arith.muli %arg1, %mul3A : i32
        %mul3A_104 = arith.constant 320 : i32
        %mul3A_105 = arith.muli %arg1, %mul3A_104 : i32
        %add3A_106 = arith.constant 5000 : i32
        %add3A_107 = arith.addi %add3A_106, %mul3A_105 : i32
        "tpu.region"() ({
          %run_scoped3A = tpu.sem_alloc : memref<!tpu.dma_semaphore, #tpu.memory_space<semaphore_mem>>
          %dma_start3A = arith.constant 0 : i32
          %dma_start3A_108 = tpu.memref_slice %arg8[%add3A_107, %dma_start3A] : memref<10000x128xf32, #tpu.memory_space<hbm>> -> memref<320x128xf32, #tpu.memory_space<hbm>>
          %dma_start3A_109 = arith.constant 0 : i32
          %dma_start3A_110 = tpu.memref_slice %arg18[%mul3A_103, %dma_start3A_109] : memref<5008x128xf32, #tpu.memory_space<vmem_shared>> -> memref<320x128xf32, #tpu.memory_space<vmem_shared>>
          tpu.enqueue_dma source(%dma_start3A_110 : memref<320x128xf32, #tpu.memory_space<vmem_shared>>) target(%dma_start3A_108 : memref<320x128xf32, #tpu.memory_space<hbm>>) target_semaphore(%run_scoped3A : memref<!tpu.dma_semaphore, #tpu.memory_space<semaphore_mem>>)
          %dma_wait3A = arith.constant 0 : i32
          %dma_wait3A_111 = tpu.memref_slice %arg8[%add3A_107, %dma_wait3A] : memref<10000x128xf32, #tpu.memory_space<hbm>> -> memref<320x128xf32, #tpu.memory_space<hbm>>
          %dma_wait3A_112 = arith.constant 0 : i32
          %dma_wait3A_113 = tpu.memref_slice %arg18[%mul3A_103, %dma_wait3A_112] : memref<5008x128xf32, #tpu.memory_space<vmem_shared>> -> memref<320x128xf32, #tpu.memory_space<vmem_shared>>
          tpu.wait_dma2 semaphore(%run_scoped3A : memref<!tpu.dma_semaphore, #tpu.memory_space<semaphore_mem>>) src(%dma_wait3A_113 : memref<320x128xf32, #tpu.memory_space<vmem_shared>>) dst(%dma_wait3A_111 : memref<320x128xf32, #tpu.memory_space<hbm>>)
          tpu.yield
        }) : () -> ()
      } else {
      }
      %eq3A_98 = arith.constant 15 : i32
      %eq3A_99 = arith.cmpi eq, %arg1, %eq3A_98 : i32
      %convert_element_type3A_100 = arith.extui %eq3A_99 : i1 to i32
      %cond3A_101 = arith.constant 0 : i32
      %cond3A_102 = arith.cmpi ne, %convert_element_type3A_100, %cond3A_101 : i32
      scf.if %cond3A_102 {
        "tpu.region"() ({
          %run_scoped3A = tpu.sem_alloc : memref<!tpu.dma_semaphore, #tpu.memory_space<semaphore_mem>>
          %dma_start3A = arith.constant 9800 : i32
          %dma_start3A_103 = arith.constant 0 : i32
          %dma_start3A_104 = tpu.memref_slice %arg8[%dma_start3A, %dma_start3A_103] : memref<10000x128xf32, #tpu.memory_space<hbm>> -> memref<200x128xf32, #tpu.memory_space<hbm>>
          %dma_start3A_105 = arith.constant 4800 : i32
          %dma_start3A_106 = arith.constant 0 : i32
          %dma_start3A_107 = tpu.memref_slice %arg18[%dma_start3A_105, %dma_start3A_106] : memref<5008x128xf32, #tpu.memory_space<vmem_shared>> -> memref<200x128xf32, #tpu.memory_space<vmem_shared>>
          tpu.enqueue_dma source(%dma_start3A_107 : memref<200x128xf32, #tpu.memory_space<vmem_shared>>) target(%dma_start3A_104 : memref<200x128xf32, #tpu.memory_space<hbm>>) target_semaphore(%run_scoped3A : memref<!tpu.dma_semaphore, #tpu.memory_space<semaphore_mem>>)
          %dma_wait3A = arith.constant 9800 : i32
          %dma_wait3A_108 = arith.constant 0 : i32
          %dma_wait3A_109 = tpu.memref_slice %arg8[%dma_wait3A, %dma_wait3A_108] : memref<10000x128xf32, #tpu.memory_space<hbm>> -> memref<200x128xf32, #tpu.memory_space<hbm>>
          %dma_wait3A_110 = arith.constant 4800 : i32
          %dma_wait3A_111 = arith.constant 0 : i32
          %dma_wait3A_112 = tpu.memref_slice %arg18[%dma_wait3A_110, %dma_wait3A_111] : memref<5008x128xf32, #tpu.memory_space<vmem_shared>> -> memref<200x128xf32, #tpu.memory_space<vmem_shared>>
          tpu.wait_dma2 semaphore(%run_scoped3A : memref<!tpu.dma_semaphore, #tpu.memory_space<semaphore_mem>>) src(%dma_wait3A_112 : memref<200x128xf32, #tpu.memory_space<vmem_shared>>) dst(%dma_wait3A_109 : memref<200x128xf32, #tpu.memory_space<hbm>>)
          tpu.yield
        }) : () -> ()
      } else {
      }
    } else {
    }
    %eq3A_87 = arith.constant 1 : i32
    %eq3A_88 = arith.cmpi eq, %arg0, %eq3A_87 : i32
    %convert_element_type3A_89 = arith.extui %eq3A_88 : i1 to i32
    %cond3A_90 = arith.constant 0 : i32
    %cond3A_91 = arith.cmpi ne, %convert_element_type3A_89, %cond3A_90 : i32
    scf.if %cond3A_91 {
      %lt3A_93 = arith.constant 15 : i32
      %lt3A_94 = arith.cmpi slt, %arg1, %lt3A_93 : i32
      %convert_element_type3A_95 = arith.extui %lt3A_94 : i1 to i32
      %cond3A_96 = arith.constant 0 : i32
      %cond3A_97 = arith.cmpi ne, %convert_element_type3A_95, %cond3A_96 : i32
      scf.if %cond3A_97 {
        %mul3A = arith.constant 320 : i32
        %mul3A_103 = arith.muli %arg1, %mul3A : i32
        %mul3A_104 = arith.constant 320 : i32
        %mul3A_105 = arith.muli %arg1, %mul3A_104 : i32
        %add3A_106 = arith.constant 5000 : i32
        %add3A_107 = arith.addi %add3A_106, %mul3A_105 : i32
        "tpu.region"() ({
          %run_scoped3A = tpu.sem_alloc : memref<!tpu.dma_semaphore, #tpu.memory_space<semaphore_mem>>
          %dma_start3A = arith.constant 0 : i32
          %dma_start3A_108 = tpu.memref_slice %arg9[%add3A_107, %dma_start3A] : memref<10000x128xf32, #tpu.memory_space<hbm>> -> memref<320x128xf32, #tpu.memory_space<hbm>>
          %dma_start3A_109 = arith.constant 0 : i32
          %dma_start3A_110 = tpu.memref_slice %arg18[%mul3A_103, %dma_start3A_109] : memref<5008x128xf32, #tpu.memory_space<vmem_shared>> -> memref<320x128xf32, #tpu.memory_space<vmem_shared>>
          tpu.enqueue_dma source(%dma_start3A_110 : memref<320x128xf32, #tpu.memory_space<vmem_shared>>) target(%dma_start3A_108 : memref<320x128xf32, #tpu.memory_space<hbm>>) target_semaphore(%run_scoped3A : memref<!tpu.dma_semaphore, #tpu.memory_space<semaphore_mem>>)
          %dma_wait3A = arith.constant 0 : i32
          %dma_wait3A_111 = tpu.memref_slice %arg9[%add3A_107, %dma_wait3A] : memref<10000x128xf32, #tpu.memory_space<hbm>> -> memref<320x128xf32, #tpu.memory_space<hbm>>
          %dma_wait3A_112 = arith.constant 0 : i32
          %dma_wait3A_113 = tpu.memref_slice %arg18[%mul3A_103, %dma_wait3A_112] : memref<5008x128xf32, #tpu.memory_space<vmem_shared>> -> memref<320x128xf32, #tpu.memory_space<vmem_shared>>
          tpu.wait_dma2 semaphore(%run_scoped3A : memref<!tpu.dma_semaphore, #tpu.memory_space<semaphore_mem>>) src(%dma_wait3A_113 : memref<320x128xf32, #tpu.memory_space<vmem_shared>>) dst(%dma_wait3A_111 : memref<320x128xf32, #tpu.memory_space<hbm>>)
          tpu.yield
        }) : () -> ()
      } else {
      }
      %eq3A_98 = arith.constant 15 : i32
      %eq3A_99 = arith.cmpi eq, %arg1, %eq3A_98 : i32
      %convert_element_type3A_100 = arith.extui %eq3A_99 : i1 to i32
      %cond3A_101 = arith.constant 0 : i32
      %cond3A_102 = arith.cmpi ne, %convert_element_type3A_100, %cond3A_101 : i32
      scf.if %cond3A_102 {
        "tpu.region"() ({
          %run_scoped3A = tpu.sem_alloc : memref<!tpu.dma_semaphore, #tpu.memory_space<semaphore_mem>>
          %dma_start3A = arith.constant 9800 : i32
          %dma_start3A_103 = arith.constant 0 : i32
          %dma_start3A_104 = tpu.memref_slice %arg9[%dma_start3A, %dma_start3A_103] : memref<10000x128xf32, #tpu.memory_space<hbm>> -> memref<200x128xf32, #tpu.memory_space<hbm>>
          %dma_start3A_105 = arith.constant 4800 : i32
          %dma_start3A_106 = arith.constant 0 : i32
          %dma_start3A_107 = tpu.memref_slice %arg18[%dma_start3A_105, %dma_start3A_106] : memref<5008x128xf32, #tpu.memory_space<vmem_shared>> -> memref<200x128xf32, #tpu.memory_space<vmem_shared>>
          tpu.enqueue_dma source(%dma_start3A_107 : memref<200x128xf32, #tpu.memory_space<vmem_shared>>) target(%dma_start3A_104 : memref<200x128xf32, #tpu.memory_space<hbm>>) target_semaphore(%run_scoped3A : memref<!tpu.dma_semaphore, #tpu.memory_space<semaphore_mem>>)
          %dma_wait3A = arith.constant 9800 : i32
          %dma_wait3A_108 = arith.constant 0 : i32
          %dma_wait3A_109 = tpu.memref_slice %arg9[%dma_wait3A, %dma_wait3A_108] : memref<10000x128xf32, #tpu.memory_space<hbm>> -> memref<200x128xf32, #tpu.memory_space<hbm>>
          %dma_wait3A_110 = arith.constant 4800 : i32
          %dma_wait3A_111 = arith.constant 0 : i32
          %dma_wait3A_112 = tpu.memref_slice %arg18[%dma_wait3A_110, %dma_wait3A_111] : memref<5008x128xf32, #tpu.memory_space<vmem_shared>> -> memref<200x128xf32, #tpu.memory_space<vmem_shared>>
          tpu.wait_dma2 semaphore(%run_scoped3A : memref<!tpu.dma_semaphore, #tpu.memory_space<semaphore_mem>>) src(%dma_wait3A_112 : memref<200x128xf32, #tpu.memory_space<vmem_shared>>) dst(%dma_wait3A_109 : memref<200x128xf32, #tpu.memory_space<hbm>>)
          tpu.yield
        }) : () -> ()
      } else {
      }
    } else {
    }
    %barrier3A_92 = arith.constant 0 : index
    tpu.barrier barrier_id(%barrier3A_92)
    return
  }
}

#map = affine_map<(d0, d1) -> (0, 0, 0)>
#map1 = affine_map<(d0, d1) -> (0)>
module attributes {stable_mosaic.version = 14 : i64} {
  func.func @_deg_body(%arg0: i32, %arg1: i32, %arg2: memref<16x125x80xi32, #tpu.memory_space<hbm>>, %arg3: memref<16x125x80xi32, #tpu.memory_space<hbm>>, %arg4: memref<632xf32, #tpu.memory_space<hbm>>, %arg5: memref<128xf32, #tpu.memory_space<hbm>>, %arg6: memref<10000xf32, #tpu.memory_space<hbm>>, %arg7: memref<10000xf32, #tpu.memory_space<hbm>>, %arg8: memref<125x80xi32, #tpu.memory_space<vmem>>, %arg9: memref<128xf32, #tpu.memory_space<vmem>>, %arg10: memref<632xf32, #tpu.memory_space<vmem>>, %arg11: memref<10000xf32, #tpu.memory_space<vmem_shared>>) attributes {dimension_semantics = [#tpu.dimension_semantics<core_parallel>, #tpu.dimension_semantics<subcore_parallel>], iteration_bounds = array<i64: 2, 16>, scalar_prefetch = 0 : i64, scratch_operands = 4 : i64, tpu.core_type = #tpu.core_type<sc_vector_subcore>, window_params = [{transform_indices = #map}, {transform_indices = #map}, {transform_indices = #map1}, {transform_indices = #map1}, {transform_indices = #map1}, {transform_indices = #map1}]} {
    "tpu.region"() ({
      %run_scoped3A = tpu.sem_alloc : memref<!tpu.dma_semaphore, #tpu.memory_space<semaphore_mem>>
      tpu.enqueue_dma source(%arg4 : memref<632xf32, #tpu.memory_space<hbm>>) target(%arg10 : memref<632xf32, #tpu.memory_space<vmem>>) target_semaphore(%run_scoped3A : memref<!tpu.dma_semaphore, #tpu.memory_space<semaphore_mem>>)
      tpu.wait_dma2 semaphore(%run_scoped3A : memref<!tpu.dma_semaphore, #tpu.memory_space<semaphore_mem>>) src(%arg4 : memref<632xf32, #tpu.memory_space<hbm>>) dst(%arg10 : memref<632xf32, #tpu.memory_space<vmem>>)
      tpu.yield
    }) : () -> ()
    %lt3A = arith.constant 15 : i32
    %lt3A_0 = arith.cmpi slt, %arg1, %lt3A : i32
    %convert_element_type3A = arith.extui %lt3A_0 : i1 to i32
    %cond3A = arith.constant 0 : i32
    %cond3A_1 = arith.cmpi ne, %convert_element_type3A, %cond3A : i32
    scf.if %cond3A_1 {
      %mul3A = arith.constant 632 : i32
      %mul3A_33 = arith.muli %arg1, %mul3A : i32
      "tpu.region"() ({
        %run_scoped3A = tpu.sem_alloc : memref<!tpu.dma_semaphore, #tpu.memory_space<semaphore_mem>>
        %dma_start3A = tpu.memref_slice %arg11[%mul3A_33] : memref<10000xf32, #tpu.memory_space<vmem_shared>> -> memref<632xf32, #tpu.memory_space<vmem_shared>>
        %dma_start3A_34 = tpu.memref_slice %arg11[%mul3A_33] : memref<10000xf32, #tpu.memory_space<vmem_shared>> -> memref<632xf32, #tpu.memory_space<vmem_shared>>
        tpu.enqueue_dma source(%arg10 : memref<632xf32, #tpu.memory_space<vmem>>) target(%dma_start3A_34 : memref<632xf32, #tpu.memory_space<vmem_shared>>) target_semaphore(%run_scoped3A : memref<!tpu.dma_semaphore, #tpu.memory_space<semaphore_mem>>)
        %dma_wait3A = tpu.memref_slice %arg11[%mul3A_33] : memref<10000xf32, #tpu.memory_space<vmem_shared>> -> memref<632xf32, #tpu.memory_space<vmem_shared>>
        %dma_wait3A_35 = tpu.memref_slice %arg11[%mul3A_33] : memref<10000xf32, #tpu.memory_space<vmem_shared>> -> memref<632xf32, #tpu.memory_space<vmem_shared>>
        tpu.wait_dma2 semaphore(%run_scoped3A : memref<!tpu.dma_semaphore, #tpu.memory_space<semaphore_mem>>) src(%arg10 : memref<632xf32, #tpu.memory_space<vmem>>) dst(%dma_wait3A_35 : memref<632xf32, #tpu.memory_space<vmem_shared>>)
        tpu.yield
      }) : () -> ()
    } else {
    }
    %eq3A = arith.constant 15 : i32
    %eq3A_2 = arith.cmpi eq, %arg1, %eq3A : i32
    %convert_element_type3A_3 = arith.extui %eq3A_2 : i1 to i32
    %cond3A_4 = arith.constant 0 : i32
    %cond3A_5 = arith.cmpi ne, %convert_element_type3A_3, %cond3A_4 : i32
    scf.if %cond3A_5 {
      "tpu.region"() ({
        %run_scoped3A = tpu.sem_alloc : memref<!tpu.dma_semaphore, #tpu.memory_space<semaphore_mem>>
        %dma_start3A = arith.constant 0 : i32
        %dma_start3A_33 = tpu.memref_slice %arg10[%dma_start3A] : memref<632xf32, #tpu.memory_space<vmem>> -> memref<520xf32, #tpu.memory_space<vmem>>
        %dma_start3A_34 = arith.constant 9480 : i32
        %dma_start3A_35 = tpu.memref_slice %arg11[%dma_start3A_34] : memref<10000xf32, #tpu.memory_space<vmem_shared>> -> memref<520xf32, #tpu.memory_space<vmem_shared>>
        %dma_start3A_36 = arith.constant 9480 : i32
        %dma_start3A_37 = tpu.memref_slice %arg11[%dma_start3A_36] : memref<10000xf32, #tpu.memory_space<vmem_shared>> -> memref<520xf32, #tpu.memory_space<vmem_shared>>
        %dma_start3A_38 = arith.constant 0 : i32
        %dma_start3A_39 = tpu.memref_slice %arg10[%dma_start3A_38] : memref<632xf32, #tpu.memory_space<vmem>> -> memref<520xf32, #tpu.memory_space<vmem>>
        tpu.enqueue_dma source(%dma_start3A_39 : memref<520xf32, #tpu.memory_space<vmem>>) target(%dma_start3A_37 : memref<520xf32, #tpu.memory_space<vmem_shared>>) target_semaphore(%run_scoped3A : memref<!tpu.dma_semaphore, #tpu.memory_space<semaphore_mem>>)
        %dma_wait3A = arith.constant 0 : i32
        %dma_wait3A_40 = tpu.memref_slice %arg10[%dma_wait3A] : memref<632xf32, #tpu.memory_space<vmem>> -> memref<520xf32, #tpu.memory_space<vmem>>
        %dma_wait3A_41 = arith.constant 9480 : i32
        %dma_wait3A_42 = tpu.memref_slice %arg11[%dma_wait3A_41] : memref<10000xf32, #tpu.memory_space<vmem_shared>> -> memref<520xf32, #tpu.memory_space<vmem_shared>>
        %dma_wait3A_43 = arith.constant 9480 : i32
        %dma_wait3A_44 = tpu.memref_slice %arg11[%dma_wait3A_43] : memref<10000xf32, #tpu.memory_space<vmem_shared>> -> memref<520xf32, #tpu.memory_space<vmem_shared>>
        %dma_wait3A_45 = arith.constant 0 : i32
        %dma_wait3A_46 = tpu.memref_slice %arg10[%dma_wait3A_45] : memref<632xf32, #tpu.memory_space<vmem>> -> memref<520xf32, #tpu.memory_space<vmem>>
        tpu.wait_dma2 semaphore(%run_scoped3A : memref<!tpu.dma_semaphore, #tpu.memory_space<semaphore_mem>>) src(%dma_wait3A_46 : memref<520xf32, #tpu.memory_space<vmem>>) dst(%dma_wait3A_44 : memref<520xf32, #tpu.memory_space<vmem_shared>>)
        tpu.yield
      }) : () -> ()
    } else {
    }
    "tpu.region"() ({
      %run_scoped3A = tpu.sem_alloc : memref<!tpu.dma_semaphore, #tpu.memory_space<semaphore_mem>>
      tpu.enqueue_dma source(%arg5 : memref<128xf32, #tpu.memory_space<hbm>>) target(%arg9 : memref<128xf32, #tpu.memory_space<vmem>>) target_semaphore(%run_scoped3A : memref<!tpu.dma_semaphore, #tpu.memory_space<semaphore_mem>>)
      tpu.wait_dma2 semaphore(%run_scoped3A : memref<!tpu.dma_semaphore, #tpu.memory_space<semaphore_mem>>) src(%arg5 : memref<128xf32, #tpu.memory_space<hbm>>) dst(%arg9 : memref<128xf32, #tpu.memory_space<vmem>>)
      tpu.yield
    }) : () -> ()
    %eq3A_6 = arith.constant 0 : i32
    %eq3A_7 = arith.cmpi eq, %arg0, %eq3A_6 : i32
    %convert_element_type3A_8 = arith.extui %eq3A_7 : i1 to i32
    %cond3A_9 = arith.constant 0 : i32
    %cond3A_10 = arith.cmpi ne, %convert_element_type3A_8, %cond3A_9 : i32
    scf.if %cond3A_10 {
      "tpu.region"() ({
        %run_scoped3A = tpu.sem_alloc : memref<!tpu.dma_semaphore, #tpu.memory_space<semaphore_mem>>
        %dma_start3A = arith.constant 0 : i32
        %dma_start3A_33 = arith.constant 0 : i32
        %dma_start3A_34 = tpu.memref_slice %arg2[%arg1, %dma_start3A, %dma_start3A_33] : memref<16x125x80xi32, #tpu.memory_space<hbm>> -> memref<1x125x80xi32, #tpu.memory_space<hbm>>
        %dma_start3A_35 = tpu.memref_squeeze %dma_start3A_34 : memref<1x125x80xi32, #tpu.memory_space<hbm>> -> memref<125x80xi32, #tpu.memory_space<hbm>>
        %dma_start3A_36 = arith.constant 0 : i32
        %dma_start3A_37 = arith.constant 0 : i32
        %dma_start3A_38 = tpu.memref_slice %arg2[%arg1, %dma_start3A_36, %dma_start3A_37] : memref<16x125x80xi32, #tpu.memory_space<hbm>> -> memref<1x125x80xi32, #tpu.memory_space<hbm>>
        %dma_start3A_39 = tpu.memref_squeeze %dma_start3A_38 : memref<1x125x80xi32, #tpu.memory_space<hbm>> -> memref<125x80xi32, #tpu.memory_space<hbm>>
        tpu.enqueue_dma source(%dma_start3A_39 : memref<125x80xi32, #tpu.memory_space<hbm>>) target(%arg8 : memref<125x80xi32, #tpu.memory_space<vmem>>) target_semaphore(%run_scoped3A : memref<!tpu.dma_semaphore, #tpu.memory_space<semaphore_mem>>)
        %dma_wait3A = arith.constant 0 : i32
        %dma_wait3A_40 = arith.constant 0 : i32
        %dma_wait3A_41 = tpu.memref_slice %arg2[%arg1, %dma_wait3A, %dma_wait3A_40] : memref<16x125x80xi32, #tpu.memory_space<hbm>> -> memref<1x125x80xi32, #tpu.memory_space<hbm>>
        %dma_wait3A_42 = tpu.memref_squeeze %dma_wait3A_41 : memref<1x125x80xi32, #tpu.memory_space<hbm>> -> memref<125x80xi32, #tpu.memory_space<hbm>>
        %dma_wait3A_43 = arith.constant 0 : i32
        %dma_wait3A_44 = arith.constant 0 : i32
        %dma_wait3A_45 = tpu.memref_slice %arg2[%arg1, %dma_wait3A_43, %dma_wait3A_44] : memref<16x125x80xi32, #tpu.memory_space<hbm>> -> memref<1x125x80xi32, #tpu.memory_space<hbm>>
        %dma_wait3A_46 = tpu.memref_squeeze %dma_wait3A_45 : memref<1x125x80xi32, #tpu.memory_space<hbm>> -> memref<125x80xi32, #tpu.memory_space<hbm>>
        tpu.wait_dma2 semaphore(%run_scoped3A : memref<!tpu.dma_semaphore, #tpu.memory_space<semaphore_mem>>) src(%dma_wait3A_46 : memref<125x80xi32, #tpu.memory_space<hbm>>) dst(%arg8 : memref<125x80xi32, #tpu.memory_space<vmem>>)
        tpu.yield
      }) : () -> ()
    } else {
    }
    %eq3A_11 = arith.constant 1 : i32
    %eq3A_12 = arith.cmpi eq, %arg0, %eq3A_11 : i32
    %convert_element_type3A_13 = arith.extui %eq3A_12 : i1 to i32
    %cond3A_14 = arith.constant 0 : i32
    %cond3A_15 = arith.cmpi ne, %convert_element_type3A_13, %cond3A_14 : i32
    scf.if %cond3A_15 {
      "tpu.region"() ({
        %run_scoped3A = tpu.sem_alloc : memref<!tpu.dma_semaphore, #tpu.memory_space<semaphore_mem>>
        %dma_start3A = arith.constant 0 : i32
        %dma_start3A_33 = arith.constant 0 : i32
        %dma_start3A_34 = tpu.memref_slice %arg3[%arg1, %dma_start3A, %dma_start3A_33] : memref<16x125x80xi32, #tpu.memory_space<hbm>> -> memref<1x125x80xi32, #tpu.memory_space<hbm>>
        %dma_start3A_35 = tpu.memref_squeeze %dma_start3A_34 : memref<1x125x80xi32, #tpu.memory_space<hbm>> -> memref<125x80xi32, #tpu.memory_space<hbm>>
        %dma_start3A_36 = arith.constant 0 : i32
        %dma_start3A_37 = arith.constant 0 : i32
        %dma_start3A_38 = tpu.memref_slice %arg3[%arg1, %dma_start3A_36, %dma_start3A_37] : memref<16x125x80xi32, #tpu.memory_space<hbm>> -> memref<1x125x80xi32, #tpu.memory_space<hbm>>
        %dma_start3A_39 = tpu.memref_squeeze %dma_start3A_38 : memref<1x125x80xi32, #tpu.memory_space<hbm>> -> memref<125x80xi32, #tpu.memory_space<hbm>>
        tpu.enqueue_dma source(%dma_start3A_39 : memref<125x80xi32, #tpu.memory_space<hbm>>) target(%arg8 : memref<125x80xi32, #tpu.memory_space<vmem>>) target_semaphore(%run_scoped3A : memref<!tpu.dma_semaphore, #tpu.memory_space<semaphore_mem>>)
        %dma_wait3A = arith.constant 0 : i32
        %dma_wait3A_40 = arith.constant 0 : i32
        %dma_wait3A_41 = tpu.memref_slice %arg3[%arg1, %dma_wait3A, %dma_wait3A_40] : memref<16x125x80xi32, #tpu.memory_space<hbm>> -> memref<1x125x80xi32, #tpu.memory_space<hbm>>
        %dma_wait3A_42 = tpu.memref_squeeze %dma_wait3A_41 : memref<1x125x80xi32, #tpu.memory_space<hbm>> -> memref<125x80xi32, #tpu.memory_space<hbm>>
        %dma_wait3A_43 = arith.constant 0 : i32
        %dma_wait3A_44 = arith.constant 0 : i32
        %dma_wait3A_45 = tpu.memref_slice %arg3[%arg1, %dma_wait3A_43, %dma_wait3A_44] : memref<16x125x80xi32, #tpu.memory_space<hbm>> -> memref<1x125x80xi32, #tpu.memory_space<hbm>>
        %dma_wait3A_46 = tpu.memref_squeeze %dma_wait3A_45 : memref<1x125x80xi32, #tpu.memory_space<hbm>> -> memref<125x80xi32, #tpu.memory_space<hbm>>
        tpu.wait_dma2 semaphore(%run_scoped3A : memref<!tpu.dma_semaphore, #tpu.memory_space<semaphore_mem>>) src(%dma_wait3A_46 : memref<125x80xi32, #tpu.memory_space<hbm>>) dst(%arg8 : memref<125x80xi32, #tpu.memory_space<vmem>>)
        tpu.yield
      }) : () -> ()
    } else {
    }
    %barrier3A = arith.constant 0 : index
    tpu.barrier barrier_id(%barrier3A)
    %scan3A = arith.constant 0 : i32
    %scan3A_16 = arith.constant 0 : i32
    %scan3A_17 = arith.constant 125 : i32
    %scan3A_18 = arith.addi %scan3A_16, %scan3A_17 : i32
    %scan3A_19 = arith.constant 1 : i32
    %scan3A_20 = scf.for %scan3A_33 = %scan3A_16 to %scan3A_18 step %scan3A_19 iter_args(%scan3A_34 = %scan3A) -> (i32)  : i32 {
      "tpu.region"() ({
        %run_scoped3A = tpu.sem_alloc : memref<!tpu.dma_semaphore, #tpu.memory_space<semaphore_mem>>
        %dma_start3A = arith.constant 0 : i32
        %dma_start3A_36 = tpu.memref_slice %arg9[%dma_start3A] : memref<128xf32, #tpu.memory_space<vmem>> -> memref<80xf32, #tpu.memory_space<vmem>>
        %dma_start3A_37 = arith.constant 0 : i32
        %dma_start3A_38 = tpu.memref_slice %arg8[%scan3A_33, %dma_start3A_37] : memref<125x80xi32, #tpu.memory_space<vmem>> -> memref<1x80xi32, #tpu.memory_space<vmem>>
        %dma_start3A_39 = tpu.memref_squeeze %dma_start3A_38 : memref<1x80xi32, #tpu.memory_space<vmem>> -> memref<80xi32, #tpu.memory_space<vmem>>
        %dma_start3A_40 = arith.constant 0 : i32
        %dma_start3A_41 = tpu.memref_slice %arg11[%dma_start3A_40] : memref<10000xf32, #tpu.memory_space<vmem_shared>> -> memref<10000xf32, #tpu.memory_space<vmem_shared>>
        tpu.enqueue_indirect_dma source(%dma_start3A_36 : memref<80xf32, #tpu.memory_space<vmem>>) target(%dma_start3A_41 : memref<10000xf32, #tpu.memory_space<vmem_shared>>) offsets(%dma_start3A_39 : memref<80xi32, #tpu.memory_space<vmem>>) semaphore(%run_scoped3A : memref<!tpu.dma_semaphore, #tpu.memory_space<semaphore_mem>>) {add = true}
        %dma_wait3A = arith.constant 0 : i32
        %dma_wait3A_42 = tpu.memref_slice %arg9[%dma_wait3A] : memref<128xf32, #tpu.memory_space<vmem>> -> memref<80xf32, #tpu.memory_space<vmem>>
        %dma_wait3A_43 = arith.constant 0 : i32
        %dma_wait3A_44 = tpu.memref_slice %arg8[%scan3A_33, %dma_wait3A_43] : memref<125x80xi32, #tpu.memory_space<vmem>> -> memref<1x80xi32, #tpu.memory_space<vmem>>
        %dma_wait3A_45 = tpu.memref_squeeze %dma_wait3A_44 : memref<1x80xi32, #tpu.memory_space<vmem>> -> memref<80xi32, #tpu.memory_space<vmem>>
        %dma_wait3A_46 = arith.constant 0 : i32
        %dma_wait3A_47 = tpu.memref_slice %arg11[%dma_wait3A_46] : memref<10000xf32, #tpu.memory_space<vmem_shared>> -> memref<10000xf32, #tpu.memory_space<vmem_shared>>
        tpu.wait_indirect_dma semaphore(%run_scoped3A : memref<!tpu.dma_semaphore, #tpu.memory_space<semaphore_mem>>) src(%dma_wait3A_42 : memref<80xf32, #tpu.memory_space<vmem>>) dst(%dma_wait3A_47 : memref<10000xf32, #tpu.memory_space<vmem_shared>>)
        tpu.yield
      }) : () -> ()
      %scan3A_35 = arith.constant 0 : i32
      scf.yield %scan3A_35 : i32
    }
    %scan3A_21 = arith.constant 125 : i32
    %barrier3A_22 = arith.constant 0 : index
    tpu.barrier barrier_id(%barrier3A_22)
    %eq3A_23 = arith.constant 0 : i32
    %eq3A_24 = arith.cmpi eq, %arg0, %eq3A_23 : i32
    %convert_element_type3A_25 = arith.extui %eq3A_24 : i1 to i32
    %cond3A_26 = arith.constant 0 : i32
    %cond3A_27 = arith.cmpi ne, %convert_element_type3A_25, %cond3A_26 : i32
    scf.if %cond3A_27 {
      %lt3A_33 = arith.constant 15 : i32
      %lt3A_34 = arith.cmpi slt, %arg1, %lt3A_33 : i32
      %convert_element_type3A_35 = arith.extui %lt3A_34 : i1 to i32
      %cond3A_36 = arith.constant 0 : i32
      %cond3A_37 = arith.cmpi ne, %convert_element_type3A_35, %cond3A_36 : i32
      scf.if %cond3A_37 {
        %mul3A = arith.constant 632 : i32
        %mul3A_43 = arith.muli %arg1, %mul3A : i32
        "tpu.region"() ({
          %run_scoped3A = tpu.sem_alloc : memref<!tpu.dma_semaphore, #tpu.memory_space<semaphore_mem>>
          %dma_start3A = tpu.memref_slice %arg11[%mul3A_43] : memref<10000xf32, #tpu.memory_space<vmem_shared>> -> memref<632xf32, #tpu.memory_space<vmem_shared>>
          %dma_start3A_46 = tpu.memref_slice %arg11[%mul3A_43] : memref<10000xf32, #tpu.memory_space<vmem_shared>> -> memref<632xf32, #tpu.memory_space<vmem_shared>>
          tpu.enqueue_dma source(%dma_start3A_46 : memref<632xf32, #tpu.memory_space<vmem_shared>>) target(%arg10 : memref<632xf32, #tpu.memory_space<vmem>>) target_semaphore(%run_scoped3A : memref<!tpu.dma_semaphore, #tpu.memory_space<semaphore_mem>>)
          %dma_wait3A = tpu.memref_slice %arg11[%mul3A_43] : memref<10000xf32, #tpu.memory_space<vmem_shared>> -> memref<632xf32, #tpu.memory_space<vmem_shared>>
          %dma_wait3A_47 = tpu.memref_slice %arg11[%mul3A_43] : memref<10000xf32, #tpu.memory_space<vmem_shared>> -> memref<632xf32, #tpu.memory_space<vmem_shared>>
          tpu.wait_dma2 semaphore(%run_scoped3A : memref<!tpu.dma_semaphore, #tpu.memory_space<semaphore_mem>>) src(%dma_wait3A_47 : memref<632xf32, #tpu.memory_space<vmem_shared>>) dst(%arg10 : memref<632xf32, #tpu.memory_space<vmem>>)
          tpu.yield
        }) : () -> ()
        %mul3A_44 = arith.constant 632 : i32
        %mul3A_45 = arith.muli %arg1, %mul3A_44 : i32
        "tpu.region"() ({
          %run_scoped3A = tpu.sem_alloc : memref<!tpu.dma_semaphore, #tpu.memory_space<semaphore_mem>>
          %dma_start3A = tpu.memref_slice %arg6[%mul3A_45] : memref<10000xf32, #tpu.memory_space<hbm>> -> memref<632xf32, #tpu.memory_space<hbm>>
          %dma_start3A_46 = tpu.memref_slice %arg6[%mul3A_45] : memref<10000xf32, #tpu.memory_space<hbm>> -> memref<632xf32, #tpu.memory_space<hbm>>
          tpu.enqueue_dma source(%arg10 : memref<632xf32, #tpu.memory_space<vmem>>) target(%dma_start3A_46 : memref<632xf32, #tpu.memory_space<hbm>>) target_semaphore(%run_scoped3A : memref<!tpu.dma_semaphore, #tpu.memory_space<semaphore_mem>>)
          %dma_wait3A = tpu.memref_slice %arg6[%mul3A_45] : memref<10000xf32, #tpu.memory_space<hbm>> -> memref<632xf32, #tpu.memory_space<hbm>>
          %dma_wait3A_47 = tpu.memref_slice %arg6[%mul3A_45] : memref<10000xf32, #tpu.memory_space<hbm>> -> memref<632xf32, #tpu.memory_space<hbm>>
          tpu.wait_dma2 semaphore(%run_scoped3A : memref<!tpu.dma_semaphore, #tpu.memory_space<semaphore_mem>>) src(%arg10 : memref<632xf32, #tpu.memory_space<vmem>>) dst(%dma_wait3A_47 : memref<632xf32, #tpu.memory_space<hbm>>)
          tpu.yield
        }) : () -> ()
      } else {
      }
      %eq3A_38 = arith.constant 15 : i32
      %eq3A_39 = arith.cmpi eq, %arg1, %eq3A_38 : i32
      %convert_element_type3A_40 = arith.extui %eq3A_39 : i1 to i32
      %cond3A_41 = arith.constant 0 : i32
      %cond3A_42 = arith.cmpi ne, %convert_element_type3A_40, %cond3A_41 : i32
      scf.if %cond3A_42 {
        "tpu.region"() ({
          %run_scoped3A = tpu.sem_alloc : memref<!tpu.dma_semaphore, #tpu.memory_space<semaphore_mem>>
          %dma_start3A = arith.constant 0 : i32
          %dma_start3A_43 = tpu.memref_slice %arg10[%dma_start3A] : memref<632xf32, #tpu.memory_space<vmem>> -> memref<520xf32, #tpu.memory_space<vmem>>
          %dma_start3A_44 = arith.constant 9480 : i32
          %dma_start3A_45 = tpu.memref_slice %arg11[%dma_start3A_44] : memref<10000xf32, #tpu.memory_space<vmem_shared>> -> memref<520xf32, #tpu.memory_space<vmem_shared>>
          %dma_start3A_46 = arith.constant 0 : i32
          %dma_start3A_47 = tpu.memref_slice %arg10[%dma_start3A_46] : memref<632xf32, #tpu.memory_space<vmem>> -> memref<520xf32, #tpu.memory_space<vmem>>
          %dma_start3A_48 = arith.constant 9480 : i32
          %dma_start3A_49 = tpu.memref_slice %arg11[%dma_start3A_48] : memref<10000xf32, #tpu.memory_space<vmem_shared>> -> memref<520xf32, #tpu.memory_space<vmem_shared>>
          tpu.enqueue_dma source(%dma_start3A_49 : memref<520xf32, #tpu.memory_space<vmem_shared>>) target(%dma_start3A_47 : memref<520xf32, #tpu.memory_space<vmem>>) target_semaphore(%run_scoped3A : memref<!tpu.dma_semaphore, #tpu.memory_space<semaphore_mem>>)
          %dma_wait3A = arith.constant 0 : i32
          %dma_wait3A_50 = tpu.memref_slice %arg10[%dma_wait3A] : memref<632xf32, #tpu.memory_space<vmem>> -> memref<520xf32, #tpu.memory_space<vmem>>
          %dma_wait3A_51 = arith.constant 9480 : i32
          %dma_wait3A_52 = tpu.memref_slice %arg11[%dma_wait3A_51] : memref<10000xf32, #tpu.memory_space<vmem_shared>> -> memref<520xf32, #tpu.memory_space<vmem_shared>>
          %dma_wait3A_53 = arith.constant 0 : i32
          %dma_wait3A_54 = tpu.memref_slice %arg10[%dma_wait3A_53] : memref<632xf32, #tpu.memory_space<vmem>> -> memref<520xf32, #tpu.memory_space<vmem>>
          %dma_wait3A_55 = arith.constant 9480 : i32
          %dma_wait3A_56 = tpu.memref_slice %arg11[%dma_wait3A_55] : memref<10000xf32, #tpu.memory_space<vmem_shared>> -> memref<520xf32, #tpu.memory_space<vmem_shared>>
          tpu.wait_dma2 semaphore(%run_scoped3A : memref<!tpu.dma_semaphore, #tpu.memory_space<semaphore_mem>>) src(%dma_wait3A_56 : memref<520xf32, #tpu.memory_space<vmem_shared>>) dst(%dma_wait3A_54 : memref<520xf32, #tpu.memory_space<vmem>>)
          tpu.yield
        }) : () -> ()
        "tpu.region"() ({
          %run_scoped3A = tpu.sem_alloc : memref<!tpu.dma_semaphore, #tpu.memory_space<semaphore_mem>>
          %dma_start3A = arith.constant 0 : i32
          %dma_start3A_43 = tpu.memref_slice %arg10[%dma_start3A] : memref<632xf32, #tpu.memory_space<vmem>> -> memref<520xf32, #tpu.memory_space<vmem>>
          %dma_start3A_44 = arith.constant 9480 : i32
          %dma_start3A_45 = tpu.memref_slice %arg6[%dma_start3A_44] : memref<10000xf32, #tpu.memory_space<hbm>> -> memref<520xf32, #tpu.memory_space<hbm>>
          %dma_start3A_46 = arith.constant 9480 : i32
          %dma_start3A_47 = tpu.memref_slice %arg6[%dma_start3A_46] : memref<10000xf32, #tpu.memory_space<hbm>> -> memref<520xf32, #tpu.memory_space<hbm>>
          %dma_start3A_48 = arith.constant 0 : i32
          %dma_start3A_49 = tpu.memref_slice %arg10[%dma_start3A_48] : memref<632xf32, #tpu.memory_space<vmem>> -> memref<520xf32, #tpu.memory_space<vmem>>
          tpu.enqueue_dma source(%dma_start3A_49 : memref<520xf32, #tpu.memory_space<vmem>>) target(%dma_start3A_47 : memref<520xf32, #tpu.memory_space<hbm>>) target_semaphore(%run_scoped3A : memref<!tpu.dma_semaphore, #tpu.memory_space<semaphore_mem>>)
          %dma_wait3A = arith.constant 0 : i32
          %dma_wait3A_50 = tpu.memref_slice %arg10[%dma_wait3A] : memref<632xf32, #tpu.memory_space<vmem>> -> memref<520xf32, #tpu.memory_space<vmem>>
          %dma_wait3A_51 = arith.constant 9480 : i32
          %dma_wait3A_52 = tpu.memref_slice %arg6[%dma_wait3A_51] : memref<10000xf32, #tpu.memory_space<hbm>> -> memref<520xf32, #tpu.memory_space<hbm>>
          %dma_wait3A_53 = arith.constant 9480 : i32
          %dma_wait3A_54 = tpu.memref_slice %arg6[%dma_wait3A_53] : memref<10000xf32, #tpu.memory_space<hbm>> -> memref<520xf32, #tpu.memory_space<hbm>>
          %dma_wait3A_55 = arith.constant 0 : i32
          %dma_wait3A_56 = tpu.memref_slice %arg10[%dma_wait3A_55] : memref<632xf32, #tpu.memory_space<vmem>> -> memref<520xf32, #tpu.memory_space<vmem>>
          tpu.wait_dma2 semaphore(%run_scoped3A : memref<!tpu.dma_semaphore, #tpu.memory_space<semaphore_mem>>) src(%dma_wait3A_56 : memref<520xf32, #tpu.memory_space<vmem>>) dst(%dma_wait3A_54 : memref<520xf32, #tpu.memory_space<hbm>>)
          tpu.yield
        }) : () -> ()
      } else {
      }
    } else {
    }
    %eq3A_28 = arith.constant 1 : i32
    %eq3A_29 = arith.cmpi eq, %arg0, %eq3A_28 : i32
    %convert_element_type3A_30 = arith.extui %eq3A_29 : i1 to i32
    %cond3A_31 = arith.constant 0 : i32
    %cond3A_32 = arith.cmpi ne, %convert_element_type3A_30, %cond3A_31 : i32
    scf.if %cond3A_32 {
      %lt3A_33 = arith.constant 15 : i32
      %lt3A_34 = arith.cmpi slt, %arg1, %lt3A_33 : i32
      %convert_element_type3A_35 = arith.extui %lt3A_34 : i1 to i32
      %cond3A_36 = arith.constant 0 : i32
      %cond3A_37 = arith.cmpi ne, %convert_element_type3A_35, %cond3A_36 : i32
      scf.if %cond3A_37 {
        %mul3A = arith.constant 632 : i32
        %mul3A_43 = arith.muli %arg1, %mul3A : i32
        "tpu.region"() ({
          %run_scoped3A = tpu.sem_alloc : memref<!tpu.dma_semaphore, #tpu.memory_space<semaphore_mem>>
          %dma_start3A = tpu.memref_slice %arg11[%mul3A_43] : memref<10000xf32, #tpu.memory_space<vmem_shared>> -> memref<632xf32, #tpu.memory_space<vmem_shared>>
          %dma_start3A_46 = tpu.memref_slice %arg11[%mul3A_43] : memref<10000xf32, #tpu.memory_space<vmem_shared>> -> memref<632xf32, #tpu.memory_space<vmem_shared>>
          tpu.enqueue_dma source(%dma_start3A_46 : memref<632xf32, #tpu.memory_space<vmem_shared>>) target(%arg10 : memref<632xf32, #tpu.memory_space<vmem>>) target_semaphore(%run_scoped3A : memref<!tpu.dma_semaphore, #tpu.memory_space<semaphore_mem>>)
          %dma_wait3A = tpu.memref_slice %arg11[%mul3A_43] : memref<10000xf32, #tpu.memory_space<vmem_shared>> -> memref<632xf32, #tpu.memory_space<vmem_shared>>
          %dma_wait3A_47 = tpu.memref_slice %arg11[%mul3A_43] : memref<10000xf32, #tpu.memory_space<vmem_shared>> -> memref<632xf32, #tpu.memory_space<vmem_shared>>
          tpu.wait_dma2 semaphore(%run_scoped3A : memref<!tpu.dma_semaphore, #tpu.memory_space<semaphore_mem>>) src(%dma_wait3A_47 : memref<632xf32, #tpu.memory_space<vmem_shared>>) dst(%arg10 : memref<632xf32, #tpu.memory_space<vmem>>)
          tpu.yield
        }) : () -> ()
        %mul3A_44 = arith.constant 632 : i32
        %mul3A_45 = arith.muli %arg1, %mul3A_44 : i32
        "tpu.region"() ({
          %run_scoped3A = tpu.sem_alloc : memref<!tpu.dma_semaphore, #tpu.memory_space<semaphore_mem>>
          %dma_start3A = tpu.memref_slice %arg7[%mul3A_45] : memref<10000xf32, #tpu.memory_space<hbm>> -> memref<632xf32, #tpu.memory_space<hbm>>
          %dma_start3A_46 = tpu.memref_slice %arg7[%mul3A_45] : memref<10000xf32, #tpu.memory_space<hbm>> -> memref<632xf32, #tpu.memory_space<hbm>>
          tpu.enqueue_dma source(%arg10 : memref<632xf32, #tpu.memory_space<vmem>>) target(%dma_start3A_46 : memref<632xf32, #tpu.memory_space<hbm>>) target_semaphore(%run_scoped3A : memref<!tpu.dma_semaphore, #tpu.memory_space<semaphore_mem>>)
          %dma_wait3A = tpu.memref_slice %arg7[%mul3A_45] : memref<10000xf32, #tpu.memory_space<hbm>> -> memref<632xf32, #tpu.memory_space<hbm>>
          %dma_wait3A_47 = tpu.memref_slice %arg7[%mul3A_45] : memref<10000xf32, #tpu.memory_space<hbm>> -> memref<632xf32, #tpu.memory_space<hbm>>
          tpu.wait_dma2 semaphore(%run_scoped3A : memref<!tpu.dma_semaphore, #tpu.memory_space<semaphore_mem>>) src(%arg10 : memref<632xf32, #tpu.memory_space<vmem>>) dst(%dma_wait3A_47 : memref<632xf32, #tpu.memory_space<hbm>>)
          tpu.yield
        }) : () -> ()
      } else {
      }
      %eq3A_38 = arith.constant 15 : i32
      %eq3A_39 = arith.cmpi eq, %arg1, %eq3A_38 : i32
      %convert_element_type3A_40 = arith.extui %eq3A_39 : i1 to i32
      %cond3A_41 = arith.constant 0 : i32
      %cond3A_42 = arith.cmpi ne, %convert_element_type3A_40, %cond3A_41 : i32
      scf.if %cond3A_42 {
        "tpu.region"() ({
          %run_scoped3A = tpu.sem_alloc : memref<!tpu.dma_semaphore, #tpu.memory_space<semaphore_mem>>
          %dma_start3A = arith.constant 0 : i32
          %dma_start3A_43 = tpu.memref_slice %arg10[%dma_start3A] : memref<632xf32, #tpu.memory_space<vmem>> -> memref<520xf32, #tpu.memory_space<vmem>>
          %dma_start3A_44 = arith.constant 9480 : i32
          %dma_start3A_45 = tpu.memref_slice %arg11[%dma_start3A_44] : memref<10000xf32, #tpu.memory_space<vmem_shared>> -> memref<520xf32, #tpu.memory_space<vmem_shared>>
          %dma_start3A_46 = arith.constant 0 : i32
          %dma_start3A_47 = tpu.memref_slice %arg10[%dma_start3A_46] : memref<632xf32, #tpu.memory_space<vmem>> -> memref<520xf32, #tpu.memory_space<vmem>>
          %dma_start3A_48 = arith.constant 9480 : i32
          %dma_start3A_49 = tpu.memref_slice %arg11[%dma_start3A_48] : memref<10000xf32, #tpu.memory_space<vmem_shared>> -> memref<520xf32, #tpu.memory_space<vmem_shared>>
          tpu.enqueue_dma source(%dma_start3A_49 : memref<520xf32, #tpu.memory_space<vmem_shared>>) target(%dma_start3A_47 : memref<520xf32, #tpu.memory_space<vmem>>) target_semaphore(%run_scoped3A : memref<!tpu.dma_semaphore, #tpu.memory_space<semaphore_mem>>)
          %dma_wait3A = arith.constant 0 : i32
          %dma_wait3A_50 = tpu.memref_slice %arg10[%dma_wait3A] : memref<632xf32, #tpu.memory_space<vmem>> -> memref<520xf32, #tpu.memory_space<vmem>>
          %dma_wait3A_51 = arith.constant 9480 : i32
          %dma_wait3A_52 = tpu.memref_slice %arg11[%dma_wait3A_51] : memref<10000xf32, #tpu.memory_space<vmem_shared>> -> memref<520xf32, #tpu.memory_space<vmem_shared>>
          %dma_wait3A_53 = arith.constant 0 : i32
          %dma_wait3A_54 = tpu.memref_slice %arg10[%dma_wait3A_53] : memref<632xf32, #tpu.memory_space<vmem>> -> memref<520xf32, #tpu.memory_space<vmem>>
          %dma_wait3A_55 = arith.constant 9480 : i32
          %dma_wait3A_56 = tpu.memref_slice %arg11[%dma_wait3A_55] : memref<10000xf32, #tpu.memory_space<vmem_shared>> -> memref<520xf32, #tpu.memory_space<vmem_shared>>
          tpu.wait_dma2 semaphore(%run_scoped3A : memref<!tpu.dma_semaphore, #tpu.memory_space<semaphore_mem>>) src(%dma_wait3A_56 : memref<520xf32, #tpu.memory_space<vmem_shared>>) dst(%dma_wait3A_54 : memref<520xf32, #tpu.memory_space<vmem>>)
          tpu.yield
        }) : () -> ()
        "tpu.region"() ({
          %run_scoped3A = tpu.sem_alloc : memref<!tpu.dma_semaphore, #tpu.memory_space<semaphore_mem>>
          %dma_start3A = arith.constant 0 : i32
          %dma_start3A_43 = tpu.memref_slice %arg10[%dma_start3A] : memref<632xf32, #tpu.memory_space<vmem>> -> memref<520xf32, #tpu.memory_space<vmem>>
          %dma_start3A_44 = arith.constant 9480 : i32
          %dma_start3A_45 = tpu.memref_slice %arg7[%dma_start3A_44] : memref<10000xf32, #tpu.memory_space<hbm>> -> memref<520xf32, #tpu.memory_space<hbm>>
          %dma_start3A_46 = arith.constant 9480 : i32
          %dma_start3A_47 = tpu.memref_slice %arg7[%dma_start3A_46] : memref<10000xf32, #tpu.memory_space<hbm>> -> memref<520xf32, #tpu.memory_space<hbm>>
          %dma_start3A_48 = arith.constant 0 : i32
          %dma_start3A_49 = tpu.memref_slice %arg10[%dma_start3A_48] : memref<632xf32, #tpu.memory_space<vmem>> -> memref<520xf32, #tpu.memory_space<vmem>>
          tpu.enqueue_dma source(%dma_start3A_49 : memref<520xf32, #tpu.memory_space<vmem>>) target(%dma_start3A_47 : memref<520xf32, #tpu.memory_space<hbm>>) target_semaphore(%run_scoped3A : memref<!tpu.dma_semaphore, #tpu.memory_space<semaphore_mem>>)
          %dma_wait3A = arith.constant 0 : i32
          %dma_wait3A_50 = tpu.memref_slice %arg10[%dma_wait3A] : memref<632xf32, #tpu.memory_space<vmem>> -> memref<520xf32, #tpu.memory_space<vmem>>
          %dma_wait3A_51 = arith.constant 9480 : i32
          %dma_wait3A_52 = tpu.memref_slice %arg7[%dma_wait3A_51] : memref<10000xf32, #tpu.memory_space<hbm>> -> memref<520xf32, #tpu.memory_space<hbm>>
          %dma_wait3A_53 = arith.constant 9480 : i32
          %dma_wait3A_54 = tpu.memref_slice %arg7[%dma_wait3A_53] : memref<10000xf32, #tpu.memory_space<hbm>> -> memref<520xf32, #tpu.memory_space<hbm>>
          %dma_wait3A_55 = arith.constant 0 : i32
          %dma_wait3A_56 = tpu.memref_slice %arg10[%dma_wait3A_55] : memref<632xf32, #tpu.memory_space<vmem>> -> memref<520xf32, #tpu.memory_space<vmem>>
          tpu.wait_dma2 semaphore(%run_scoped3A : memref<!tpu.dma_semaphore, #tpu.memory_space<semaphore_mem>>) src(%dma_wait3A_56 : memref<520xf32, #tpu.memory_space<vmem>>) dst(%dma_wait3A_54 : memref<520xf32, #tpu.memory_space<hbm>>)
          tpu.yield
        }) : () -> ()
      } else {
      }
    } else {
    }
    return
  }
}

module attributes {stable_mosaic.version = 14 : i64} {
  func.func @_norm_body(%arg0: i32, %arg1: memref<1000x256xf32, #tpu.memory_space<vmem>>, %arg2: memref<1000x1xf32, #tpu.memory_space<vmem>>, %arg3: memref<1000x1xf32, #tpu.memory_space<vmem>>, %arg4: memref<1000x128xf32, #tpu.memory_space<vmem>>, %arg5: memref<1000x128xf32, #tpu.memory_space<vmem>>, %arg6: memref<1000x1xf32, #tpu.memory_space<vmem>>) attributes {dimension_semantics = [#tpu.dimension_semantics<arbitrary>], iteration_bounds = array<i64: 10>, scalar_prefetch = 0 : i64, scratch_operands = 0 : i64, tpu.core_type = #tpu.core_type<tc>, window_params = [{transform_indices = @transform_0, window_bounds = array<i64: 1000, 256>}, {transform_indices = @transform_1, window_bounds = array<i64: 1000, 1>}, {transform_indices = @transform_2, window_bounds = array<i64: 1000, 1>}, {transform_indices = @transform_3, window_bounds = array<i64: 1000, 128>}, {transform_indices = @transform_4, window_bounds = array<i64: 1000, 128>}, {transform_indices = @transform_5, window_bounds = array<i64: 1000, 1>}]} {
    %get3A = arith.constant 0 : index
    %get3A_0 = arith.constant 0 : index
    %get3A_1 = vector.load %arg2[%get3A, %get3A_0] : memref<1000x1xf32, #tpu.memory_space<vmem>>, vector<1000x1xf32>
    %max3A = arith.constant 1.000000e+00 : f32
    %max3A_2 = vector.broadcast %max3A : f32 to vector<1000x1xf32>
    %max3A_3 = arith.maximumf %get3A_1, %max3A_2 : vector<1000x1xf32>
    %rsqrt3A = math.rsqrt %max3A_3 : vector<1000x1xf32>
    %get3A_4 = arith.constant 0 : index
    %get3A_5 = arith.constant 0 : index
    %get3A_6 = vector.load %arg1[%get3A_4, %get3A_5] : memref<1000x256xf32, #tpu.memory_space<vmem>>, vector<1000x256xf32>
    %mul3A = vector.broadcast %rsqrt3A : vector<1000x1xf32> to vector<1000x256xf32>
    %mul3A_7 = arith.mulf %get3A_6, %mul3A : vector<1000x256xf32>
    %slice3A = vector.extract_strided_slice %mul3A_7 {offsets = [0, 0], sizes = [1000, 128], strides = [1, 1]} : vector<1000x256xf32> to vector<1000x128xf32>
    %swap3A = arith.constant 0 : index
    %swap3A_8 = arith.constant 0 : index
    %swap3A_9 = vector.load %arg4[%swap3A, %swap3A_8] : memref<1000x128xf32, #tpu.memory_space<vmem>>, vector<1000x128xf32>
    tpu.vector_store %arg4[%swap3A, %swap3A_8], %slice3A {strides = array<i32>} : memref<1000x128xf32, #tpu.memory_space<vmem>>, vector<1000x128xf32>,
    %slice3A_10 = vector.extract_strided_slice %mul3A_7 {offsets = [0, 128], sizes = [1000, 128], strides = [1, 1]} : vector<1000x256xf32> to vector<1000x128xf32>
    %swap3A_11 = arith.constant 0 : index
    %swap3A_12 = arith.constant 0 : index
    %swap3A_13 = vector.load %arg5[%swap3A_11, %swap3A_12] : memref<1000x128xf32, #tpu.memory_space<vmem>>, vector<1000x128xf32>
    tpu.vector_store %arg5[%swap3A_11, %swap3A_12], %slice3A_10 {strides = array<i32>} : memref<1000x128xf32, #tpu.memory_space<vmem>>, vector<1000x128xf32>,
    %get3A_14 = arith.constant 0 : index
    %get3A_15 = arith.constant 0 : index
    %get3A_16 = vector.load %arg3[%get3A_14, %get3A_15] : memref<1000x1xf32, #tpu.memory_space<vmem>>, vector<1000x1xf32>
    %max3A_17 = arith.constant 1.000000e+00 : f32
    %max3A_18 = vector.broadcast %max3A_17 : f32 to vector<1000x1xf32>
    %max3A_19 = arith.maximumf %get3A_16, %max3A_18 : vector<1000x1xf32>
    %rsqrt3A_20 = math.rsqrt %max3A_19 : vector<1000x1xf32>
    %swap3A_21 = arith.constant 0 : index
    %swap3A_22 = arith.constant 0 : index
    %swap3A_23 = vector.load %arg6[%swap3A_21, %swap3A_22] : memref<1000x1xf32, #tpu.memory_space<vmem>>, vector<1000x1xf32>
    tpu.vector_store %arg6[%swap3A_21, %swap3A_22], %rsqrt3A_20 {strides = array<i32>} : memref<1000x1xf32, #tpu.memory_space<vmem>>, vector<1000x1xf32>,
    return
  }
  func.func @transform_0(%arg0: i32) -> (i32, i32) {
    %c0_i32 = arith.constant 0 : i32
    %c0_i32_0 = arith.constant 0 : i32
    return %arg0, %c0_i32 : i32, i32
  }
  func.func @transform_1(%arg0: i32) -> (i32, i32) {
    %c0_i32 = arith.constant 0 : i32
    %c0_i32_0 = arith.constant 0 : i32
    return %arg0, %c0_i32 : i32, i32
  }
  func.func @transform_2(%arg0: i32) -> (i32, i32) {
    %c0_i32 = arith.constant 0 : i32
    %c0_i32_0 = arith.constant 0 : i32
    return %arg0, %c0_i32 : i32, i32
  }
  func.func @transform_3(%arg0: i32) -> (i32, i32) {
    %c0_i32 = arith.constant 0 : i32
    %c0_i32_0 = arith.constant 0 : i32
    return %arg0, %c0_i32 : i32, i32
  }
  func.func @transform_4(%arg0: i32) -> (i32, i32) {
    %c0_i32 = arith.constant 0 : i32
    %c0_i32_0 = arith.constant 0 : i32
    return %arg0, %c0_i32 : i32, i32
  }
  func.func @transform_5(%arg0: i32) -> (i32, i32) {
    %c0_i32 = arith.constant 0 : i32
    %c0_i32_0 = arith.constant 0 : i32
    return %arg0, %c0_i32 : i32, i32
  }
}

module attributes {stable_mosaic.version = 14 : i64} {
  func.func @_mm_body(%arg0: i32, %arg1: memref<1000x128xf32, #tpu.memory_space<vmem>>, %arg2: memref<1000x128xf32, #tpu.memory_space<vmem>>, %arg3: memref<1000x1xf32, #tpu.memory_space<vmem>>, %arg4: memref<256x256xf32, #tpu.memory_space<vmem>>, %arg5: memref<1x256xf32, #tpu.memory_space<vmem>>, %arg6: memref<1000x256xf32, #tpu.memory_space<vmem>>) attributes {dimension_semantics = [#tpu.dimension_semantics<arbitrary>], iteration_bounds = array<i64: 10>, scalar_prefetch = 0 : i64, scratch_operands = 0 : i64, tpu.core_type = #tpu.core_type<tc>, window_params = [{transform_indices = @transform_0, window_bounds = array<i64: 1000, 128>}, {transform_indices = @transform_1, window_bounds = array<i64: 1000, 128>}, {transform_indices = @transform_2, window_bounds = array<i64: 1000, 1>}, {pipeline_mode = #tpu.pipeline_mode<synchronous>, transform_indices = @transform_3, window_bounds = array<i64: 256, 256>}, {pipeline_mode = #tpu.pipeline_mode<synchronous>, transform_indices = @transform_4, window_bounds = array<i64: 1, 256>}, {transform_indices = @transform_5, window_bounds = array<i64: 1000, 256>}]} {
    %get3A = arith.constant 0 : index
    %get3A_0 = arith.constant 0 : index
    %get3A_1 = vector.load %arg4[%get3A, %get3A_0] : memref<256x256xf32, #tpu.memory_space<vmem>>, vector<256x256xf32>
    %get3A_2 = arith.constant 0 : index
    %get3A_3 = arith.constant 0 : index
    %get3A_4 = vector.load %arg1[%get3A_2, %get3A_3] : memref<1000x128xf32, #tpu.memory_space<vmem>>, vector<1000x128xf32>
    %slice3A = vector.extract_strided_slice %get3A_1 {offsets = [0, 0], sizes = [128, 256], strides = [1, 1]} : vector<256x256xf32> to vector<128x256xf32>
    %dot_general3A = arith.constant dense<0.000000e+00> : vector<1000x256xf32>
    %dot_general3A_5 = tpu.matmul %get3A_4, %slice3A, %dot_general3A {dimension_numbers = #tpu.dot_dimension_numbers<[1], [0], [0], [1], [0, 0, 1, 1], [], []>, transpose_lhs_hint = false} : vector<1000x128xf32>, vector<128x256xf32>, vector<1000x256xf32> -> vector<1000x256xf32>
    %get3A_6 = arith.constant 0 : index
    %get3A_7 = arith.constant 0 : index
    %get3A_8 = vector.load %arg2[%get3A_6, %get3A_7] : memref<1000x128xf32, #tpu.memory_space<vmem>>, vector<1000x128xf32>
    %slice3A_9 = vector.extract_strided_slice %get3A_1 {offsets = [128, 0], sizes = [128, 256], strides = [1, 1]} : vector<256x256xf32> to vector<128x256xf32>
    %dot_general3A_10 = arith.constant dense<0.000000e+00> : vector<1000x256xf32>
    %dot_general3A_11 = tpu.matmul %get3A_8, %slice3A_9, %dot_general3A_10 {dimension_numbers = #tpu.dot_dimension_numbers<[1], [0], [0], [1], [0, 0, 1, 1], [], []>, transpose_lhs_hint = false} : vector<1000x128xf32>, vector<128x256xf32>, vector<1000x256xf32> -> vector<1000x256xf32>
    %add3A = arith.addf %dot_general3A_5, %dot_general3A_11 : vector<1000x256xf32>
    %get3A_12 = arith.constant 0 : index
    %get3A_13 = arith.constant 0 : index
    %get3A_14 = vector.load %arg3[%get3A_12, %get3A_13] : memref<1000x1xf32, #tpu.memory_space<vmem>>, vector<1000x1xf32>
    %mul3A = vector.broadcast %get3A_14 : vector<1000x1xf32> to vector<1000x256xf32>
    %mul3A_15 = arith.mulf %add3A, %mul3A : vector<1000x256xf32>
    %get3A_16 = arith.constant 0 : index
    %get3A_17 = arith.constant 0 : index
    %get3A_18 = vector.load %arg5[%get3A_16, %get3A_17] : memref<1x256xf32, #tpu.memory_space<vmem>>, vector<1x256xf32>
    %add3A_19 = vector.broadcast %get3A_18 : vector<1x256xf32> to vector<1000x256xf32>
    %add3A_20 = arith.addf %mul3A_15, %add3A_19 : vector<1000x256xf32>
    %swap3A = arith.constant 0 : index
    %swap3A_21 = arith.constant 0 : index
    %swap3A_22 = vector.load %arg6[%swap3A, %swap3A_21] : memref<1000x256xf32, #tpu.memory_space<vmem>>, vector<1000x256xf32>
    tpu.vector_store %arg6[%swap3A, %swap3A_21], %add3A_20 {strides = array<i32>} : memref<1000x256xf32, #tpu.memory_space<vmem>>, vector<1000x256xf32>,
    return
  }
  func.func @transform_0(%arg0: i32) -> (i32, i32) {
    %c0_i32 = arith.constant 0 : i32
    %c0_i32_0 = arith.constant 0 : i32
    return %arg0, %c0_i32 : i32, i32
  }
  func.func @transform_1(%arg0: i32) -> (i32, i32) {
    %c0_i32 = arith.constant 0 : i32
    %c0_i32_0 = arith.constant 0 : i32
    return %arg0, %c0_i32 : i32, i32
  }
  func.func @transform_2(%arg0: i32) -> (i32, i32) {
    %c0_i32 = arith.constant 0 : i32
    %c0_i32_0 = arith.constant 0 : i32
    return %arg0, %c0_i32 : i32, i32
  }
  func.func @transform_3(%arg0: i32) -> (i32, i32) {
    %c0_i32 = arith.constant 0 : i32
    %c0_i32_0 = arith.constant 0 : i32
    %c0_i32_1 = arith.constant 0 : i32
    return %c0_i32, %c0_i32_0 : i32, i32
  }
  func.func @transform_4(%arg0: i32) -> (i32, i32) {
    %c0_i32 = arith.constant 0 : i32
    %c0_i32_0 = arith.constant 0 : i32
    %c0_i32_1 = arith.constant 0 : i32
    return %c0_i32, %c0_i32_0 : i32, i32
  }
  func.func @transform_5(%arg0: i32) -> (i32, i32) {
    %c0_i32 = arith.constant 0 : i32
    %c0_i32_0 = arith.constant 0 : i32
    return %arg0, %c0_i32 : i32, i32
  }
}

</mosaic_0001>

<sc_bundles>
// kernel: _run.5.cloned.1.call-start
scs
__scs_entry_jumppad:
0x0: {  	(pc) =	sbr.rel $0x88, $3  }
0x1: {  	(tag) =	ssettag $0x0;
	lr =	simm.s32 $0x1  }
0x2: {  	[smem:$0x3F9D] =	sst lr;
	_ =	strace $0xD0000000  }
0x3: {  	_ = 	snop  }
0x4: {  	_ = 	snop  }
0x5: {  	_ = 	snop  }
0x6: {  	_ = 	snop  }
0x7: {  	_ = 	snop  }
__scs_overlays_trampoline_lowered:
0x8: {  	[smem:$0x3FAC] =	sst s0  }
0x9: {  	[smem:$0x3FAD] =	sst s1  }
0xa: {  	[smem:$0x3FAE] =	sst s2  }
0xb: {  	[smem:$0x3FAF] =	sst s3  }
0xc: {  	[smem:$0x3FB0] =	sst s4  }
0xd: {  	[smem:$0x3FB1] =	sst s5  }
0xe: {  	[smem:$0x3FB2] =	sst s6  }
0xf: {  	[smem:$0x3FB3] =	sst s7  }
0x10: {  	[smem:$0x3FB4] =	sst s8  }
0x11: {  	[smem:$0x3FB5] =	sst s9;
	s0 =	simm.s32 @!p0 $0x0  }
0x12: {  	s1 =	sld [smem:$0x3F9B];
	s0 =	simm.s32 @p0 $0x1  }
0x13: {  	[smem:$0x3FB6] =	sst s0;
	s0 =	simm.s32 @!p1 $0x0  }
0x14: {  	s2 =	sld [smem:$0x3F9A];
	s0 =	simm.s32 @p1 $0x1  }
0x15: {  	[smem:$0x3FB7] =	sst s0;
	s0 =	simm.s32 @!p2 $0x0  }
0x16: {  	s3 =	sld [smem:$0x3FDB];
	s0 =	simm.s32 @p2 $0x1  }
0x17: {  	s4 =	simm.s32 $0x1BF5;
	[smem:$0x3FB9] =	sst s0  }
0x18: {  	s0 =	sld [smem:$0x3F9C];
	_ =	swait.ge [sflag:s4], $0x0  }
0x19: {  	s7 =	sld [smem:$0x3F9D]  }
0x1a: {  	s8 =	sadd.s32 $0xFFFFE003, lr  }
0x1b: {  	s9 =	sadd.s32 $0xFFFFFEF7, lr;
	s5 =	simm.s32 $0xFFFFFFFF;
	p2 =	slt.u32 s8, $0xFFFFF086  }
0x1c: {  	p1 =	slt.u32 s9, $0xF7A;
	s5 =	simm.s32 @!p2 $0x0  }
0x1d: {  	s5 =	simm.s32 @p1 $0x1;
	p0 =	seq.s32 s7, s2  }
0x1e: {  	s7 =	smul.u32 @!p0 $0xF7A, s2;
	p2 =	seq.s32 @!p0 s5, $0x0  }
0x1f: {  	s9 =	smul.u32 $0xF7A, s1;
	s8 =	simm.s32 @!p0 $0x1BF5;
	p2 =	por !p2, p0  }
0x20: {  	[sflag:s8] =	ssyncset.s32 @!p0 $0xFFFFF086;
	s6 =	sadd.s32 @!p0 s3, s7;
	s7 =	simm.s32 @!p0 $0x108  }
0x21: {  	s3 =	sadd.s32 s3, s9;
	s6 =	sadd.s32 @!p0 $0x88, s6;
	s7 =	simm.s32 @p2 $0x1082  }
0x22: {  	[simem:s7], [sflag:s8] =	dma.local @!p0 [hbm:s6], $0xF7A  }
0x23: {  	s9 =	sor.u32 $0xD0000000, s2;
	s6 =	simm.s32 $0x108;
	_ =	swait.ge @!p0 [sflag:s8], $0x0  }
0x24: {  	s3 =	sadd.s32 $0x88, s3;
	s6 =	simm.s32 @!p1 $0x1082;
	[sflag:s4] =	ssyncset.s32 $0xFFFFF086  }
0x25: {  	[simem:s6], [sflag:s4] =	dma.local [hbm:s3], $0xF7A  }
0x26: {  	[smem:$0x3F9D] =	sst s1;
	(tag) =	ssettag s2;
	_ =	strace s9  }
0x27: {  	s1 =	sld [smem:$0x3FAD]  }
0x28: {  	s2 =	sld [smem:$0x3FAE]  }
0x29: {  	s4 =	sld [smem:$0x3FB0]  }
0x2a: {  	p0 =	seq.s32 s5, $0x0;
	s5 =	sld [smem:$0x3FB1]  }
0x2b: {  	s6 =	sld [smem:$0x3FB2]  }
0x2c: {  	s7 =	sld [smem:$0x3FB3]  }
0x2d: {  	s3 =	simm.s32 $0x108;
	s8 =	sld [smem:$0x3FB4]  }
0x2e: {  	s3 =	simm.s32 @!p0 $0x1082;
	s9 =	sld [smem:$0x3FB5]  }
0x2f: {  	lr =	sadd.s32 s0, s3;
	s0 =	sld [smem:$0x3FAC]  }
0x30: {  	s3 =	sld [smem:$0x3FAF]  }
0x31: {  	[smem:$0x3FB8] =	sst s10  }
0x32: {  	s10 =	sld [smem:$0x3FB6];
	_ =	sdelay $0x3  }
0x33: {  	p0 =	seq.s32 s10, $0x1;
	s10 =	sld [smem:$0x3FB8];
	_ =	sdelay $0x3  }
0x34: {  	[smem:$0x3FB8] =	sst s10  }
0x35: {  	s10 =	sld [smem:$0x3FB7];
	_ =	sdelay $0x3  }
0x36: {  	p1 =	seq.s32 s10, $0x1;
	s10 =	sld [smem:$0x3FB8];
	_ =	sdelay $0x3  }
0x37: {  	[smem:$0x3FB8] =	sst s10  }
0x38: {  	s10 =	sld [smem:$0x3FB9]  }
0x39: {  	_ = 	snop;
	(pc) =	sbr.ind lr, $3  }
0x3a: {  	_ = 	snop  }
0x3b: {  	_ = 	snop  }
0x3c: {  	p2 =	seq.s32 s10, $0x1;
	s10 =	sld [smem:$0x3FB8]  }
0x3d: {  	_ =	shalt  }
0x3e: {  	_ =	shalt  }
0x3f: {  	_ =	shalt  }
0x40: {  	_ =	shalt  }
0x41: {  	_ =	shalt  }
0x42: {  	_ =	shalt  }
0x43: {  	_ =	shalt  }
0x44: {  	_ =	shalt  }
0x45: {  	_ =	shalt  }
0x46: {  	_ =	shalt  }
0x47: {  	_ =	shalt  }
0x48: {  	_ =	shalt  }
0x49: {  	_ =	shalt  }
0x4a: {  	_ =	shalt  }
0x4b: {  	_ =	shalt  }
0x4c: {  	_ =	shalt  }
0x4d: {  	_ =	shalt  }
0x4e: {  	_ =	shalt  }
0x4f: {  	_ =	shalt  }
0x50: {  	_ =	shalt  }
0x51: {  	_ =	shalt  }
0x52: {  	_ =	shalt  }
0x53: {  	_ =	shalt  }
0x54: {  	_ =	shalt  }
0x55: {  	_ =	shalt  }
0x56: {  	_ =	shalt  }
0x57: {  	_ =	shalt  }
0x58: {  	_ =	shalt  }
0x59: {  	_ =	shalt  }
0x5a: {  	_ =	shalt  }
0x5b: {  	_ =	shalt  }
0x5c: {  	_ =	shalt  }
0x5d: {  	_ =	shalt  }
0x5e: {  	_ =	shalt  }
0x5f: {  	_ =	shalt  }
0x60: {  	_ =	shalt  }
0x61: {  	_ =	shalt  }
0x62: {  	_ =	shalt  }
0x63: {  	_ =	shalt  }
0x64: {  	_ =	shalt  }
0x65: {  	_ =	shalt  }
0x66: {  	_ =	shalt  }
0x67: {  	_ =	shalt  }
0x68: {  	_ =	shalt  }
0x69: {  	_ =	shalt  }
0x6a: {  	_ =	shalt  }
0x6b: {  	_ =	shalt  }
0x6c: {  	_ =	shalt  }
0x6d: {  	_ =	shalt  }
0x6e: {  	_ =	shalt  }
0x6f: {  	_ =	shalt  }
0x70: {  	_ =	shalt  }
0x71: {  	_ =	shalt  }
0x72: {  	_ =	shalt  }
0x73: {  	_ =	shalt  }
0x74: {  	_ =	shalt  }
0x75: {  	_ =	shalt  }
0x76: {  	_ =	shalt  }
0x77: {  	_ =	shalt  }
0x78: {  	_ =	shalt  }
0x79: {  	_ =	shalt  }
0x7a: {  	_ =	shalt  }
0x7b: {  	_ =	shalt  }
0x7c: {  	_ =	shalt  }
0x7d: {  	_ =	shalt  }
0x7e: {  	_ =	shalt  }
0x7f: {  	_ =	shalt  }
0x80: {  	_ =	shalt  }
0x81: {  	_ =	shalt  }
0x82: {  	_ =	shalt  }
0x83: {  	_ =	shalt  }
0x84: {  	_ =	shalt  }
0x85: {  	_ =	shalt  }
0x86: {  	_ =	shalt  }
0x87: {  	_ =	shalt  }
.Lfunc_end0:
.L_simem_size_0:
called_computation_lowered:
.L_overlay_start_0:
0x88: {  	s2 =	sld [smem:$0x3FD9]  }
0x89: {  	s3 =	sld [smem:$0x3FFE];
	_ =	sdelay $0x1  }
0x8a: {  	s1 =	srdreg.scid  }
0x8b: {  	s0 =	sand.u32 $0x1, s1  }
0x8c: {  	s17 =	sshll.u32 s0, $0xA;
	s2 =	sadd.s32 s3, s2  }
0x8d: {  	s2 =	sadd.s32 s2, s17  }
0x8e: {  	[smem:$0x3FC4] =	sst s2  }
0x8f: {  	_ = 	snop  }
0x90: {  	s2 =	sld [smem:$0x3FD0];
	(tm) =	ssettm $0x1  }
0x91: {  	s18 =	sld [smem:$0x3FFB];
	_ =	sdelay $0x3  }
0x92: {  	_ =	strace s18  }
0x93: {  	s3 =	sld [smem:$0x3FFC];
	_ =	sdelay $0x3  }
0x94: {  	_ =	strace s3  }
0x95: {  	s3 =	sld [smem:$0x3FFD];
	_ =	sdelay $0x3  }
0x96: {  	_ =	strace s3  }
0x97: {  	_ =	strace $0x8FFFFFFF  }
0x98: {  	s19 =	sld [smem:$0x3FDB];
	_ =	sdelay $0x1  }
0x99: {  	s4 =	simm.s32 $_scs_section_size  }
0x9a: {  	s5 =	simm.s32 $_size__tile_overlayer_lowered;
	s6 =	simm.s32 $_tile_overlayer_lowered  }
0x9b: {  	s22 =	simm.s32 $0x1BFF;
	s21 =	sshll.u32 s6, $0x1;
	s3 =	sadd.s32 s4, s19  }
0x9c: {  	s7 =	simm.s32 $0x0;
	s20 =	sshll.u32 s5, $0x1;
	s5 =	sadd.s32 s21, s3  }
0x9d: {  	[timem:s7], [sflag:s22] =	dma.local [hbm:s5], s20  }
0x9e: {  	_ =	swait.ge [sflag:s22], s20  }
0x9f: {  	s4 =	ssub.s32 $0x0, s20;
	[sflag:s22] =	ssyncset.done $0x0  }
0xa0: {  	[sflag:s22] =	ssyncadd.s32 s4;
	_ =	sdelay $0x1  }
0xa1: {  	s23 =	simm.s32 $0x1B8B  }
0xa2: {  	_ =	swait.ge [sflag:s23], $0x1  }
0xa3: {  	[sflag:s23] =	ssyncset.done $0x0  }
0xa4: {  	s25 =	simm.s32 $0x1B8E;
	s24 =	sld [smem:$0x3FFE];
	[sflag:s23] =	ssyncadd.s32 $0xFFFFFFFF  }
0xa5: {  	s26 =	simm.s32 $execute0_lowered;
	[smem:$0x3FD2] =	sst s25  }
0xa6: {  	s5 =	sshll.u32 s26, $0x1;
	_ =	strace $0x80000046;
	[dreg:$0x1] =	wrdreg $0xFFFFFFFF  }
0xa7: {  	s28 =	simm.s32 $_size_execute0_lowered;
	s3 =	sadd.s32 s3, s5;
	[dreg:$0x0] =	wrdreg $0x0  }
0xa8: {  	s5 =	sshll.u32 s28, $0x1;
	[dreg:$0x2] =	wrdreg s3  }
0xa9: {  	[dreg:$0x3] =	wrdreg s5  }
0xaa: {  	[dreg:$0x4] =	wrdreg $0xC0  }
0xab: {  	_ =	task [dreg:s7], $0x5FFFF  }
0xac: {  	[dreg:$0x1] =	wrdreg $0xFFFFFFFF  }
0xad: {  	[dreg:$0x0] =	wrdreg $0x60  }
0xae: {  	[dreg:$0x2] =	wrdreg s24  }
0xaf: {  	[dreg:$0x3] =	wrdreg s2  }
0xb0: {  	[dreg:$0x4] =	wrdreg $0x43000  }
0xb1: {  	[dreg:$0x5] =	wrdreg $0x9  }
0xb2: {  	_ =	task.clear_ibuf [dreg:s7], $0x6FFFF;
	_ =	strace $0x90000046  }
0xb3: {  	s29 =	simm.s32 $0x9;
	_ =	strace $0x80000048  }
0xb4: {  	_ =	swait.ge [sflag:s29], $0x1  }
0xb5: {  	[sflag:s29] =	ssyncadd.s32 $0xFFFFFFFF  }
0xb6: {  	_ =	strace $0x90000048  }
0xb7: {  	_ =	sfence  }
0xb8: {  	s30 =	sld [smem:$0x0];
	_ =	sdelay $0x2  }
0xb9: {  	s31 =	sshll.u32 s1, $0xD;
	s1 =	sshrl.u32 s1, $0x2  }
0xba: {  	s3 =	sand.u32 $0x4000, s31;
	s1 =	sadd.s32 s1, s30  }
0xbb: {  	s0 =	sor.u32 s3, s0;
	s1 =	sshll.u32 s1, $0x11  }
0xbc: {  	s0 =	sor.u32 s1, s0  }
0xbd: {  	s0 =	sadd.s32 $0x8F2B, s0  }
0xbe: {  	[sflag:s0] =	ssyncadd.remote.s32 $0x1  }
0xbf: {  	_ =	sfence.sel $0xFFFF  }
0xc0: {  	[dreg:$0x0] =	wrdreg $0xFFFFFFFF;
	(pc) =	sbr.abs _section_cstart, $3  }
0xc1: {  	[dreg:$0x1] =	wrdreg $0xFFFFFFFF  }
0xc2: {  	_ =	task.clear_ibuf [dreg:s7], $0x2FFFF;
	_ =	strace $0x9FFFFFFF  }
0xc3: {  	(tm) =	ssettm $0x7FFFFFFF  }
tec
execute0_lowered:
.L_overlay_start_1:
0x0: {  	(tag) =	ssettag $0x1  }
0x1: {  	s13 =	rddreg [dreg:$0x0]  }
0x2: {  	s12 =	rddreg [dreg:$0x1]  }
0x3: {  	s2 =	rddreg [dreg:$0x2]  }
0x4: {  	s0 =	rddreg [dreg:$0x3];
	s3 =	simm.s32 $0x0  }
0x5: {  	s1 =	stileid.u32;
	s4 =	srdreg.scid;
	s16 =	simm.s32 $0x9800  }
0x6: {  	s18 =	simm.s32 $0x50;
	s19 =	simm.s32 $0x0;
	[smem:$0x7FF] =	sst s3  }
0x7: {  	s8 =	smul.u32 $0x278, s1;
	s17 =	sand.u32 $0x1, s4;
	s4 =	sadd.s32 $0x11A00, s13  }
0x8: {  	s7 =	smul.u32 $0x9E0, s1;
	s5 =	sadd.s32 $0x11800, s13;
	s15 =	sshll.u32 s1, $0xB  }
0x9: {  	_ =	strace $0x80000047;
	s6 =	ssub.s32 $0x2, s17;
	p0 =	seq.s32 s17, $0x0  }
0xa: {  	p4 =	sne.s32 s17, $0x0;
	s17 =	simm.s32 $0x4000;
	s11 =	sshrl.u32 s8, $0x3  }
0xb: {  	s9 =	sshrl.u32 s6, $0x1;
	s31 =	sshrl.u32 s7, $0x2;
	s7 =	sadd.s32 $0x2508, s2  }
0xc: {  	s8 =	sadd.s32 s8, s2;
	s16 =	simm.s32 @!p0 $0x1800;
	p0 =	seq.s32 s1, $0xF  }
0xd: {  	p2 =	seq.s32 @p4 s1, $0xF;
	p5 =	seq.s32 @!p4 s1, $0xF;
	s10 =	sadd.s32 s11, s13  }
0xe: {  	s14 =	ssub.s32 s6, s9;
	s6 =	sadd.s32 s31, s2;
	s11 =	sadd.s32 s12, s11  }
0xf: {  	s12 =	sadd.s32 $0x4A1, s12;
	s16 =	sadd.s32 s16, s13;
	p1 =	por !p2, !p4  }
0x10: {  	p2 =	por p2, !p4;
	p3 =	por !p5, p4;
	p4 =	por p5, p4  }
0x11: {  	s9 =	sadd.s32 $0x11C00, s10;
	s10 =	sadd.s32 $0x120A1, s13;
	s13 =	smax.u32 s14, $0x1  }
0x12: {  	s14 =	sadd.s32 s16, s15;
	s15 =	simm.s32 $0x4080;
	s16 =	simm.s32 $0x1  }
.LBB2_1:
0x13: {  	[tilespmem:s15], [sflag:$0x1] =	stream.linear.gather [hbm4b:s4+s3], $0x280, $0x38;
	[tilespmem:$0x4578] =	vst v63  }
0x14: {  	_ =	swait.ge [sflag:s16], $0x280  }
0x15: {  	[sflag:s16] =	ssyncset.done $0x0  }
0x16: {  	s20 =	simm.s32 @p0 $0x4080;
	[sflag:s16] =	ssyncadd.s32 $0xFFFFFD80  }
0x17: {  	[spmem:s7] =	stream.linear.scatter @p0 [tilespmem:s20], [sflag:$0x1], $0x208, $0x38;
	[tilespmem:$0x4578] =	vst v63  }
0x18: {  	s20 =	simm.s32 @p0 $0x1  }
0x19: {  	_ =	swait.ge @p0 [sflag:s20], $0x208  }
0x1a: {  	[sflag:s20] =	ssyncset.done @p0 $0x0  }
0x1b: {  	[sflag:s20] =	ssyncadd.s32 @p0 $0xFFFFFDF8;
	s20 =	simm.s32 @!p0 $0x4080  }
0x1c: {  	[spmem:s6] =	stream.linear.scatter @!p0 [tilespmem:s20], [sflag:$0x1], $0x278, $0x38;
	[tilespmem:$0x4578] =	vst v63  }
0x1d: {  	s20 =	simm.s32 @!p0 $0x1  }
0x1e: {  	_ =	swait.ge @!p0 [sflag:s20], $0x278  }
0x1f: {  	[sflag:s20] =	ssyncset.done @!p0 $0x0  }
0x20: {  	[sflag:s20] =	ssyncadd.s32 @!p0 $0xFFFFFD88  }
0x21: {  	[tilespmem:s17], [sflag:$0x1] =	stream.linear.gather [hbm4b:s5+s3], $0x80, $0x38;
	[tilespmem:$0x4578] =	vst v63  }
0x22: {  	_ =	swait.ge [sflag:s16], $0x80  }
0x23: {  	[sflag:s16] =	ssyncset.done $0x0  }
0x24: {  	[sflag:s16] =	ssyncadd.s32 $0xFFFFFF80  }
0x25: {  	[tilespmem:s3], [sflag:$0x1] =	stream.linear.gather [hbm4b:s14+s3], $0x3E80, $0x38;
	[tilespmem:$0x4578] =	vst v63  }
0x26: {  	_ =	swait.ge [sflag:s16], $0x3E80  }
0x27: {  	[sflag:s16] =	ssyncset.done $0x0  }
0x28: {  	[sflag:s16] =	ssyncadd.s32 $0xFFFFC180  }
0x29: {  	s31 =	simm.s32 $0x0;
	[bflag:$0x0] =	sbarrier.arrive $0xFFFF  }
0x2a: {  	[spmem:s2] =	stream.indirect.scatter.add.f32 [tilespmem:s17], [sflag:$0x1], $0x1, s31, s18, $0xb8;
	[tilespmem:$0x4578] =	vst v63  }
0x2b: {  	_ =	swait.ge [sflag:s16], $0x50  }
0x2c: {  	s20 =	simm.s32 $0x200;
	[sflag:s16] =	ssyncset.done $0x0  }
.LBB2_2:
0x2d: {  	s21 =	sshra.s32 s20, $0x2;
	[sflag:s16] =	ssyncadd.s32 $0xFFFFFFB0;
	p5 =	sne.s32 s20, $0xF800  }
0x2e: {  	[spmem:s2] =	stream.indirect.scatter.add.f32 [tilespmem:s17], [sflag:$0x1], $0x1, s21, s18, $0xb8;
	[tilespmem:$0x4578] =	vst v63  }
.Ltmp0:
0x2f: {  	_ = 	snop;
	(pc) =	sbr.rel @p5 .LBB2_2-.Ltmp0, $4  }
0x30: {  	_ = 	snop  }
0x31: {  	s20 =	sadd.s32 $0x200, s20  }
0x32: {  	_ =	swait.ge [sflag:s16], $0x50  }
0x33: {  	[sflag:s16] =	ssyncset.done $0x0  }
0x34: {  	[sflag:s16] =	ssyncadd.s32 $0xFFFFFFB0  }
0x35: {  	s20 =	simm.s32 @!p1 $0x4080;
	s21 =	simm.s32 @!p1 $0x1;
	[bflag:$0x0] =	sbarrier.arrive $0xFFFF  }
0x36: {  	[tilespmem:s20], [sflag:$0x1] =	stream.linear.gather @!p1 [spmem:s7], $0x208, $0x38;
	[tilespmem:$0x4578] =	vst v63  }
0x37: {  	_ =	swait.ge @!p1 [sflag:s21], $0x208  }
0x38: {  	[sflag:s21] =	ssyncset.done @!p1 $0x0  }
0x39: {  	s22 =	simm.s32 @!p1 $0x0;
	[sflag:s21] =	ssyncadd.s32 @!p1 $0xFFFFFDF8  }
0x3a: {  	[hbm4b:s10+s22] =	stream.linear.scatter @!p1 [tilespmem:s20], [sflag:$0x1], $0x208, $0x38;
	[tilespmem:$0x4578] =	vst v63  }
0x3b: {  	_ =	swait.ge @!p1 [sflag:s21], $0x208  }
0x3c: {  	[sflag:s21] =	ssyncset.done @!p1 $0x0  }
0x3d: {  	s20 =	simm.s32 @!p2 $0x4080;
	[sflag:s21] =	ssyncadd.s32 @!p1 $0xFFFFFDF8;
	s21 =	simm.s32 @!p2 $0x1  }
0x3e: {  	[tilespmem:s20], [sflag:$0x1] =	stream.linear.gather @!p2 [spmem:s8], $0x278, $0x38;
	[tilespmem:$0x4578] =	vst v63  }
0x3f: {  	_ =	swait.ge @!p2 [sflag:s21], $0x278  }
0x40: {  	[sflag:s21] =	ssyncset.done @!p2 $0x0  }
0x41: {  	s22 =	simm.s32 @!p2 $0x0;
	[sflag:s21] =	ssyncadd.s32 @!p2 $0xFFFFFD88  }
0x42: {  	[hbm4b:s9+s22] =	stream.linear.scatter @!p2 [tilespmem:s20], [sflag:$0x1], $0x278, $0x38;
	[tilespmem:$0x4578] =	vst v63  }
0x43: {  	_ =	swait.ge @!p2 [sflag:s21], $0x278  }
0x44: {  	[sflag:s21] =	ssyncset.done @!p2 $0x0  }
0x45: {  	s20 =	simm.s32 @!p3 $0x4080;
	[sflag:s21] =	ssyncadd.s32 @!p2 $0xFFFFFD88;
	s21 =	simm.s32 @!p3 $0x1  }
0x46: {  	[tilespmem:s20], [sflag:$0x1] =	stream.linear.gather @!p3 [spmem:s7], $0x208, $0x38;
	[tilespmem:$0x4578] =	vst v63  }
0x47: {  	_ =	swait.ge @!p3 [sflag:s21], $0x208  }
0x48: {  	[sflag:s21] =	ssyncset.done @!p3 $0x0  }
0x49: {  	s22 =	simm.s32 @!p3 $0x0;
	[sflag:s21] =	ssyncadd.s32 @!p3 $0xFFFFFDF8  }
0x4a: {  	[hbm4b:s12+s22] =	stream.linear.scatter @!p3 [tilespmem:s20], [sflag:$0x1], $0x208, $0x38;
	[tilespmem:$0x4578] =	vst v63  }
0x4b: {  	_ =	swait.ge @!p3 [sflag:s21], $0x208  }
0x4c: {  	[sflag:s21] =	ssyncset.done @!p3 $0x0  }
0x4d: {  	s20 =	simm.s32 @!p4 $0x4080;
	[sflag:s21] =	ssyncadd.s32 @!p3 $0xFFFFFDF8;
	s21 =	simm.s32 @!p4 $0x1  }
0x4e: {  	[tilespmem:s20], [sflag:$0x1] =	stream.linear.gather @!p4 [spmem:s8], $0x278, $0x38;
	[tilespmem:$0x4578] =	vst v63  }
0x4f: {  	s19 =	sadd.s32 $0x1, s19;
	_ =	swait.ge @!p4 [sflag:s21], $0x278  }
0x50: {  	p5 =	sne.s32 s19, s13;
	[sflag:s21] =	ssyncset.done @!p4 $0x0  }
.Ltmp1:
0x51: {  	s22 =	simm.s32 @!p4 $0x0;
	[sflag:s21] =	ssyncadd.s32 @!p4 $0xFFFFFD88;
	(pc) =	sbr.rel @p5 .LBB2_1-.Ltmp1, $4  }
0x52: {  	[hbm4b:s11+s22] =	stream.linear.scatter @!p4 [tilespmem:s20], [sflag:$0x1], $0x278, $0x38;
	[tilespmem:$0x4578] =	vst v63  }
0x53: {  	_ =	swait.ge @!p4 [sflag:s21], $0x278  }
0x54: {  	[sflag:s21] =	ssyncset.done @!p4 $0x0  }
0x55: {  	[sflag:s21] =	ssyncadd.s32 @!p4 $0xFFFFFD88  }
0x56: {  	_ =	sfence.sel $0x180000  }
0x57: {  	[bflag:$0x0] =	sbarrier.arrive $0xFFFF  }
0x58: {  	p0 =	sne.s32 s1, $0x0;
	_ =	strace $0x90000047  }
0x59: {  	s0 =	sadd.s32 @!p0 $0x100000, s0;
	[bflag:$0x2] =	sbarrier.arrive $0xFFFF  }
0x5a: {  	[sflag:s0] =	ssyncadd.tile.s32 @!p0 $0x1;
	_ =	shalt  }
.Lfunc_end2:
_tile_overlayer_lowered:
.L_overlay_start_2:
0x5b: {  	(tag) =	ssettag $0x2  }
0x5c: {  	s0 =	rddreg [dreg:$0x0];
	s2 =	stileid.u32  }
0x5d: {  	s1 =	rddreg [dreg:$0x1];
	p0 =	sne.s32 s2, $0x0  }
0x5e: {  	s3 =	rddreg [dreg:$0x2];
	[bflag:$0x3] =	sbarrier.arrive $0xFFFF;
	s2 =	simm.s32 @!p0 $0x1C01  }
0x5f: {  	[timem:s3], [sflag:s2] =	dma.local @!p0 [hbm:s0], s1  }
0x60: {  	s0 =	simm.s32 @!p0 $0x1  }
0x61: {  	_ =	swait.ge @!p0 [sflag:s0], s1  }
0x62: {  	s1 =	ssub.s32 @!p0 $0x0, s1;
	[sflag:s0] =	ssyncset.done @!p0 $0x0  }
0x63: {  	[sflag:s0] =	ssyncadd.s32 @!p0 s1  }
0x64: {  	[bflag:$0x3] =	sbarrier.arrive $0xFFFF  }
0x65: {  	_ =	shalt  }

// kernel: agg_scatter.3.cloned.1.call-start
scs
__scs_entry_jumppad:
0x0: {  	(pc) =	sbr.rel $0x88, $3  }
0x1: {  	(tag) =	ssettag $0x0;
	lr =	simm.s32 $0x1  }
0x2: {  	[smem:$0x3F9D] =	sst lr;
	_ =	strace $0xD0000000  }
0x3: {  	_ = 	snop  }
0x4: {  	_ = 	snop  }
0x5: {  	_ = 	snop  }
0x6: {  	_ = 	snop  }
0x7: {  	_ = 	snop  }
__scs_overlays_trampoline_lowered:
0x8: {  	[smem:$0x3FAC] =	sst s0  }
0x9: {  	[smem:$0x3FAD] =	sst s1  }
0xa: {  	[smem:$0x3FAE] =	sst s2  }
0xb: {  	[smem:$0x3FAF] =	sst s3  }
0xc: {  	[smem:$0x3FB0] =	sst s4  }
0xd: {  	[smem:$0x3FB1] =	sst s5  }
0xe: {  	[smem:$0x3FB2] =	sst s6  }
0xf: {  	[smem:$0x3FB3] =	sst s7  }
0x10: {  	[smem:$0x3FB4] =	sst s8  }
0x11: {  	[smem:$0x3FB5] =	sst s9;
	s0 =	simm.s32 @!p0 $0x0  }
0x12: {  	s1 =	sld [smem:$0x3F9B];
	s0 =	simm.s32 @p0 $0x1  }
0x13: {  	[smem:$0x3FB6] =	sst s0;
	s0 =	simm.s32 @!p1 $0x0  }
0x14: {  	s2 =	sld [smem:$0x3F9A];
	s0 =	simm.s32 @p1 $0x1  }
0x15: {  	[smem:$0x3FB7] =	sst s0;
	s0 =	simm.s32 @!p2 $0x0  }
0x16: {  	s3 =	sld [smem:$0x3FDB];
	s0 =	simm.s32 @p2 $0x1  }
0x17: {  	s4 =	simm.s32 $0x1BF5;
	[smem:$0x3FB9] =	sst s0  }
0x18: {  	s0 =	sld [smem:$0x3F9C];
	_ =	swait.ge [sflag:s4], $0x0  }
0x19: {  	s7 =	sld [smem:$0x3F9D]  }
0x1a: {  	s8 =	sadd.s32 $0xFFFFE003, lr  }
0x1b: {  	s9 =	sadd.s32 $0xFFFFFEF7, lr;
	s5 =	simm.s32 $0xFFFFFFFF;
	p2 =	slt.u32 s8, $0xFFFFF086  }
0x1c: {  	p1 =	slt.u32 s9, $0xF7A;
	s5 =	simm.s32 @!p2 $0x0  }
0x1d: {  	s5 =	simm.s32 @p1 $0x1;
	p0 =	seq.s32 s7, s2  }
0x1e: {  	s7 =	smul.u32 @!p0 $0xF7A, s2;
	p2 =	seq.s32 @!p0 s5, $0x0  }
0x1f: {  	s9 =	smul.u32 $0xF7A, s1;
	s8 =	simm.s32 @!p0 $0x1BF5;
	p2 =	por !p2, p0  }
0x20: {  	[sflag:s8] =	ssyncset.s32 @!p0 $0xFFFFF086;
	s6 =	sadd.s32 @!p0 s3, s7;
	s7 =	simm.s32 @!p0 $0x108  }
0x21: {  	s3 =	sadd.s32 s3, s9;
	s6 =	sadd.s32 @!p0 $0x88, s6;
	s7 =	simm.s32 @p2 $0x1082  }
0x22: {  	[simem:s7], [sflag:s8] =	dma.local @!p0 [hbm:s6], $0xF7A  }
0x23: {  	s9 =	sor.u32 $0xD0000000, s2;
	s6 =	simm.s32 $0x108;
	_ =	swait.ge @!p0 [sflag:s8], $0x0  }
0x24: {  	s3 =	sadd.s32 $0x88, s3;
	s6 =	simm.s32 @!p1 $0x1082;
	[sflag:s4] =	ssyncset.s32 $0xFFFFF086  }
0x25: {  	[simem:s6], [sflag:s4] =	dma.local [hbm:s3], $0xF7A  }
0x26: {  	[smem:$0x3F9D] =	sst s1;
	(tag) =	ssettag s2;
	_ =	strace s9  }
0x27: {  	s1 =	sld [smem:$0x3FAD]  }
0x28: {  	s2 =	sld [smem:$0x3FAE]  }
0x29: {  	s4 =	sld [smem:$0x3FB0]  }
0x2a: {  	p0 =	seq.s32 s5, $0x0;
	s5 =	sld [smem:$0x3FB1]  }
0x2b: {  	s6 =	sld [smem:$0x3FB2]  }
0x2c: {  	s7 =	sld [smem:$0x3FB3]  }
0x2d: {  	s3 =	simm.s32 $0x108;
	s8 =	sld [smem:$0x3FB4]  }
0x2e: {  	s3 =	simm.s32 @!p0 $0x1082;
	s9 =	sld [smem:$0x3FB5]  }
0x2f: {  	lr =	sadd.s32 s0, s3;
	s0 =	sld [smem:$0x3FAC]  }
0x30: {  	s3 =	sld [smem:$0x3FAF]  }
0x31: {  	[smem:$0x3FB8] =	sst s10  }
0x32: {  	s10 =	sld [smem:$0x3FB6];
	_ =	sdelay $0x3  }
0x33: {  	p0 =	seq.s32 s10, $0x1;
	s10 =	sld [smem:$0x3FB8];
	_ =	sdelay $0x3  }
0x34: {  	[smem:$0x3FB8] =	sst s10  }
0x35: {  	s10 =	sld [smem:$0x3FB7];
	_ =	sdelay $0x3  }
0x36: {  	p1 =	seq.s32 s10, $0x1;
	s10 =	sld [smem:$0x3FB8];
	_ =	sdelay $0x3  }
0x37: {  	[smem:$0x3FB8] =	sst s10  }
0x38: {  	s10 =	sld [smem:$0x3FB9]  }
0x39: {  	_ = 	snop;
	(pc) =	sbr.ind lr, $3  }
0x3a: {  	_ = 	snop  }
0x3b: {  	_ = 	snop  }
0x3c: {  	p2 =	seq.s32 s10, $0x1;
	s10 =	sld [smem:$0x3FB8]  }
0x3d: {  	_ =	shalt  }
0x3e: {  	_ =	shalt  }
0x3f: {  	_ =	shalt  }
0x40: {  	_ =	shalt  }
0x41: {  	_ =	shalt  }
0x42: {  	_ =	shalt  }
0x43: {  	_ =	shalt  }
0x44: {  	_ =	shalt  }
0x45: {  	_ =	shalt  }
0x46: {  	_ =	shalt  }
0x47: {  	_ =	shalt  }
0x48: {  	_ =	shalt  }
0x49: {  	_ =	shalt  }
0x4a: {  	_ =	shalt  }
0x4b: {  	_ =	shalt  }
0x4c: {  	_ =	shalt  }
0x4d: {  	_ =	shalt  }
0x4e: {  	_ =	shalt  }
0x4f: {  	_ =	shalt  }
0x50: {  	_ =	shalt  }
0x51: {  	_ =	shalt  }
0x52: {  	_ =	shalt  }
0x53: {  	_ =	shalt  }
0x54: {  	_ =	shalt  }
0x55: {  	_ =	shalt  }
0x56: {  	_ =	shalt  }
0x57: {  	_ =	shalt  }
0x58: {  	_ =	shalt  }
0x59: {  	_ =	shalt  }
0x5a: {  	_ =	shalt  }
0x5b: {  	_ =	shalt  }
0x5c: {  	_ =	shalt  }
0x5d: {  	_ =	shalt  }
0x5e: {  	_ =	shalt  }
0x5f: {  	_ =	shalt  }
0x60: {  	_ =	shalt  }
0x61: {  	_ =	shalt  }
0x62: {  	_ =	shalt  }
0x63: {  	_ =	shalt  }
0x64: {  	_ =	shalt  }
0x65: {  	_ =	shalt  }
0x66: {  	_ =	shalt  }
0x67: {  	_ =	shalt  }
0x68: {  	_ =	shalt  }
0x69: {  	_ =	shalt  }
0x6a: {  	_ =	shalt  }
0x6b: {  	_ =	shalt  }
0x6c: {  	_ =	shalt  }
0x6d: {  	_ =	shalt  }
0x6e: {  	_ =	shalt  }
0x6f: {  	_ =	shalt  }
0x70: {  	_ =	shalt  }
0x71: {  	_ =	shalt  }
0x72: {  	_ =	shalt  }
0x73: {  	_ =	shalt  }
0x74: {  	_ =	shalt  }
0x75: {  	_ =	shalt  }
0x76: {  	_ =	shalt  }
0x77: {  	_ =	shalt  }
0x78: {  	_ =	shalt  }
0x79: {  	_ =	shalt  }
0x7a: {  	_ =	shalt  }
0x7b: {  	_ =	shalt  }
0x7c: {  	_ =	shalt  }
0x7d: {  	_ =	shalt  }
0x7e: {  	_ =	shalt  }
0x7f: {  	_ =	shalt  }
0x80: {  	_ =	shalt  }
0x81: {  	_ =	shalt  }
0x82: {  	_ =	shalt  }
0x83: {  	_ =	shalt  }
0x84: {  	_ =	shalt  }
0x85: {  	_ =	shalt  }
0x86: {  	_ =	shalt  }
0x87: {  	_ =	shalt  }
.Lfunc_end0:
.L_simem_size_0:
called_computation.1_lowered:
.L_overlay_start_0:
0x88: {  	s2 =	sld [smem:$0x3FD9]  }
0x89: {  	s3 =	sld [smem:$0x3FFE];
	_ =	sdelay $0x1  }
0x8a: {  	s1 =	srdreg.scid  }
0x8b: {  	s0 =	sand.u32 $0x1, s1  }
0x8c: {  	s17 =	sshll.u32 s0, $0xA;
	s2 =	sadd.s32 s3, s2  }
0x8d: {  	s2 =	sadd.s32 s2, s17  }
0x8e: {  	[smem:$0x3FC4] =	sst s2  }
0x8f: {  	_ = 	snop  }
0x90: {  	s2 =	sld [smem:$0x3FD0];
	(tm) =	ssettm $0x1  }
0x91: {  	s18 =	sld [smem:$0x3FFB];
	_ =	sdelay $0x3  }
0x92: {  	_ =	strace s18  }
0x93: {  	s3 =	sld [smem:$0x3FFC];
	_ =	sdelay $0x3  }
0x94: {  	_ =	strace s3  }
0x95: {  	s3 =	sld [smem:$0x3FFD];
	_ =	sdelay $0x3  }
0x96: {  	_ =	strace s3  }
0x97: {  	_ =	strace $0x8FFFFFFF  }
0x98: {  	s19 =	sld [smem:$0x3FDB];
	_ =	sdelay $0x1  }
0x99: {  	s4 =	simm.s32 $_scs_section_size  }
0x9a: {  	s5 =	simm.s32 $_size__tile_overlayer_lowered;
	s6 =	simm.s32 $_tile_overlayer_lowered  }
0x9b: {  	s22 =	simm.s32 $0x1BFF;
	s21 =	sshll.u32 s6, $0x1;
	s3 =	sadd.s32 s4, s19  }
0x9c: {  	s7 =	simm.s32 $0x0;
	s20 =	sshll.u32 s5, $0x1;
	s5 =	sadd.s32 s21, s3  }
0x9d: {  	[timem:s7], [sflag:s22] =	dma.local [hbm:s5], s20  }
0x9e: {  	_ =	swait.ge [sflag:s22], s20  }
0x9f: {  	s4 =	ssub.s32 $0x0, s20;
	[sflag:s22] =	ssyncset.done $0x0  }
0xa0: {  	[sflag:s22] =	ssyncadd.s32 s4;
	_ =	sdelay $0x1  }
0xa1: {  	s23 =	simm.s32 $0x1B8B  }
0xa2: {  	_ =	swait.ge [sflag:s23], $0x1  }
0xa3: {  	[sflag:s23] =	ssyncset.done $0x0  }
0xa4: {  	s25 =	simm.s32 $0x1B8E;
	s24 =	sld [smem:$0x3FFE];
	[sflag:s23] =	ssyncadd.s32 $0xFFFFFFFF  }
0xa5: {  	s26 =	simm.s32 $execute0_lowered;
	[smem:$0x3FD2] =	sst s25  }
0xa6: {  	s5 =	sshll.u32 s26, $0x1;
	_ =	strace $0x80000049;
	[dreg:$0x1] =	wrdreg $0xFFFFFFFF  }
0xa7: {  	s28 =	simm.s32 $_size_execute0_lowered;
	s3 =	sadd.s32 s3, s5;
	[dreg:$0x0] =	wrdreg $0x0  }
0xa8: {  	s5 =	sshll.u32 s28, $0x1;
	[dreg:$0x2] =	wrdreg s3  }
0xa9: {  	[dreg:$0x3] =	wrdreg s5  }
0xaa: {  	[dreg:$0x4] =	wrdreg $0xC0  }
0xab: {  	_ =	task [dreg:s7], $0x5FFFF  }
0xac: {  	[dreg:$0x1] =	wrdreg $0xFFFFFFFF  }
0xad: {  	[dreg:$0x0] =	wrdreg $0x60  }
0xae: {  	[dreg:$0x2] =	wrdreg s24  }
0xaf: {  	[dreg:$0x3] =	wrdreg s2  }
0xb0: {  	[dreg:$0x4] =	wrdreg $0x150000  }
0xb1: {  	[dreg:$0x5] =	wrdreg $0x9  }
0xb2: {  	_ =	task.clear_ibuf [dreg:s7], $0x6FFFF;
	_ =	strace $0x90000049  }
0xb3: {  	s29 =	simm.s32 $0x9;
	_ =	strace $0x8000004B  }
0xb4: {  	_ =	swait.ge [sflag:s29], $0x1  }
0xb5: {  	[sflag:s29] =	ssyncadd.s32 $0xFFFFFFFF  }
0xb6: {  	_ =	strace $0x9000004B  }
0xb7: {  	_ =	sfence  }
0xb8: {  	s30 =	sld [smem:$0x0];
	_ =	sdelay $0x2  }
0xb9: {  	s31 =	sshll.u32 s1, $0xD;
	s1 =	sshrl.u32 s1, $0x2  }
0xba: {  	s3 =	sand.u32 $0x4000, s31;
	s1 =	sadd.s32 s1, s30  }
0xbb: {  	s0 =	sor.u32 s3, s0;
	s1 =	sshll.u32 s1, $0x11  }
0xbc: {  	s0 =	sor.u32 s1, s0  }
0xbd: {  	s0 =	sadd.s32 $0x8F2B, s0  }
0xbe: {  	[sflag:s0] =	ssyncadd.remote.s32 $0x1  }
0xbf: {  	_ =	sfence.sel $0xFFFF  }
0xc0: {  	[dreg:$0x0] =	wrdreg $0xFFFFFFFF;
	(pc) =	sbr.abs _section_cstart, $3  }
0xc1: {  	[dreg:$0x1] =	wrdreg $0xFFFFFFFF  }
0xc2: {  	_ =	task.clear_ibuf [dreg:s7], $0x2FFFF;
	_ =	strace $0x9FFFFFFF  }
0xc3: {  	(tm) =	ssettm $0x7FFFFFFF  }
tec
execute0_lowered:
.L_overlay_start_1:
0x0: {  	(tag) =	ssettag $0x1  }
0x1: {  	s0 =	rddreg [dreg:$0x0]  }
0x2: {  	s1 =	rddreg [dreg:$0x1]  }
0x3: {  	s3 =	rddreg [dreg:$0x2]  }
0x4: {  	s4 =	simm.s32 $0x0;
	s2 =	stileid.u32;
	s6 =	srdreg.scid  }
0x5: {  	s20 =	simm.s32 $0x3;
	s22 =	simm.s32 $0xA800;
	s23 =	simm.s32 $0x8000  }
0x6: {  	s28 =	simm.s32 $0xD000;
	s31 =	simm.s32 $0x0;
	[smem:$0x7FF] =	sst s4  }
0x7: {  	s5 =	sshll.u32 s2, $0xB;
	s21 =	sand.u32 $0x1, s6;
	s12 =	smul.u32 $0x28000, s2  }
0x8: {  	s6 =	sadd.s32 $0x39000, s0;
	s7 =	sadd.s32 $0x38A00, s0;
	s14 =	smul.u32 $0xA000, s2  }
0x9: {  	s8 =	sadd.s32 $0x3A400, s0;
	s9 =	sadd.s32 $0x61600, s0;
	s25 =	smul.u32 $0x1400, s2  }
0xa: {  	s29 =	sadd.s32 $0x87A80, s0;
	p0 =	seq.s32 s2, $0xF;
	_ =	strace $0x8000004A  }
0xb: {  	s11 =	sadd.s32 s5, s0;
	s5 =	sadd.s32 $0x11800, s0;
	s10 =	ssub.s32 $0x2, s21  }
0xc: {  	[dreg:$0x6] =	wrdreg s29;
	s0 =	sadd.s32 $0x60880, s0;
	p1 =	sne.s32 s21, $0x0  }
0xd: {  	s13 =	sshrl.u32 s10, $0x1;
	s12 =	sshrl.u32 s12, $0x2;
	[dreg:$0x4] =	wrdreg s25  }
0xe: {  	s24 =	sshrl.u32 s14, $0x3;
	[dreg:$0x8] =	wrdreg s0;
	s0 =	sshll.u32 @!p0 s2, $0x6  }
.Ltmp0:
0xf: {  	v0 =	vlaneseq.u32;
	s19 =	ssub.s32 s10, s13;
	s10 =	sadd.s32 $0x9800, s11;
	(pc) =	sbr.rel .LBB2_1-.Ltmp0, $4  }
0x10: {  	v5 =	vmul.u32 $0xFFFFFFFF, v0;
	s11 =	sadd.s32 $0x1800, s11;
	s12 =	sadd.s32 s12, s3;
	s17 =	sadd.s32 $0x13880, s24  }
0x11: {  	s13 =	sadd.s32 $0x96000, s3;
	s25 =	sor.u32 @!p0 $0x1C03, s0;
	s26 =	sadd.s32 s9, s17  }
0x12: {  	v0 =	vimm.s32 $0x0;
	v1 =	vadd.s32 $0x27FF, v5;
	v2 =	vadd.s32 $0x27EF, v5;
	s30 =	sadd.s32 s8, s17;
	s19 =	smax.u32 s19, $0x1;
	[dreg:$0x5] =	wrdreg s26  }
0x13: {  	v3 =	vadd.s32 $0x27DF, v5;
	v4 =	vadd.s32 $0x27CF, v5;
	v5 =	vadd.s32 $0x27BF, v5;
	s24 =	sshrl.u32 @p0 s13, $0x3;
	[dreg:$0x7] =	wrdreg s30;
	s26 =	simm.s32 $0x80  }
.LBB2_22:
0x14: {  	[bflag:$0x0] =	sbarrier.arrive $0xFFFF  }
0x15: {  	s14 =	simm.s32 @p0 $0x1FC3;
	s15 =	rddreg [dreg:$0x6]  }
0x16: {  	[hbm:s15], [sflag:s14] =	dma.local @p0 [spmem:s24], $0xC80  }
0x17: {  	s14 =	simm.s32 @p0 $0x3  }
0x18: {  	_ =	swait.ge @p0 [sflag:s14], $0xC80  }
0x19: {  	[sflag:s14] =	ssyncset.done @p0 $0x0  }
0x1a: {  	[sflag:s14] =	ssyncadd.s32 @p0 $0xFFFFF380;
	s14 =	rddreg [dreg:$0x5]  }
0x1b: {  	[hbm:s14], [sflag:s25] =	dma.local @!p0 [spmem:s0], $0x1400  }
0x1c: {  	s0 =	simm.s32 @!p0 $0x3  }
0x1d: {  	_ =	swait.ge @!p0 [sflag:s0], $0x1400  }
0x1e: {  	[sflag:s0] =	ssyncset.done @!p0 $0x0  }
0x1f: {  	[sflag:s0] =	ssyncadd.s32 @!p0 $0xFFFFEC00  }
.LBB2_23:
0x20: {  	s31 =	sadd.s32 $0x1, s31  }
0x21: {  	p2 =	sne.s32 s31, s19  }
.Ltmp1:
0x22: {  	_ = 	snop;
	(pc) =	sbr.rel @!p2 .LBB2_24-.Ltmp1, $2  }
0x23: {  	_ =	sdelay $0x1  }
0x24: {  	[bflag:$0x0] =	sbarrier.arrive $0xFFFF;
	_ =	sdelay $0x1  }
.LBB2_1:
0x25: {  	[tilespmem:s4], [sflag:$0x3] =	stream.linear.gather [hbm4b:s10+s4], $0x3E80, $0x38;
	[tilespmem:$0x1EC80] =	vst v63  }
0x26: {  	_ =	swait.ge [sflag:s20], $0x3E80  }
0x27: {  	[sflag:s20] =	ssyncset.done $0x0  }
0x28: {  	s0 =	simm.s32 $0x4000;
	[sflag:s20] =	ssyncadd.s32 $0xFFFFC180  }
0x29: {  	[tilespmem:s0], [sflag:$0x3] =	stream.linear.gather [hbm4b:s11+s4], $0x3E80, $0x38;
	[tilespmem:$0x1EC80] =	vst v63  }
0x2a: {  	_ =	swait.ge [sflag:s20], $0x3E80  }
0x2b: {  	[sflag:s20] =	ssyncset.done $0x0  }
0x2c: {  	[sflag:s20] =	ssyncadd.s32 $0xFFFFC180  }
0x2d: {  	[tilespmem:s22], [sflag:$0x3] =	stream.linear.gather [hbm4b:s7+s4], $0x2800, $0x38;
	[tilespmem:$0x1EC80] =	vst v63  }
0x2e: {  	_ =	swait.ge [sflag:s20], $0x2800  }
0x2f: {  	[sflag:s20] =	ssyncset.done $0x0  }
0x30: {  	[sflag:s20] =	ssyncadd.s32 $0xFFFFD800  }
0x31: {  	[tilespmem:s23], [sflag:$0x3] =	stream.linear.gather [hbm4b:s7+s4], $0x2800, $0x38;
	[tilespmem:$0x1EC80] =	vst v63  }
0x32: {  	_ =	swait.ge [sflag:s20], $0x2800  }
0x33: {  	[sflag:s20] =	ssyncset.done $0x0  }
0x34: {  	v6 =	vimm.s32 $0x0;
	v7 =	vimm.s32 $0x0;
	s0 =	simm.s32 $0x0;
	[sflag:s20] =	ssyncadd.s32 $0xFFFFD800  }
.LBB2_2:
0x35: {  	s29 =	sshra.s32 s0, $0x2  }
0x36: {  	v8 =	vld [tilespmem:s29+$0x4000];
	_ =	sdelay $0x4  }
0x37: {  	vm0 =	vlt.s32 v8, $0x1388  }
0x38: {  	v9 =	vsel vm0, $0x1, v0  }
0x39: {  	(xrf0) =	vadd.scan.msk.s32 $0xffff, v9;
	_ =	sdelay $0x5  }
0x3a: {  	v9, _, _ =	vpop (xrf0)  }
0x3b: {  	v10 =	vadd.s32 v9, v7  }
0x3c: {  	v10 =	vadd.s32 $0xFFFFFFFF, v10  }
0x3d: {  	v11 =	vld [tilespmem:s29+$0x0];
	vm1 =	vge.s32 v8, $0x1388;
	v9 =	vsub.s32 v9, v6  }
0x3e: {  	v9 =	vadd.s32 v1, v9;
	_ =	sdelay $0x2  }
0x3f: {  	[tilespmem:v10+s22+$0x0] =	vst.idx.msk vm0, v8  }
0x40: {  	v8 =	vadd.s32 $0xFFFFEC78, v8;
	[tilespmem:v10+s23+$0x0] =	vst.idx.msk vm0, v11  }
0x41: {  	[tilespmem:v9+s22+$0x0] =	vst.idx.msk vm1, v8  }
0x42: {  	[tilespmem:v9+s23+$0x0] =	vst.idx.msk vm1, v11  }
0x43: {  	v8 =	vld [tilespmem:s29+$0x4010];
	_ =	sdelay $0x4  }
0x44: {  	vm8 =	vlt.s32 v8, $0x1388  }
0x45: {  	v40 =	vsel vm8, $0x1, v0  }
0x46: {  	(xrf0) =	vadd.scan.msk.s32 $0xffff, v40;
	_ =	sdelay $0x3  }
0x47: {  	v41 =	vmpcnt.ones.xlane vm0;
	_ =	sdelay $0x1  }
0x48: {  	v7 =	vadd.s32 v7, v41;
	v42, _, _ =	vpop (xrf0)  }
0x49: {  	v43 =	vadd.s32 v42, v7  }
0x4a: {  	v6 =	vsub.s32 v6, v41;
	v44 =	vadd.s32 $0xFFFFFFFF, v43  }
0x4b: {  	v45 =	vld [tilespmem:s29+$0x10];
	vm9 =	vge.s32 v8, $0x1388;
	v10 =	vsub.s32 v42, v6  }
0x4c: {  	v10 =	vadd.s32 v2, v10;
	_ =	sdelay $0x2  }
0x4d: {  	[tilespmem:v44+s22+$0x0] =	vst.idx.msk vm8, v8  }
0x4e: {  	v8 =	vadd.s32 $0xFFFFEC78, v8;
	[tilespmem:v44+s23+$0x0] =	vst.idx.msk vm8, v45  }
0x4f: {  	[tilespmem:v10+s22+$0x0] =	vst.idx.msk vm9, v8  }
0x50: {  	[tilespmem:v10+s23+$0x0] =	vst.idx.msk vm9, v45  }
0x51: {  	v8 =	vld [tilespmem:s29+$0x4020];
	_ =	sdelay $0x4  }
0x52: {  	vm10 =	vlt.s32 v8, $0x1388  }
0x53: {  	v46 =	vsel vm10, $0x1, v0  }
0x54: {  	(xrf0) =	vadd.scan.msk.s32 $0xffff, v46;
	_ =	sdelay $0x3  }
0x55: {  	v47 =	vmpcnt.ones.xlane vm8;
	_ =	sdelay $0x1  }
0x56: {  	v7 =	vadd.s32 v7, v47;
	v48, _, _ =	vpop (xrf0)  }
0x57: {  	v49 =	vadd.s32 v48, v7  }
0x58: {  	v6 =	vsub.s32 v6, v47;
	v50 =	vadd.s32 $0xFFFFFFFF, v49  }
0x59: {  	v51 =	vld [tilespmem:s29+$0x20];
	vm11 =	vge.s32 v8, $0x1388;
	v10 =	vsub.s32 v48, v6  }
0x5a: {  	v10 =	vadd.s32 v3, v10;
	_ =	sdelay $0x2  }
0x5b: {  	[tilespmem:v50+s22+$0x0] =	vst.idx.msk vm10, v8  }
0x5c: {  	v8 =	vadd.s32 $0xFFFFEC78, v8;
	[tilespmem:v50+s23+$0x0] =	vst.idx.msk vm10, v51  }
0x5d: {  	[tilespmem:v10+s22+$0x0] =	vst.idx.msk vm11, v8  }
0x5e: {  	[tilespmem:v10+s23+$0x0] =	vst.idx.msk vm11, v51  }
0x5f: {  	v8 =	vld [tilespmem:s29+$0x4030];
	_ =	sdelay $0x4  }
0x60: {  	vm12 =	vlt.s32 v8, $0x1388  }
0x61: {  	v52 =	vsel vm12, $0x1, v0  }
0x62: {  	(xrf0) =	vadd.scan.msk.s32 $0xffff, v52;
	_ =	sdelay $0x3  }
0x63: {  	v53 =	vmpcnt.ones.xlane vm10;
	_ =	sdelay $0x1  }
0x64: {  	v7 =	vadd.s32 v7, v53;
	v54, _, _ =	vpop (xrf0)  }
0x65: {  	v55 =	vadd.s32 v54, v7  }
0x66: {  	v6 =	vsub.s32 v6, v53;
	v56 =	vadd.s32 $0xFFFFFFFF, v55  }
0x67: {  	v57 =	vld [tilespmem:s29+$0x30];
	vm13 =	vge.s32 v8, $0x1388;
	v10 =	vsub.s32 v54, v6  }
0x68: {  	v10 =	vadd.s32 v4, v10;
	_ =	sdelay $0x2  }
0x69: {  	[tilespmem:v56+s22+$0x0] =	vst.idx.msk vm12, v8  }
0x6a: {  	v8 =	vadd.s32 $0xFFFFEC78, v8;
	[tilespmem:v56+s23+$0x0] =	vst.idx.msk vm12, v57  }
0x6b: {  	[tilespmem:v10+s22+$0x0] =	vst.idx.msk vm13, v8  }
0x6c: {  	[tilespmem:v10+s23+$0x0] =	vst.idx.msk vm13, v57  }
0x6d: {  	v8 =	vld [tilespmem:s29+$0x4040];
	_ =	sdelay $0x4  }
0x6e: {  	vm14 =	vlt.s32 v8, $0x1388  }
0x6f: {  	v58 =	vsel vm14, $0x1, v0  }
0x70: {  	(xrf0) =	vadd.scan.msk.s32 $0xffff, v58;
	_ =	sdelay $0x3  }
0x71: {  	v59 =	vmpcnt.ones.xlane vm12;
	_ =	sdelay $0x1  }
0x72: {  	v7 =	vadd.s32 v7, v59;
	v60, _, _ =	vpop (xrf0)  }
0x73: {  	v61 =	vadd.s32 v60, v7  }
0x74: {  	v6 =	vsub.s32 v6, v59;
	v62 =	vadd.s32 $0xFFFFFFFF, v61  }
0x75: {  	v63 =	vld [tilespmem:s29+$0x40];
	vm15 =	vge.s32 v8, $0x1388;
	v10 =	vsub.s32 v60, v6  }
0x76: {  	v10 =	vadd.s32 v5, v10  }
0x77: {  	p2 =	sne.s32 s0, $0xF800  }
.Ltmp2:
0x78: {  	_ = 	snop;
	(pc) =	sbr.rel @p2 .LBB2_2-.Ltmp2, $4  }
0x79: {  	v12 =	vmpcnt.ones.xlane vm14;
	[tilespmem:v62+s22+$0x0] =	vst.idx.msk vm14, v8  }
0x7a: {  	v8 =	vadd.s32 $0xFFFFEC78, v8;
	[tilespmem:v62+s23+$0x0] =	vst.idx.msk vm14, v63  }
0x7b: {  	v6 =	vsub.s32 v6, v12;
	[tilespmem:v10+s22+$0x0] =	vst.idx.msk vm15, v8  }
0x7c: {  	s0 =	sadd.s32 $0x200, s0;
	v7 =	vadd.s32 v7, v12;
	v6 =	vadd.s32 $0x50, v6;
	[tilespmem:v10+s23+$0x0] =	vst.idx.msk vm15, v63  }
0x7d: {  	v7 =	vxor.u32 $0x80000000, v7  }
0x7e: {  	v6 =	vxor.u32 $0x80000000, v6;
	(xrf0) =	vmax.scan.msk.u32 $0xffff, v7  }
0x7f: {  	(xrf0) =	vmax.scan.msk.u32 $0xffff, v6;
	_ =	sdelay $0x4  }
0x80: {  	v6, _, _ =	vpop (xrf0)  }
0x81: {  	(v2sf) =	vpush v6, $0xF;
	v6, _, _ =	vpop (xrf0)  }
0x82: {  	(v2sf) =	vpush v6, $0xF;
	_ =	sdelay $0xd  }
0x83: {  	s21 =	spop (v2sf)  }
0x84: {  	s0 =	simm.s32 @p0 $0x1FC3;
	s29 =	spop (v2sf)  }
0x85: {  	[spmem:s24], [sflag:s0] =	dma.local @p0 [hbm:s6], $0xD00  }
0x86: {  	s0 =	simm.s32 @p0 $0x3  }
0x87: {  	_ =	swait.ge @p0 [sflag:s0], $0xD00  }
0x88: {  	[sflag:s0] =	ssyncset.done @p0 $0x0  }
0x89: {  	s14 =	simm.s32 @!p0 $0x3;
	[sflag:s0] =	ssyncadd.s32 @p0 $0xFFFFF300;
	s0 =	sshrl.u32 @!p0 s12, $0x3  }
0x8a: {  	[spmem:s0], [sflag:s25] =	dma.local @!p0 [hbm:s6], $0x1400  }
.Ltmp3:
0x8b: {  	_ =	swait.ge @!p0 [sflag:s14], $0x1400;
	(pc) =	sbr.rel @p1 .LBB2_9-.Ltmp3, $4  }
0x8c: {  	[sflag:s14] =	ssyncset.done @!p0 $0x0  }
0x8d: {  	s21 =	sadd.s32 $0x8000007F, s21;
	[sflag:s14] =	ssyncadd.s32 @!p0 $0xFFFFEC00  }
0x8e: {  	s30 =	sshrl.u32 s21, $0x7;
	[bflag:$0x0] =	sbarrier.arrive $0xFFFF  }
0x8f: {  	p2 =	seq.s32 s30, $0x0  }
.Ltmp4:
0x90: {  	(pc) =	sbr.rel @p2 .LBB2_7-.Ltmp4, $1  }
0x91: {  	_ =	sdelay $0x3  }
0x92: {  	[tilespmem:s28], [sflag:$0x1] =	stream.indirect.gather [hbm4b:s1+s26], $0x80, s23, s26, $0xb8;
	[tilespmem:$0x1EC80] =	vst v63  }
0x93: {  	s21 =	simm.s32 $0x0  }
.LBB2_6:
0x94: {  	s14 =	sand.u32 $0x1, s21  }
0x95: {  	p2 =	seq.s32 s14, $0x1  }
0x96: {  	s14 =	sadd.s32 @p2 $0x1, s21  }
0x97: {  	s15 =	simm.s32 @p2 $0x2;
	p3 =	sge.u32 @p2 s14, s30  }
0x98: {  	_ =	swait.ge @p2 [sflag:s15], $0x4000;
	p3 =	por p3, !p2  }
0x99: {  	[sflag:s15] =	ssyncset.done @p2 $0x0;
	s16 =	sshll.u32 @!p3 s14, $0x9  }
0x9a: {  	[sflag:s15] =	ssyncadd.s32 @p2 $0xFFFFC000;
	s15 =	sshra.s32 @!p3 s16, $0x2  }
0x9b: {  	s17 =	simm.s32 @!p3 $0xD000;
	s16 =	simm.s32 @!p3 $0x80;
	s15 =	sadd.s32 @!p3 $0x8000, s15  }
0x9c: {  	[tilespmem:s17], [sflag:$0x1] =	stream.indirect.gather @!p3 [hbm4b:s1+s16], $0x80, s15, s16, $0xb8;
	[tilespmem:$0x1EC80] =	vst v63  }
0x9d: {  	s15 =	sshll.u32 @p2 s21, $0x9  }
0x9e: {  	s15 =	sshra.s32 @p2 s15, $0x2  }
0x9f: {  	s16 =	simm.s32 @p2 $0x80;
	s17 =	simm.s32 @p2 $0x11000;
	s15 =	sadd.s32 @p2 $0xA800, s15  }
0xa0: {  	[spmem:s3] =	stream.indirect.scatter.add.f32 @p2 [tilespmem:s17], [sflag:$0x3], $0x80, s15, s16, $0xb8;
	[tilespmem:$0x1EC80] =	vst v63  }
0xa1: {  	s15 =	simm.s32 @p2 $0x3  }
0xa2: {  	_ =	swait.ge @p2 [sflag:s15], $0x4000  }
0xa3: {  	s16 =	sor.u32 @!p2 $0x1, s21;
	[sflag:s15] =	ssyncset.done @p2 $0x0  }
0xa4: {  	p3 =	sge.u32 @!p2 s16, s30;
	[sflag:s15] =	ssyncadd.s32 @p2 $0xFFFFC000;
	s15 =	simm.s32 @!p2 $0x1  }
0xa5: {  	p3 =	por p3, p2;
	_ =	swait.ge @!p2 [sflag:s15], $0x4000  }
0xa6: {  	s17 =	sshll.u32 @!p3 s16, $0x9;
	[sflag:s15] =	ssyncset.done @!p2 $0x0  }
0xa7: {  	[sflag:s15] =	ssyncadd.s32 @!p2 $0xFFFFC000;
	s15 =	sshra.s32 @!p3 s17, $0x2  }
0xa8: {  	s18 =	simm.s32 @!p3 $0x11000;
	s17 =	simm.s32 @!p3 $0x80;
	s15 =	sadd.s32 @!p3 $0x8000, s15  }
0xa9: {  	[tilespmem:s18], [sflag:$0x2] =	stream.indirect.gather @!p3 [hbm4b:s1+s17], $0x80, s15, s17, $0xb8;
	[tilespmem:$0x1EC80] =	vst v63  }
0xaa: {  	s15 =	sshll.u32 @!p2 s21, $0x9  }
0xab: {  	s16 =	smov.u32 @p2 s14;
	s17 =	simm.s32 @!p2 $0x80;
	s15 =	sshra.s32 @!p2 s15, $0x2  }
0xac: {  	s18 =	simm.s32 @!p2 $0xD000;
	p3 =	sne.s32 s16, s30;
	s15 =	sadd.s32 @!p2 $0xA800, s15  }
0xad: {  	[spmem:s3] =	stream.indirect.scatter.add.f32 @!p2 [tilespmem:s18], [sflag:$0x4], $0x80, s15, s17, $0xb8;
	[tilespmem:$0x1EC80] =	vst v63  }
.Ltmp5:
0xae: {  	_ = 	snop;
	(pc) =	sbr.rel @p3 .LBB2_6-.Ltmp5, $4  }
0xaf: {  	s15 =	simm.s32 @!p2 $0x4  }
0xb0: {  	_ =	swait.ge @!p2 [sflag:s15], $0x4000  }
0xb1: {  	[sflag:s15] =	ssyncset.done @!p2 $0x0  }
0xb2: {  	s21 =	smov.u32 s16;
	[sflag:s15] =	ssyncadd.s32 @!p2 $0xFFFFC000  }
.LBB2_7:
.Ltmp6:
0xb3: {  	(pc) =	sbr.rel @p0 .LBB2_8-.Ltmp6, $3  }
0xb4: {  	_ =	sdelay $0x1  }
0xb5: {  	[bflag:$0x0] =	sbarrier.arrive $0xFFFF  }
0xb6: {  	s21 =	smov.u32 s8  }
.LBB2_13:
0xb7: {  	s14 =	sshll.u32 s2, $0x6;
	s15 =	rddreg [dreg:$0x4]  }
0xb8: {  	s16 =	sshrl.u32 s12, $0x3;
	s15 =	sadd.s32 s21, s15;
	s14 =	sor.u32 $0x1C03, s14  }
0xb9: {  	[hbm:s15], [sflag:s14] =	dma.local [spmem:s16], $0x1400  }
0xba: {  	_ =	swait.ge [sflag:s20], $0x1400  }
0xbb: {  	[sflag:s20] =	ssyncset.done $0x0  }
0xbc: {  	[sflag:s20] =	ssyncadd.s32 $0xFFFFEC00  }
.Ltmp7:
0xbd: {  	[bflag:$0x0] =	sbarrier.arrive $0xFFFF;
	(pc) =	sbr.rel .LBB2_14-.Ltmp7, $4  }
0xbe: {  	[spmem:s16], [sflag:s14] =	dma.local [hbm:s6], $0x1400  }
0xbf: {  	_ =	swait.ge [sflag:s20], $0x1400  }
0xc0: {  	[sflag:s20] =	ssyncset.done $0x0  }
0xc1: {  	[sflag:s20] =	ssyncadd.s32 $0xFFFFEC00  }
.LBB2_9:
.Ltmp8:
0xc2: {  	(pc) =	sbr.rel @p2 .LBB2_12-.Ltmp8, $1  }
0xc3: {  	_ =	sdelay $0x3  }
0xc4: {  	[tilespmem:s28], [sflag:$0x1] =	stream.indirect.gather [hbm4b:s5+s26], $0x80, s23, s26, $0xb8;
	[tilespmem:$0x1EC80] =	vst v63  }
0xc5: {  	s21 =	simm.s32 $0x0  }
.LBB2_11:
0xc6: {  	s14 =	sand.u32 $0x1, s21  }
0xc7: {  	p2 =	seq.s32 s14, $0x1  }
0xc8: {  	s14 =	sadd.s32 @p2 $0x1, s21  }
0xc9: {  	s15 =	simm.s32 @p2 $0x2;
	p3 =	sge.u32 @p2 s14, s30  }
0xca: {  	_ =	swait.ge @p2 [sflag:s15], $0x4000;
	p3 =	por p3, !p2  }
0xcb: {  	[sflag:s15] =	ssyncset.done @p2 $0x0;
	s16 =	sshll.u32 @!p3 s14, $0x9  }
0xcc: {  	[sflag:s15] =	ssyncadd.s32 @p2 $0xFFFFC000;
	s15 =	sshra.s32 @!p3 s16, $0x2  }
0xcd: {  	s17 =	simm.s32 @!p3 $0xD000;
	s16 =	simm.s32 @!p3 $0x80;
	s15 =	sadd.s32 @!p3 $0x8000, s15  }
0xce: {  	[tilespmem:s17], [sflag:$0x1] =	stream.indirect.gather @!p3 [hbm4b:s5+s16], $0x80, s15, s16, $0xb8;
	[tilespmem:$0x1EC80] =	vst v63  }
0xcf: {  	s15 =	sshll.u32 @p2 s21, $0x9  }
0xd0: {  	s15 =	sshra.s32 @p2 s15, $0x2  }
0xd1: {  	s16 =	simm.s32 @p2 $0x80;
	s17 =	simm.s32 @p2 $0x11000;
	s15 =	sadd.s32 @p2 $0xA800, s15  }
0xd2: {  	[spmem:s3] =	stream.indirect.scatter.add.f32 @p2 [tilespmem:s17], [sflag:$0x3], $0x80, s15, s16, $0xb8;
	[tilespmem:$0x1EC80] =	vst v63  }
0xd3: {  	s15 =	simm.s32 @p2 $0x3  }
0xd4: {  	_ =	swait.ge @p2 [sflag:s15], $0x4000  }
0xd5: {  	s16 =	sor.u32 @!p2 $0x1, s21;
	[sflag:s15] =	ssyncset.done @p2 $0x0  }
0xd6: {  	p3 =	sge.u32 @!p2 s16, s30;
	[sflag:s15] =	ssyncadd.s32 @p2 $0xFFFFC000;
	s15 =	simm.s32 @!p2 $0x1  }
0xd7: {  	p3 =	por p3, p2;
	_ =	swait.ge @!p2 [sflag:s15], $0x4000  }
0xd8: {  	s17 =	sshll.u32 @!p3 s16, $0x9;
	[sflag:s15] =	ssyncset.done @!p2 $0x0  }
0xd9: {  	[sflag:s15] =	ssyncadd.s32 @!p2 $0xFFFFC000;
	s15 =	sshra.s32 @!p3 s17, $0x2  }
0xda: {  	s18 =	simm.s32 @!p3 $0x11000;
	s17 =	simm.s32 @!p3 $0x80;
	s15 =	sadd.s32 @!p3 $0x8000, s15  }
0xdb: {  	[tilespmem:s18], [sflag:$0x2] =	stream.indirect.gather @!p3 [hbm4b:s5+s17], $0x80, s15, s17, $0xb8;
	[tilespmem:$0x1EC80] =	vst v63  }
0xdc: {  	s15 =	sshll.u32 @!p2 s21, $0x9  }
0xdd: {  	s16 =	smov.u32 @p2 s14;
	s17 =	simm.s32 @!p2 $0x80;
	s15 =	sshra.s32 @!p2 s15, $0x2  }
0xde: {  	s18 =	simm.s32 @!p2 $0xD000;
	p3 =	sne.s32 s16, s30;
	s15 =	sadd.s32 @!p2 $0xA800, s15  }
0xdf: {  	[spmem:s3] =	stream.indirect.scatter.add.f32 @!p2 [tilespmem:s18], [sflag:$0x4], $0x80, s15, s17, $0xb8;
	[tilespmem:$0x1EC80] =	vst v63  }
.Ltmp9:
0xe0: {  	_ = 	snop;
	(pc) =	sbr.rel @p3 .LBB2_11-.Ltmp9, $4  }
0xe1: {  	s15 =	simm.s32 @!p2 $0x4  }
0xe2: {  	_ =	swait.ge @!p2 [sflag:s15], $0x4000  }
0xe3: {  	[sflag:s15] =	ssyncset.done @!p2 $0x0  }
0xe4: {  	s21 =	smov.u32 s16;
	[sflag:s15] =	ssyncadd.s32 @!p2 $0xFFFFC000  }
.LBB2_12:
.Ltmp10:
0xe5: {  	(pc) =	sbr.rel @!p0 .LBB2_13-.Ltmp10, $3  }
0xe6: {  	_ =	sdelay $0x1  }
0xe7: {  	[bflag:$0x0] =	sbarrier.arrive $0xFFFF  }
0xe8: {  	s21 =	smov.u32 s9  }
.LBB2_8:
0xe9: {  	s14 =	sadd.s32 $0x12C00, s21;
	s15 =	sshrl.u32 s13, $0x3;
	s16 =	simm.s32 $0x1FC3  }
0xea: {  	[hbm:s14], [sflag:s16] =	dma.local [spmem:s15], $0xC80  }
0xeb: {  	_ =	swait.ge [sflag:s20], $0xC80  }
0xec: {  	[sflag:s20] =	ssyncset.done $0x0  }
0xed: {  	s30 =	sshll.u32 s2, $0x6;
	[sflag:s20] =	ssyncadd.s32 $0xFFFFF380  }
0xee: {  	s14 =	sor.u32 $0x1C03, s30;
	[bflag:$0x0] =	sbarrier.arrive $0xFFFF  }
0xef: {  	[spmem:s15], [sflag:s14] =	dma.local [hbm:s6], $0xD00  }
0xf0: {  	_ =	swait.ge [sflag:s20], $0xD00  }
0xf1: {  	[sflag:s20] =	ssyncset.done $0x0  }
0xf2: {  	[sflag:s20] =	ssyncadd.s32 $0xFFFFF300  }
.LBB2_14:
.Ltmp11:
0xf3: {  	(pc) =	sbr.rel @p1 .LBB2_19-.Ltmp11, $4  }
0xf4: {  	_ = 	snop  }
0xf5: {  	s14 =	sadd.s32 $0x8000007F, s29  }
0xf6: {  	[bflag:$0x0] =	sbarrier.arrive $0xFFFF;
	s29 =	sshrl.u32 s14, $0x7  }
0xf7: {  	p2 =	seq.s32 s29, $0x0  }
.Ltmp12:
0xf8: {  	(pc) =	sbr.rel @p2 .LBB2_18-.Ltmp12, $1  }
0xf9: {  	_ =	sdelay $0x3  }
0xfa: {  	s14 =	simm.s32 $0xA780;
	s30 =	simm.s32 $0x0  }
0xfb: {  	[tilespmem:s28], [sflag:$0x1] =	stream.indirect.gather [hbm4b:s1+s26], $0x80, s14, s26, $0xb8;
	[tilespmem:$0x1EC80] =	vst v63  }
.LBB2_17:
0xfc: {  	s14 =	sand.u32 $0x1, s30  }
0xfd: {  	p2 =	seq.s32 s14, $0x1  }
0xfe: {  	s14 =	simm.s32 @p2 $0x2  }
0xff: {  	s15 =	sadd.s32 @p2 $0x1, s30;
	_ =	swait.ge @p2 [sflag:s14], $0x4000  }
0x100: {  	p3 =	sge.u32 @p2 s15, s29;
	[sflag:s14] =	ssyncset.done @p2 $0x0  }
0x101: {  	s16 =	sshll.u32 s30, $0x7;
	p3 =	por p3, !p2;
	[sflag:s14] =	ssyncadd.s32 @p2 $0xFFFFC000  }
0x102: {  	s14 =	ssub.s32 @!p3 $0xA700, s16;
	s17 =	simm.s32 @!p3 $0x80;
	s18 =	simm.s32 @!p3 $0xD000  }
0x103: {  	[tilespmem:s18], [sflag:$0x1] =	stream.indirect.gather @!p3 [hbm4b:s1+s17], $0x80, s14, s17, $0xb8;
	[tilespmem:$0x1EC80] =	vst v63  }
0x104: {  	s14 =	ssub.s32 @p2 $0xCF80, s16;
	s17 =	simm.s32 @p2 $0x80;
	s18 =	simm.s32 @p2 $0x11000  }
0x105: {  	[spmem:s3] =	stream.indirect.scatter.add.f32 @p2 [tilespmem:s18], [sflag:$0x3], $0x80, s14, s17, $0xb8;
	[tilespmem:$0x1EC80] =	vst v63  }
0x106: {  	s14 =	simm.s32 @p2 $0x3  }
0x107: {  	_ =	swait.ge @p2 [sflag:s14], $0x4000  }
0x108: {  	s30 =	sor.u32 @!p2 $0x1, s30;
	[sflag:s14] =	ssyncset.done @p2 $0x0  }
0x109: {  	p3 =	sge.u32 @!p2 s30, s29;
	[sflag:s14] =	ssyncadd.s32 @p2 $0xFFFFC000;
	s14 =	simm.s32 @!p2 $0x1  }
0x10a: {  	p3 =	por p3, p2;
	_ =	swait.ge @!p2 [sflag:s14], $0x4000  }
0x10b: {  	s17 =	simm.s32 @!p3 $0x80;
	[sflag:s14] =	ssyncset.done @!p2 $0x0  }
0x10c: {  	s18 =	simm.s32 @!p3 $0x11000;
	[sflag:s14] =	ssyncadd.s32 @!p2 $0xFFFFC000;
	s14 =	ssub.s32 @!p3 $0xA700, s16  }
0x10d: {  	[tilespmem:s18], [sflag:$0x2] =	stream.indirect.gather @!p3 [hbm4b:s1+s17], $0x80, s14, s17, $0xb8;
	[tilespmem:$0x1EC80] =	vst v63  }
0x10e: {  	s30 =	smov.u32 @p2 s15;
	s14 =	ssub.s32 @!p2 $0xCF80, s16  }
0x10f: {  	s16 =	simm.s32 @!p2 $0x80;
	s17 =	simm.s32 @!p2 $0xD000;
	p3 =	sne.s32 s30, s29  }
0x110: {  	[spmem:s3] =	stream.indirect.scatter.add.f32 @!p2 [tilespmem:s17], [sflag:$0x4], $0x80, s14, s16, $0xb8;
	[tilespmem:$0x1EC80] =	vst v63  }
.Ltmp13:
0x111: {  	_ = 	snop;
	(pc) =	sbr.rel @p3 .LBB2_17-.Ltmp13, $4  }
0x112: {  	s14 =	simm.s32 @!p2 $0x4  }
0x113: {  	_ =	swait.ge @!p2 [sflag:s14], $0x4000  }
0x114: {  	[sflag:s14] =	ssyncset.done @!p2 $0x0  }
0x115: {  	[sflag:s14] =	ssyncadd.s32 @!p2 $0xFFFFC000  }
.LBB2_18:
0x116: {  	[bflag:$0x0] =	sbarrier.arrive $0xFFFF  }
0x117: {  	s14 =	simm.s32 @p0 $0x1FC3;
	s15 =	rddreg [dreg:$0x8]  }
0x118: {  	[hbm:s15], [sflag:s14] =	dma.local @p0 [spmem:s24], $0xC80  }
0x119: {  	s14 =	simm.s32 @p0 $0x3  }
0x11a: {  	_ =	swait.ge @p0 [sflag:s14], $0xC80  }
0x11b: {  	[sflag:s14] =	ssyncset.done @p0 $0x0  }
0x11c: {  	[sflag:s14] =	ssyncadd.s32 @p0 $0xFFFFF380;
	s14 =	rddreg [dreg:$0x7]  }
0x11d: {  	[hbm:s14], [sflag:s25] =	dma.local @!p0 [spmem:s0], $0x1400  }
.Ltmp14:
0x11e: {  	_ = 	snop;
	(pc) =	sbr.rel .LBB2_23-.Ltmp14, $4  }
0x11f: {  	s0 =	simm.s32 @!p0 $0x3  }
0x120: {  	_ =	swait.ge @!p0 [sflag:s0], $0x1400  }
0x121: {  	[sflag:s0] =	ssyncset.done @!p0 $0x0  }
0x122: {  	[sflag:s0] =	ssyncadd.s32 @!p0 $0xFFFFEC00  }
.LBB2_19:
.Ltmp15:
0x123: {  	(pc) =	sbr.rel @p2 .LBB2_22-.Ltmp15, $1  }
0x124: {  	_ =	sdelay $0x3  }
0x125: {  	s14 =	simm.s32 $0xA780;
	s30 =	simm.s32 $0x0  }
0x126: {  	[tilespmem:s28], [sflag:$0x1] =	stream.indirect.gather [hbm4b:s5+s26], $0x80, s14, s26, $0xb8;
	[tilespmem:$0x1EC80] =	vst v63  }
.LBB2_21:
0x127: {  	s14 =	sand.u32 $0x1, s30  }
0x128: {  	p2 =	seq.s32 s14, $0x1  }
0x129: {  	s14 =	simm.s32 @p2 $0x2  }
0x12a: {  	s15 =	sadd.s32 @p2 $0x1, s30;
	_ =	swait.ge @p2 [sflag:s14], $0x4000  }
0x12b: {  	p3 =	sge.u32 @p2 s15, s29;
	[sflag:s14] =	ssyncset.done @p2 $0x0  }
0x12c: {  	s16 =	sshll.u32 s30, $0x7;
	p3 =	por p3, !p2;
	[sflag:s14] =	ssyncadd.s32 @p2 $0xFFFFC000  }
0x12d: {  	s14 =	ssub.s32 @!p3 $0xA700, s16;
	s17 =	simm.s32 @!p3 $0x80;
	s18 =	simm.s32 @!p3 $0xD000  }
0x12e: {  	[tilespmem:s18], [sflag:$0x1] =	stream.indirect.gather @!p3 [hbm4b:s5+s17], $0x80, s14, s17, $0xb8;
	[tilespmem:$0x1EC80] =	vst v63  }
0x12f: {  	s14 =	ssub.s32 @p2 $0xCF80, s16;
	s17 =	simm.s32 @p2 $0x80;
	s18 =	simm.s32 @p2 $0x11000  }
0x130: {  	[spmem:s3] =	stream.indirect.scatter.add.f32 @p2 [tilespmem:s18], [sflag:$0x3], $0x80, s14, s17, $0xb8;
	[tilespmem:$0x1EC80] =	vst v63  }
0x131: {  	s14 =	simm.s32 @p2 $0x3  }
0x132: {  	_ =	swait.ge @p2 [sflag:s14], $0x4000  }
0x133: {  	s30 =	sor.u32 @!p2 $0x1, s30;
	[sflag:s14] =	ssyncset.done @p2 $0x0  }
0x134: {  	p3 =	sge.u32 @!p2 s30, s29;
	[sflag:s14] =	ssyncadd.s32 @p2 $0xFFFFC000;
	s14 =	simm.s32 @!p2 $0x1  }
0x135: {  	p3 =	por p3, p2;
	_ =	swait.ge @!p2 [sflag:s14], $0x4000  }
0x136: {  	s17 =	simm.s32 @!p3 $0x80;
	[sflag:s14] =	ssyncset.done @!p2 $0x0  }
0x137: {  	s18 =	simm.s32 @!p3 $0x11000;
	[sflag:s14] =	ssyncadd.s32 @!p2 $0xFFFFC000;
	s14 =	ssub.s32 @!p3 $0xA700, s16  }
0x138: {  	[tilespmem:s18], [sflag:$0x2] =	stream.indirect.gather @!p3 [hbm4b:s5+s17], $0x80, s14, s17, $0xb8;
	[tilespmem:$0x1EC80] =	vst v63  }
0x139: {  	s30 =	smov.u32 @p2 s15;
	s14 =	ssub.s32 @!p2 $0xCF80, s16  }
0x13a: {  	s16 =	simm.s32 @!p2 $0x80;
	s17 =	simm.s32 @!p2 $0xD000;
	p3 =	sne.s32 s30, s29  }
0x13b: {  	[spmem:s3] =	stream.indirect.scatter.add.f32 @!p2 [tilespmem:s17], [sflag:$0x4], $0x80, s14, s16, $0xb8;
	[tilespmem:$0x1EC80] =	vst v63  }
.Ltmp16:
0x13c: {  	_ = 	snop;
	(pc) =	sbr.rel @p3 .LBB2_21-.Ltmp16, $4  }
0x13d: {  	s14 =	simm.s32 @!p2 $0x4  }
0x13e: {  	_ =	swait.ge @!p2 [sflag:s14], $0x4000  }
0x13f: {  	[sflag:s14] =	ssyncset.done @!p2 $0x0  }
0x140: {  	[sflag:s14] =	ssyncadd.s32 @!p2 $0xFFFFC000  }
.Ltmp17:
0x141: {  	_ = 	snop;
	(pc) =	sbr.rel .LBB2_22-.Ltmp17, $1  }
0x142: {  	_ =	sdelay $0x3  }
.LBB2_24:
0x143: {  	_ =	sfence.sel $0x180000  }
0x144: {  	[bflag:$0x0] =	sbarrier.arrive $0xFFFF  }
0x145: {  	_ =	strace $0x9000004A  }
0x146: {  	[bflag:$0x2] =	sbarrier.arrive $0xFFFF  }
0x147: {  	p0 =	sne.s32 s2, $0x0;
	s0 =	rddreg [dreg:$0x3]  }
0x148: {  	s0 =	sadd.s32 @!p0 $0x100000, s0  }
0x149: {  	[sflag:s0] =	ssyncadd.tile.s32 @!p0 $0x1;
	_ =	shalt  }
.Lfunc_end2:
_tile_overlayer_lowered:
.L_overlay_start_2:
0x14a: {  	(tag) =	ssettag $0x2  }
0x14b: {  	s0 =	rddreg [dreg:$0x0];
	s2 =	stileid.u32  }
0x14c: {  	s1 =	rddreg [dreg:$0x1];
	p0 =	sne.s32 s2, $0x0  }
0x14d: {  	s3 =	rddreg [dreg:$0x2];
	[bflag:$0x3] =	sbarrier.arrive $0xFFFF;
	s2 =	simm.s32 @!p0 $0x1C03  }
0x14e: {  	[timem:s3], [sflag:s2] =	dma.local @!p0 [hbm:s0], s1  }
0x14f: {  	s0 =	simm.s32 @!p0 $0x3  }
0x150: {  	_ =	swait.ge @!p0 [sflag:s0], s1  }
0x151: {  	s1 =	ssub.s32 @!p0 $0x0, s1;
	[sflag:s0] =	ssyncset.done @!p0 $0x0  }
0x152: {  	[sflag:s0] =	ssyncadd.s32 @!p0 s1  }
0x153: {  	[bflag:$0x3] =	sbarrier.arrive $0xFFFF  }
0x154: {  	_ =	shalt  }

</sc_bundles>
